<compile_context>
chip_gen: v7x
topology: tpu7x:2x2x1
jax: 0.10.2.dev20260603
libtpu: 0.0.44.dev20260713+nightly
codegen_flags: <defaults>
</compile_context>

<pallas_src>
import jax
import jax.numpy as jnp
from jax import lax
from jax.experimental import pallas as pl
from jax.experimental.pallas import tpu as pltpu
from jax.experimental.pallas import tpu_sc as plsc

E = 320000
V = 10000
D = 128
DP = D // 2
NC = 2
NS = 16
L = 16
NW = NC * NS
EW = E // NW
CHB = 80
NCHUNK = EW // CHB
NBUF = 5
NGB = CHB // L
PR = 125
VS = V // NS
NPACK = VS // PR


def _body(xu, xr, eli, out, pu, pr_, idxu_v, idxr_v, urows, rrows, pbuf,
          out_all, pin, pout, sem, insem, outsem):
    c = lax.axis_index("c")
    s = lax.axis_index("s")
    wid = s * NC + c
    base_w = wid * EW

    icp0 = pltpu.async_copy(eli.at[0, pl.ds(base_w, EW)], idxu_v, sem.at[0])
    icp1 = pltpu.async_copy(eli.at[1, pl.ds(base_w, EW)], idxr_v, sem.at[1])

    def pack_table(src, dst):
        pltpu.async_copy(src.at[pl.ds(s * VS, PR)], pin.at[0], insem.at[0])

        def pack_step(pi, carry):
            pb = lax.rem(pi, 2)
            r0 = s * VS + pi * PR
            pltpu.make_async_copy(src.at[pl.ds(0, PR)], pin.at[pb],
                                  insem.at[pb]).wait()

            @pl.when(pi + 1 < NPACK)
            def _():
                pltpu.async_copy(src.at[pl.ds(r0 + PR, PR)],
                                 pin.at[1 - pb], insem.at[1 - pb])

            @pl.when(pi >= 1)
            def _():
                pltpu.make_async_copy(pout, dst.at[c, pl.ds(0, PR)],
                                      outsem).wait()

            def prow(i5, rcarry):
                ws = []
                for u in range(5):
                    i = i5 * 5 + u
                    for k in range(DP // L):
                        a = pin[pb, i, pl.ds(k * L, L)]
                        b = pin[pb, i, pl.ds(DP + k * L, L)]
                        ws.append(plsc.pack(
                            a, b, format=plsc.PackFormat.INTERLEAVED))
                for u in range(5):
                    i = i5 * 5 + u
                    for k in range(DP // L):
                        pout[i, pl.ds(k * L, L)] = plsc.bitcast(
                            ws[u * (DP // L) + k], jnp.int32)
                return rcarry
            lax.fori_loop(0, PR // 5, prow, 0, unroll=False)
            pltpu.async_copy(pout, dst.at[c, pl.ds(r0, PR)], outsem)
            return carry
        lax.fori_loop(0, NPACK, pack_step, 0, unroll=False)
        pltpu.make_async_copy(pout, dst.at[c, pl.ds(0, PR)],
                              outsem).wait()

    pack_table(xu, pu)
    pack_table(xr, pr_)
    plsc.subcore_barrier()

    icp0.wait()
    icp1.wait()

    def issue(ci, b):
        pltpu.async_copy(
            pu.at[c].at[idxu_v.at[pl.ds(ci * CHB, CHB)]], urows.at[b],
            sem.at[b])
        pltpu.async_copy(
            pr_.at[c].at[idxr_v.at[pl.ds(ci * CHB, CHB)]], rrows.at[b],
            sem.at[b])

    for b in range(NBUF):
        issue(b, b)

    def chunk_body(ci, carry):
        b = lax.rem(ci, NBUF)
        pltpu.make_async_copy(pu.at[0, pl.ds(0, CHB)], urows.at[b],
                              sem.at[b]).wait()
        pltpu.make_async_copy(pu.at[0, pl.ds(0, CHB)], rrows.at[b],
                              sem.at[b]).wait()

        def group_body(g, gcarry):
            ps = []
            for i in range(L):
                e = g * L + i
                p = None
                for k in range(DP // L):
                    uv = plsc.bitcast(urows[b, e, pl.ds(k * L, L)], jnp.bfloat16)
                    rv = plsc.bitcast(rrows[b, e, pl.ds(k * L, L)], jnp.bfloat16)
                    t = uv * rv
                    p = t if p is None else p + t
                ps.append(p)
            for i in range(L):
                pa, pb = plsc.unpack(ps[i], format=plsc.PackFormat.INTERLEAVED)
                pbuf[pl.ds(i * L, L)] = pa + pb
            ebase = lax.iota(jnp.int32, L) * L
            acc = plsc.load_gather(pbuf, [ebase])
            for j in range(1, L):
                acc = acc + plsc.load_gather(pbuf, [ebase + j])
            out_all[pl.ds(ci * CHB + g * L, L)] = acc
            return gcarry

        lax.fori_loop(0, NGB, group_body, 0, unroll=False)

        @pl.when(ci < NCHUNK - NBUF)
        def _():
            issue(ci + NBUF, b)

        return carry

    lax.fori_loop(0, NCHUNK, chunk_body, 0, unroll=False)
    pltpu.sync_copy(out_all, out.at[pl.ds(base_w, EW)])


@jax.jit
def _run(xu, xr, eli):
    mesh = plsc.VectorSubcoreMesh(
        core_axis_name="c", subcore_axis_name="s", num_cores=NC,
        num_subcores=NS)
    return pl.kernel(
        _body,
        out_type=[
            jax.ShapeDtypeStruct((E,), jnp.float32),
            jax.ShapeDtypeStruct((NC, V, DP), jnp.int32),
            jax.ShapeDtypeStruct((NC, V, DP), jnp.int32),
        ],
        mesh=mesh,
        compiler_params=pltpu.CompilerParams(
            needs_layout_passes=False, use_tc_tiling_on_sc=False),
        scratch_types=[
            pltpu.VMEM((EW,), jnp.int32),
            pltpu.VMEM((EW,), jnp.int32),
            pltpu.VMEM((NBUF, CHB, DP), jnp.int32),
            pltpu.VMEM((NBUF, CHB, DP), jnp.int32),
            pltpu.VMEM((L * L,), jnp.float32),
            pltpu.VMEM((EW,), jnp.float32),
            pltpu.VMEM((2, PR, D), jnp.float32),
            pltpu.VMEM((PR, DP), jnp.int32),
            pltpu.SemaphoreType.DMA((NBUF,)),
            pltpu.SemaphoreType.DMA((2,)),
            pltpu.SemaphoreType.DMA,
        ],
    )(xu, xr, eli)


def kernel(x_user, x_restaurant, edge_label_index):
    out, _, _ = _run(x_user, x_restaurant,
                     edge_label_index.astype(jnp.int32))
    return out

# --- scband reference (transcript-rebuilt; emitter-appended) ---
"""Pipeline reference for scband-classifier-13142599925844 (READ-ONLY COPY).

The authoritative reference and input builder live on the scoring server;
editing this copy changes nothing except your own understanding.
"""

import jax, jax.numpy as jnp
import numpy as np


def setup_inputs(seed: int = 0) -> dict:
    key = jax.random.key(seed)
    k1, k2, k3 = jax.random.split(key, 3)
    x_user = jax.random.normal(k1, (10000, 128), dtype=jnp.float32)
    x_restaurant = jax.random.normal(k2, (10000, 128), dtype=jnp.float32)
    edge_label_index = jax.random.randint(k3, (2, 320000), 0, 10000, dtype=jnp.int64 if jax.config.jax_enable_x64 else jnp.int32)
    return {"x_user": x_user, "x_restaurant": x_restaurant, "edge_label_index": edge_label_index}


def reference(x_user, x_restaurant, edge_label_index):
    # Gather source/destination node embeddings for supervision edges
    edge_feat_user = jnp.take(x_user, edge_label_index[0], axis=0)
    edge_feat_restaurant = jnp.take(x_restaurant, edge_label_index[1], axis=0)
    # Dot product along feature dim -> edge-level predictions
    embeds = (edge_feat_user * edge_feat_restaurant).sum(axis=-1)
    return embeds

if __name__ == "__main__":
    import jax
    _d = setup_inputs()
    print(jax.jit(kernel)(*tuple(_d.values())))

</pallas_src>

<mosaic_0001>
#map = affine_map<(d0, d1) -> (0, 0)>
#map1 = affine_map<(d0, d1) -> (0)>
#map2 = affine_map<(d0, d1) -> (0, 0, 0)>
module attributes {stable_mosaic.version = 14 : i64} {
  func.func @_body(%arg0: i32, %arg1: i32, %arg2: memref<10000x128xf32, #tpu.memory_space<hbm>>, %arg3: memref<10000x128xf32, #tpu.memory_space<hbm>>, %arg4: memref<2x320000xi32, #tpu.memory_space<hbm>>, %arg5: memref<320000xf32, #tpu.memory_space<hbm>>, %arg6: memref<2x10000x64xi32, #tpu.memory_space<hbm>>, %arg7: memref<2x10000x64xi32, #tpu.memory_space<hbm>>, %arg8: memref<10000xi32, #tpu.memory_space<vmem>>, %arg9: memref<10000xi32, #tpu.memory_space<vmem>>, %arg10: memref<5x80x64xi32, #tpu.memory_space<vmem>>, %arg11: memref<5x80x64xi32, #tpu.memory_space<vmem>>, %arg12: memref<256xf32, #tpu.memory_space<vmem>>, %arg13: memref<10000xf32, #tpu.memory_space<vmem>>, %arg14: memref<2x125x128xf32, #tpu.memory_space<vmem>>, %arg15: memref<125x64xi32, #tpu.memory_space<vmem>>, %arg16: memref<5x!tpu.dma_semaphore, #tpu.memory_space<semaphore_mem>>, %arg17: memref<2x!tpu.dma_semaphore, #tpu.memory_space<semaphore_mem>>, %arg18: memref<!tpu.dma_semaphore, #tpu.memory_space<semaphore_mem>>) attributes {dimension_semantics = [#tpu.dimension_semantics<core_parallel>, #tpu.dimension_semantics<subcore_parallel>], iteration_bounds = array<i64: 2, 16>, scalar_prefetch = 0 : i64, scratch_operands = 11 : i64, tpu.core_type = #tpu.core_type<sc_vector_subcore>, window_params = [{transform_indices = #map}, {transform_indices = #map}, {transform_indices = #map}, {transform_indices = #map1}, {transform_indices = #map2}, {transform_indices = #map2}]} {
    %mul3A = arith.constant 2 : i32
    %mul3A_0 = arith.muli %arg1, %mul3A : i32
    %add3A = arith.addi %mul3A_0, %arg0 : i32
    %mul3A_1 = arith.constant 10000 : i32
    %mul3A_2 = arith.muli %add3A, %mul3A_1 : i32
    %dma_start3A = arith.constant 0 : i32
    %dma_start3A_3 = arith.constant 0 : i32
    %dma_start3A_4 = tpu.memref_slice %arg4[%dma_start3A, %mul3A_2] : memref<2x320000xi32, #tpu.memory_space<hbm>> -> memref<1x10000xi32, #tpu.memory_space<hbm>>
    %dma_start3A_5 = tpu.memref_squeeze %dma_start3A_4 : memref<1x10000xi32, #tpu.memory_space<hbm>> -> memref<10000xi32, #tpu.memory_space<hbm>>
    %dma_start3A_6 = tpu.memref_slice %arg16[%dma_start3A_3] : memref<5x!tpu.dma_semaphore, #tpu.memory_space<semaphore_mem>> -> memref<1x!tpu.dma_semaphore, #tpu.memory_space<semaphore_mem>>
    %dma_start3A_7 = tpu.memref_squeeze %dma_start3A_6 : memref<1x!tpu.dma_semaphore, #tpu.memory_space<semaphore_mem>> -> memref<!tpu.dma_semaphore, #tpu.memory_space<semaphore_mem>>
    %dma_start3A_8 = tpu.memref_slice %arg4[%dma_start3A, %mul3A_2] : memref<2x320000xi32, #tpu.memory_space<hbm>> -> memref<1x10000xi32, #tpu.memory_space<hbm>>
    %dma_start3A_9 = tpu.memref_squeeze %dma_start3A_8 : memref<1x10000xi32, #tpu.memory_space<hbm>> -> memref<10000xi32, #tpu.memory_space<hbm>>
    tpu.enqueue_dma source(%dma_start3A_9 : memref<10000xi32, #tpu.memory_space<hbm>>) target(%arg8 : memref<10000xi32, #tpu.memory_space<vmem>>) target_semaphore(%dma_start3A_7 : memref<!tpu.dma_semaphore, #tpu.memory_space<semaphore_mem>>)
    %dma_start3A_10 = arith.constant 1 : i32
    %dma_start3A_11 = arith.constant 1 : i32
    %dma_start3A_12 = tpu.memref_slice %arg4[%dma_start3A_10, %mul3A_2] : memref<2x320000xi32, #tpu.memory_space<hbm>> -> memref<1x10000xi32, #tpu.memory_space<hbm>>
    %dma_start3A_13 = tpu.memref_squeeze %dma_start3A_12 : memref<1x10000xi32, #tpu.memory_space<hbm>> -> memref<10000xi32, #tpu.memory_space<hbm>>
    %dma_start3A_14 = tpu.memref_slice %arg16[%dma_start3A_11] : memref<5x!tpu.dma_semaphore, #tpu.memory_space<semaphore_mem>> -> memref<1x!tpu.dma_semaphore, #tpu.memory_space<semaphore_mem>>
    %dma_start3A_15 = tpu.memref_squeeze %dma_start3A_14 : memref<1x!tpu.dma_semaphore, #tpu.memory_space<semaphore_mem>> -> memref<!tpu.dma_semaphore, #tpu.memory_space<semaphore_mem>>
    %dma_start3A_16 = tpu.memref_slice %arg4[%dma_start3A_10, %mul3A_2] : memref<2x320000xi32, #tpu.memory_space<hbm>> -> memref<1x10000xi32, #tpu.memory_space<hbm>>
    %dma_start3A_17 = tpu.memref_squeeze %dma_start3A_16 : memref<1x10000xi32, #tpu.memory_space<hbm>> -> memref<10000xi32, #tpu.memory_space<hbm>>
    tpu.enqueue_dma source(%dma_start3A_17 : memref<10000xi32, #tpu.memory_space<hbm>>) target(%arg9 : memref<10000xi32, #tpu.memory_space<vmem>>) target_semaphore(%dma_start3A_15 : memref<!tpu.dma_semaphore, #tpu.memory_space<semaphore_mem>>)
    %mul3A_18 = arith.constant 625 : i32
    %mul3A_19 = arith.muli %arg1, %mul3A_18 : i32
    %dma_start3A_20 = arith.constant 0 : i32
    %dma_start3A_21 = arith.constant 0 : i32
    %dma_start3A_22 = arith.constant 0 : i32
    %dma_start3A_23 = arith.constant 0 : i32
    %dma_start3A_24 = tpu.memref_slice %arg14[%dma_start3A_20, %dma_start3A_22, %dma_start3A_23] : memref<2x125x128xf32, #tpu.memory_space<vmem>> -> memref<1x125x128xf32, #tpu.memory_space<vmem>>
    %dma_start3A_25 = tpu.memref_squeeze %dma_start3A_24 : memref<1x125x128xf32, #tpu.memory_space<vmem>> -> memref<125x128xf32, #tpu.memory_space<vmem>>
    %dma_start3A_26 = arith.constant 0 : i32
    %dma_start3A_27 = tpu.memref_slice %arg2[%mul3A_19, %dma_start3A_26] : memref<10000x128xf32, #tpu.memory_space<hbm>> -> memref<125x128xf32, #tpu.memory_space<hbm>>
    %dma_start3A_28 = tpu.memref_slice %arg17[%dma_start3A_21] : memref<2x!tpu.dma_semaphore, #tpu.memory_space<semaphore_mem>> -> memref<1x!tpu.dma_semaphore, #tpu.memory_space<semaphore_mem>>
    %dma_start3A_29 = tpu.memref_squeeze %dma_start3A_28 : memref<1x!tpu.dma_semaphore, #tpu.memory_space<semaphore_mem>> -> memref<!tpu.dma_semaphore, #tpu.memory_space<semaphore_mem>>
    %dma_start3A_30 = arith.constant 0 : i32
    %dma_start3A_31 = arith.constant 0 : i32
    %dma_start3A_32 = tpu.memref_slice %arg14[%dma_start3A_20, %dma_start3A_30, %dma_start3A_31] : memref<2x125x128xf32, #tpu.memory_space<vmem>> -> memref<1x125x128xf32, #tpu.memory_space<vmem>>
    %dma_start3A_33 = tpu.memref_squeeze %dma_start3A_32 : memref<1x125x128xf32, #tpu.memory_space<vmem>> -> memref<125x128xf32, #tpu.memory_space<vmem>>
    %dma_start3A_34 = arith.constant 0 : i32
    %dma_start3A_35 = tpu.memref_slice %arg2[%mul3A_19, %dma_start3A_34] : memref<10000x128xf32, #tpu.memory_space<hbm>> -> memref<125x128xf32, #tpu.memory_space<hbm>>
    tpu.enqueue_dma source(%dma_start3A_35 : memref<125x128xf32, #tpu.memory_space<hbm>>) target(%dma_start3A_33 : memref<125x128xf32, #tpu.memory_space<vmem>>) target_semaphore(%dma_start3A_29 : memref<!tpu.dma_semaphore, #tpu.memory_space<semaphore_mem>>)
    %scan3A = arith.constant 0 : i32
    %scan3A_36 = arith.constant 0 : i32
    %scan3A_37 = arith.constant 5 : i32
    %scan3A_38 = arith.addi %scan3A_36, %scan3A_37 : i32
    %scan3A_39 = arith.constant 1 : i32
    scf.for %scan3A_272 = %scan3A_36 to %scan3A_38 step %scan3A_39  : i32 {
      %rem3A = arith.constant 2 : i32
      %rem3A_273 = arith.remsi %scan3A_272, %rem3A : i32
      %mul3A_274 = arith.constant 625 : i32
      %mul3A_275 = arith.muli %arg1, %mul3A_274 : i32
      %mul3A_276 = arith.constant 125 : i32
      %mul3A_277 = arith.muli %scan3A_272, %mul3A_276 : i32
      %add3A_278 = arith.addi %mul3A_275, %mul3A_277 : i32
      %dma_wait3A_279 = arith.constant 0 : i32
      %dma_wait3A_280 = arith.constant 0 : i32
      %dma_wait3A_281 = tpu.memref_slice %arg14[%rem3A_273, %dma_wait3A_279, %dma_wait3A_280] : memref<2x125x128xf32, #tpu.memory_space<vmem>> -> memref<1x125x128xf32, #tpu.memory_space<vmem>>
      %dma_wait3A_282 = tpu.memref_squeeze %dma_wait3A_281 : memref<1x125x128xf32, #tpu.memory_space<vmem>> -> memref<125x128xf32, #tpu.memory_space<vmem>>
      %dma_wait3A_283 = arith.constant 0 : i32
      %dma_wait3A_284 = arith.constant 0 : i32
      %dma_wait3A_285 = tpu.memref_slice %arg2[%dma_wait3A_283, %dma_wait3A_284] : memref<10000x128xf32, #tpu.memory_space<hbm>> -> memref<125x128xf32, #tpu.memory_space<hbm>>
      %dma_wait3A_286 = tpu.memref_slice %arg17[%rem3A_273] : memref<2x!tpu.dma_semaphore, #tpu.memory_space<semaphore_mem>> -> memref<1x!tpu.dma_semaphore, #tpu.memory_space<semaphore_mem>>
      %dma_wait3A_287 = tpu.memref_squeeze %dma_wait3A_286 : memref<1x!tpu.dma_semaphore, #tpu.memory_space<semaphore_mem>> -> memref<!tpu.dma_semaphore, #tpu.memory_space<semaphore_mem>>
      %dma_wait3A_288 = arith.constant 0 : i32
      %dma_wait3A_289 = arith.constant 0 : i32
      %dma_wait3A_290 = tpu.memref_slice %arg14[%rem3A_273, %dma_wait3A_288, %dma_wait3A_289] : memref<2x125x128xf32, #tpu.memory_space<vmem>> -> memref<1x125x128xf32, #tpu.memory_space<vmem>>
      %dma_wait3A_291 = tpu.memref_squeeze %dma_wait3A_290 : memref<1x125x128xf32, #tpu.memory_space<vmem>> -> memref<125x128xf32, #tpu.memory_space<vmem>>
      %dma_wait3A_292 = arith.constant 0 : i32
      %dma_wait3A_293 = arith.constant 0 : i32
      %dma_wait3A_294 = tpu.memref_slice %arg2[%dma_wait3A_292, %dma_wait3A_293] : memref<10000x128xf32, #tpu.memory_space<hbm>> -> memref<125x128xf32, #tpu.memory_space<hbm>>
      tpu.wait_dma2 semaphore(%dma_wait3A_287 : memref<!tpu.dma_semaphore, #tpu.memory_space<semaphore_mem>>) src(%dma_wait3A_294 : memref<125x128xf32, #tpu.memory_space<hbm>>) dst(%dma_wait3A_291 : memref<125x128xf32, #tpu.memory_space<vmem>>)
      %add3A_295 = arith.constant 1 : i32
      %add3A_296 = arith.addi %scan3A_272, %add3A_295 : i32
      %lt3A = arith.constant 5 : i32
      %lt3A_297 = arith.cmpi slt, %add3A_296, %lt3A : i32
      %convert_element_type3A = arith.extui %lt3A_297 : i1 to i32
      %cond3A = arith.constant 0 : i32
      %cond3A_298 = arith.cmpi ne, %convert_element_type3A, %cond3A : i32
      scf.if %cond3A_298 {
        %add3A_315 = arith.constant 125 : i32
        %add3A_316 = arith.addi %add3A_278, %add3A_315 : i32
        %sub3A = arith.constant 1 : i32
        %sub3A_317 = arith.subi %sub3A, %rem3A_273 : i32
        %sub3A_318 = arith.constant 1 : i32
        %sub3A_319 = arith.subi %sub3A_318, %rem3A_273 : i32
        %dma_start3A_320 = arith.constant 0 : i32
        %dma_start3A_321 = arith.constant 0 : i32
        %dma_start3A_322 = tpu.memref_slice %arg14[%sub3A_317, %dma_start3A_320, %dma_start3A_321] : memref<2x125x128xf32, #tpu.memory_space<vmem>> -> memref<1x125x128xf32, #tpu.memory_space<vmem>>
        %dma_start3A_323 = tpu.memref_squeeze %dma_start3A_322 : memref<1x125x128xf32, #tpu.memory_space<vmem>> -> memref<125x128xf32, #tpu.memory_space<vmem>>
        %dma_start3A_324 = arith.constant 0 : i32
        %dma_start3A_325 = tpu.memref_slice %arg2[%add3A_316, %dma_start3A_324] : memref<10000x128xf32, #tpu.memory_space<hbm>> -> memref<125x128xf32, #tpu.memory_space<hbm>>
        %dma_start3A_326 = tpu.memref_slice %arg17[%sub3A_319] : memref<2x!tpu.dma_semaphore, #tpu.memory_space<semaphore_mem>> -> memref<1x!tpu.dma_semaphore, #tpu.memory_space<semaphore_mem>>
        %dma_start3A_327 = tpu.memref_squeeze %dma_start3A_326 : memref<1x!tpu.dma_semaphore, #tpu.memory_space<semaphore_mem>> -> memref<!tpu.dma_semaphore, #tpu.memory_space<semaphore_mem>>
        %dma_start3A_328 = arith.constant 0 : i32
        %dma_start3A_329 = arith.constant 0 : i32
        %dma_start3A_330 = tpu.memref_slice %arg14[%sub3A_317, %dma_start3A_328, %dma_start3A_329] : memref<2x125x128xf32, #tpu.memory_space<vmem>> -> memref<1x125x128xf32, #tpu.memory_space<vmem>>
        %dma_start3A_331 = tpu.memref_squeeze %dma_start3A_330 : memref<1x125x128xf32, #tpu.memory_space<vmem>> -> memref<125x128xf32, #tpu.memory_space<vmem>>
        %dma_start3A_332 = arith.constant 0 : i32
        %dma_start3A_333 = tpu.memref_slice %arg2[%add3A_316, %dma_start3A_332] : memref<10000x128xf32, #tpu.memory_space<hbm>> -> memref<125x128xf32, #tpu.memory_space<hbm>>
        tpu.enqueue_dma source(%dma_start3A_333 : memref<125x128xf32, #tpu.memory_space<hbm>>) target(%dma_start3A_331 : memref<125x128xf32, #tpu.memory_space<vmem>>) target_semaphore(%dma_start3A_327 : memref<!tpu.dma_semaphore, #tpu.memory_space<semaphore_mem>>)
      } else {
      }
      %ge3A = arith.constant 1 : i32
      %ge3A_299 = arith.cmpi sge, %scan3A_272, %ge3A : i32
      %convert_element_type3A_300 = arith.extui %ge3A_299 : i1 to i32
      %cond3A_301 = arith.constant 0 : i32
      %cond3A_302 = arith.cmpi ne, %convert_element_type3A_300, %cond3A_301 : i32
      scf.if %cond3A_302 {
        %dma_wait3A_315 = arith.constant 0 : i32
        %dma_wait3A_316 = arith.constant 0 : i32
        %dma_wait3A_317 = tpu.memref_slice %arg6[%arg0, %dma_wait3A_315, %dma_wait3A_316] : memref<2x10000x64xi32, #tpu.memory_space<hbm>> -> memref<1x125x64xi32, #tpu.memory_space<hbm>>
        %dma_wait3A_318 = tpu.memref_squeeze %dma_wait3A_317 : memref<1x125x64xi32, #tpu.memory_space<hbm>> -> memref<125x64xi32, #tpu.memory_space<hbm>>
        %dma_wait3A_319 = arith.constant 0 : i32
        %dma_wait3A_320 = arith.constant 0 : i32
        %dma_wait3A_321 = tpu.memref_slice %arg6[%arg0, %dma_wait3A_319, %dma_wait3A_320] : memref<2x10000x64xi32, #tpu.memory_space<hbm>> -> memref<1x125x64xi32, #tpu.memory_space<hbm>>
        %dma_wait3A_322 = tpu.memref_squeeze %dma_wait3A_321 : memref<1x125x64xi32, #tpu.memory_space<hbm>> -> memref<125x64xi32, #tpu.memory_space<hbm>>
        tpu.wait_dma2 semaphore(%arg18 : memref<!tpu.dma_semaphore, #tpu.memory_space<semaphore_mem>>) src(%arg15 : memref<125x64xi32, #tpu.memory_space<vmem>>) dst(%dma_wait3A_322 : memref<125x64xi32, #tpu.memory_space<hbm>>)
      } else {
      }
      %scan3A_303 = arith.constant 0 : i32
      %scan3A_304 = arith.constant 0 : i32
      %scan3A_305 = arith.constant 25 : i32
      %scan3A_306 = arith.addi %scan3A_304, %scan3A_305 : i32
      %scan3A_307 = arith.constant 1 : i32
      scf.for %scan3A_315 = %scan3A_304 to %scan3A_306 step %scan3A_307  : i32 {
        %mul3A_316 = arith.constant 5 : i32
        %mul3A_317 = arith.muli %scan3A_315, %mul3A_316 : i32
        %add3A_318 = arith.constant 0 : i32
        %add3A_319 = arith.addi %mul3A_317, %add3A_318 : i32
        %get3A = arith.index_cast %rem3A_273 : i32 to index
        %get3A_320 = arith.index_cast %add3A_319 : i32 to index
        %get3A_321 = arith.constant 0 : index
        %get3A_322 = tpu.vector_load %arg14[%get3A, %get3A_320, %get3A_321] {strides = array<i32>} : memref<2x125x128xf32, #tpu.memory_space<vmem>>, vector<16xf32>,
        %get3A_323 = arith.index_cast %rem3A_273 : i32 to index
        %get3A_324 = arith.index_cast %add3A_319 : i32 to index
        %get3A_325 = arith.constant 64 : index
        %get3A_326 = tpu.vector_load %arg14[%get3A_323, %get3A_324, %get3A_325] {strides = array<i32>} : memref<2x125x128xf32, #tpu.memory_space<vmem>>, vector<16xf32>,
        %pack3A = tpu.pack_subelements %get3A_322, %get3A_326 {pack_format = #tpu.pack_format<interleaved>, positions = array<i32: 0, 1>} : vector<16xf32>, vector<16xf32> -> vector<32xbf16>
        %get3A_327 = arith.index_cast %rem3A_273 : i32 to index
        %get3A_328 = arith.index_cast %add3A_319 : i32 to index
        %get3A_329 = arith.constant 16 : index
        %get3A_330 = tpu.vector_load %arg14[%get3A_327, %get3A_328, %get3A_329] {strides = array<i32>} : memref<2x125x128xf32, #tpu.memory_space<vmem>>, vector<16xf32>,
        %get3A_331 = arith.index_cast %rem3A_273 : i32 to index
        %get3A_332 = arith.index_cast %add3A_319 : i32 to index
        %get3A_333 = arith.constant 80 : index
        %get3A_334 = tpu.vector_load %arg14[%get3A_331, %get3A_332, %get3A_333] {strides = array<i32>} : memref<2x125x128xf32, #tpu.memory_space<vmem>>, vector<16xf32>,
        %pack3A_335 = tpu.pack_subelements %get3A_330, %get3A_334 {pack_format = #tpu.pack_format<interleaved>, positions = array<i32: 0, 1>} : vector<16xf32>, vector<16xf32> -> vector<32xbf16>
        %get3A_336 = arith.index_cast %rem3A_273 : i32 to index
        %get3A_337 = arith.index_cast %add3A_319 : i32 to index
        %get3A_338 = arith.constant 32 : index
        %get3A_339 = tpu.vector_load %arg14[%get3A_336, %get3A_337, %get3A_338] {strides = array<i32>} : memref<2x125x128xf32, #tpu.memory_space<vmem>>, vector<16xf32>,
        %get3A_340 = arith.index_cast %rem3A_273 : i32 to index
        %get3A_341 = arith.index_cast %add3A_319 : i32 to index
        %get3A_342 = arith.constant 96 : index
        %get3A_343 = tpu.vector_load %arg14[%get3A_340, %get3A_341, %get3A_342] {strides = array<i32>} : memref<2x125x128xf32, #tpu.memory_space<vmem>>, vector<16xf32>,
        %pack3A_344 = tpu.pack_subelements %get3A_339, %get3A_343 {pack_format = #tpu.pack_format<interleaved>, positions = array<i32: 0, 1>} : vector<16xf32>, vector<16xf32> -> vector<32xbf16>
        %get3A_345 = arith.index_cast %rem3A_273 : i32 to index
        %get3A_346 = arith.index_cast %add3A_319 : i32 to index
        %get3A_347 = arith.constant 48 : index
        %get3A_348 = tpu.vector_load %arg14[%get3A_345, %get3A_346, %get3A_347] {strides = array<i32>} : memref<2x125x128xf32, #tpu.memory_space<vmem>>, vector<16xf32>,
        %get3A_349 = arith.index_cast %rem3A_273 : i32 to index
        %get3A_350 = arith.index_cast %add3A_319 : i32 to index
        %get3A_351 = arith.constant 112 : index
        %get3A_352 = tpu.vector_load %arg14[%get3A_349, %get3A_350, %get3A_351] {strides = array<i32>} : memref<2x125x128xf32, #tpu.memory_space<vmem>>, vector<16xf32>,
        %pack3A_353 = tpu.pack_subelements %get3A_348, %get3A_352 {pack_format = #tpu.pack_format<interleaved>, positions = array<i32: 0, 1>} : vector<16xf32>, vector<16xf32> -> vector<32xbf16>
        %mul3A_354 = arith.constant 5 : i32
        %mul3A_355 = arith.muli %scan3A_315, %mul3A_354 : i32
        %add3A_356 = arith.constant 1 : i32
        %add3A_357 = arith.addi %mul3A_355, %add3A_356 : i32
        %get3A_358 = arith.index_cast %rem3A_273 : i32 to index
        %get3A_359 = arith.index_cast %add3A_357 : i32 to index
        %get3A_360 = arith.constant 0 : index
        %get3A_361 = tpu.vector_load %arg14[%get3A_358, %get3A_359, %get3A_360] {strides = array<i32>} : memref<2x125x128xf32, #tpu.memory_space<vmem>>, vector<16xf32>,
        %get3A_362 = arith.index_cast %rem3A_273 : i32 to index
        %get3A_363 = arith.index_cast %add3A_357 : i32 to index
        %get3A_364 = arith.constant 64 : index
        %get3A_365 = tpu.vector_load %arg14[%get3A_362, %get3A_363, %get3A_364] {strides = array<i32>} : memref<2x125x128xf32, #tpu.memory_space<vmem>>, vector<16xf32>,
        %pack3A_366 = tpu.pack_subelements %get3A_361, %get3A_365 {pack_format = #tpu.pack_format<interleaved>, positions = array<i32: 0, 1>} : vector<16xf32>, vector<16xf32> -> vector<32xbf16>
        %get3A_367 = arith.index_cast %rem3A_273 : i32 to index
        %get3A_368 = arith.index_cast %add3A_357 : i32 to index
        %get3A_369 = arith.constant 16 : index
        %get3A_370 = tpu.vector_load %arg14[%get3A_367, %get3A_368, %get3A_369] {strides = array<i32>} : memref<2x125x128xf32, #tpu.memory_space<vmem>>, vector<16xf32>,
        %get3A_371 = arith.index_cast %rem3A_273 : i32 to index
        %get3A_372 = arith.index_cast %add3A_357 : i32 to index
        %get3A_373 = arith.constant 80 : index
        %get3A_374 = tpu.vector_load %arg14[%get3A_371, %get3A_372, %get3A_373] {strides = array<i32>} : memref<2x125x128xf32, #tpu.memory_space<vmem>>, vector<16xf32>,
        %pack3A_375 = tpu.pack_subelements %get3A_370, %get3A_374 {pack_format = #tpu.pack_format<interleaved>, positions = array<i32: 0, 1>} : vector<16xf32>, vector<16xf32> -> vector<32xbf16>
        %get3A_376 = arith.index_cast %rem3A_273 : i32 to index
        %get3A_377 = arith.index_cast %add3A_357 : i32 to index
        %get3A_378 = arith.constant 32 : index
        %get3A_379 = tpu.vector_load %arg14[%get3A_376, %get3A_377, %get3A_378] {strides = array<i32>} : memref<2x125x128xf32, #tpu.memory_space<vmem>>, vector<16xf32>,
        %get3A_380 = arith.index_cast %rem3A_273 : i32 to index
        %get3A_381 = arith.index_cast %add3A_357 : i32 to index
        %get3A_382 = arith.constant 96 : index
        %get3A_383 = tpu.vector_load %arg14[%get3A_380, %get3A_381, %get3A_382] {strides = array<i32>} : memref<2x125x128xf32, #tpu.memory_space<vmem>>, vector<16xf32>,
        %pack3A_384 = tpu.pack_subelements %get3A_379, %get3A_383 {pack_format = #tpu.pack_format<interleaved>, positions = array<i32: 0, 1>} : vector<16xf32>, vector<16xf32> -> vector<32xbf16>
        %get3A_385 = arith.index_cast %rem3A_273 : i32 to index
        %get3A_386 = arith.index_cast %add3A_357 : i32 to index
        %get3A_387 = arith.constant 48 : index
        %get3A_388 = tpu.vector_load %arg14[%get3A_385, %get3A_386, %get3A_387] {strides = array<i32>} : memref<2x125x128xf32, #tpu.memory_space<vmem>>, vector<16xf32>,
        %get3A_389 = arith.index_cast %rem3A_273 : i32 to index
        %get3A_390 = arith.index_cast %add3A_357 : i32 to index
        %get3A_391 = arith.constant 112 : index
        %get3A_392 = tpu.vector_load %arg14[%get3A_389, %get3A_390, %get3A_391] {strides = array<i32>} : memref<2x125x128xf32, #tpu.memory_space<vmem>>, vector<16xf32>,
        %pack3A_393 = tpu.pack_subelements %get3A_388, %get3A_392 {pack_format = #tpu.pack_format<interleaved>, positions = array<i32: 0, 1>} : vector<16xf32>, vector<16xf32> -> vector<32xbf16>
        %mul3A_394 = arith.constant 5 : i32
        %mul3A_395 = arith.muli %scan3A_315, %mul3A_394 : i32
        %add3A_396 = arith.constant 2 : i32
        %add3A_397 = arith.addi %mul3A_395, %add3A_396 : i32
        %get3A_398 = arith.index_cast %rem3A_273 : i32 to index
        %get3A_399 = arith.index_cast %add3A_397 : i32 to index
        %get3A_400 = arith.constant 0 : index
        %get3A_401 = tpu.vector_load %arg14[%get3A_398, %get3A_399, %get3A_400] {strides = array<i32>} : memref<2x125x128xf32, #tpu.memory_space<vmem>>, vector<16xf32>,
        %get3A_402 = arith.index_cast %rem3A_273 : i32 to index
        %get3A_403 = arith.index_cast %add3A_397 : i32 to index
        %get3A_404 = arith.constant 64 : index
        %get3A_405 = tpu.vector_load %arg14[%get3A_402, %get3A_403, %get3A_404] {strides = array<i32>} : memref<2x125x128xf32, #tpu.memory_space<vmem>>, vector<16xf32>,
        %pack3A_406 = tpu.pack_subelements %get3A_401, %get3A_405 {pack_format = #tpu.pack_format<interleaved>, positions = array<i32: 0, 1>} : vector<16xf32>, vector<16xf32> -> vector<32xbf16>
        %get3A_407 = arith.index_cast %rem3A_273 : i32 to index
        %get3A_408 = arith.index_cast %add3A_397 : i32 to index
        %get3A_409 = arith.constant 16 : index
        %get3A_410 = tpu.vector_load %arg14[%get3A_407, %get3A_408, %get3A_409] {strides = array<i32>} : memref<2x125x128xf32, #tpu.memory_space<vmem>>, vector<16xf32>,
        %get3A_411 = arith.index_cast %rem3A_273 : i32 to index
        %get3A_412 = arith.index_cast %add3A_397 : i32 to index
        %get3A_413 = arith.constant 80 : index
        %get3A_414 = tpu.vector_load %arg14[%get3A_411, %get3A_412, %get3A_413] {strides = array<i32>} : memref<2x125x128xf32, #tpu.memory_space<vmem>>, vector<16xf32>,
        %pack3A_415 = tpu.pack_subelements %get3A_410, %get3A_414 {pack_format = #tpu.pack_format<interleaved>, positions = array<i32: 0, 1>} : vector<16xf32>, vector<16xf32> -> vector<32xbf16>
        %get3A_416 = arith.index_cast %rem3A_273 : i32 to index
        %get3A_417 = arith.index_cast %add3A_397 : i32 to index
        %get3A_418 = arith.constant 32 : index
        %get3A_419 = tpu.vector_load %arg14[%get3A_416, %get3A_417, %get3A_418] {strides = array<i32>} : memref<2x125x128xf32, #tpu.memory_space<vmem>>, vector<16xf32>,
        %get3A_420 = arith.index_cast %rem3A_273 : i32 to index
        %get3A_421 = arith.index_cast %add3A_397 : i32 to index
        %get3A_422 = arith.constant 96 : index
        %get3A_423 = tpu.vector_load %arg14[%get3A_420, %get3A_421, %get3A_422] {strides = array<i32>} : memref<2x125x128xf32, #tpu.memory_space<vmem>>, vector<16xf32>,
        %pack3A_424 = tpu.pack_subelements %get3A_419, %get3A_423 {pack_format = #tpu.pack_format<interleaved>, positions = array<i32: 0, 1>} : vector<16xf32>, vector<16xf32> -> vector<32xbf16>
        %get3A_425 = arith.index_cast %rem3A_273 : i32 to index
        %get3A_426 = arith.index_cast %add3A_397 : i32 to index
        %get3A_427 = arith.constant 48 : index
        %get3A_428 = tpu.vector_load %arg14[%get3A_425, %get3A_426, %get3A_427] {strides = array<i32>} : memref<2x125x128xf32, #tpu.memory_space<vmem>>, vector<16xf32>,
        %get3A_429 = arith.index_cast %rem3A_273 : i32 to index
        %get3A_430 = arith.index_cast %add3A_397 : i32 to index
        %get3A_431 = arith.constant 112 : index
        %get3A_432 = tpu.vector_load %arg14[%get3A_429, %get3A_430, %get3A_431] {strides = array<i32>} : memref<2x125x128xf32, #tpu.memory_space<vmem>>, vector<16xf32>,
        %pack3A_433 = tpu.pack_subelements %get3A_428, %get3A_432 {pack_format = #tpu.pack_format<interleaved>, positions = array<i32: 0, 1>} : vector<16xf32>, vector<16xf32> -> vector<32xbf16>
        %mul3A_434 = arith.constant 5 : i32
        %mul3A_435 = arith.muli %scan3A_315, %mul3A_434 : i32
        %add3A_436 = arith.constant 3 : i32
        %add3A_437 = arith.addi %mul3A_435, %add3A_436 : i32
        %get3A_438 = arith.index_cast %rem3A_273 : i32 to index
        %get3A_439 = arith.index_cast %add3A_437 : i32 to index
        %get3A_440 = arith.constant 0 : index
        %get3A_441 = tpu.vector_load %arg14[%get3A_438, %get3A_439, %get3A_440] {strides = array<i32>} : memref<2x125x128xf32, #tpu.memory_space<vmem>>, vector<16xf32>,
        %get3A_442 = arith.index_cast %rem3A_273 : i32 to index
        %get3A_443 = arith.index_cast %add3A_437 : i32 to index
        %get3A_444 = arith.constant 64 : index
        %get3A_445 = tpu.vector_load %arg14[%get3A_442, %get3A_443, %get3A_444] {strides = array<i32>} : memref<2x125x128xf32, #tpu.memory_space<vmem>>, vector<16xf32>,
        %pack3A_446 = tpu.pack_subelements %get3A_441, %get3A_445 {pack_format = #tpu.pack_format<interleaved>, positions = array<i32: 0, 1>} : vector<16xf32>, vector<16xf32> -> vector<32xbf16>
        %get3A_447 = arith.index_cast %rem3A_273 : i32 to index
        %get3A_448 = arith.index_cast %add3A_437 : i32 to index
        %get3A_449 = arith.constant 16 : index
        %get3A_450 = tpu.vector_load %arg14[%get3A_447, %get3A_448, %get3A_449] {strides = array<i32>} : memref<2x125x128xf32, #tpu.memory_space<vmem>>, vector<16xf32>,
        %get3A_451 = arith.index_cast %rem3A_273 : i32 to index
        %get3A_452 = arith.index_cast %add3A_437 : i32 to index
        %get3A_453 = arith.constant 80 : index
        %get3A_454 = tpu.vector_load %arg14[%get3A_451, %get3A_452, %get3A_453] {strides = array<i32>} : memref<2x125x128xf32, #tpu.memory_space<vmem>>, vector<16xf32>,
        %pack3A_455 = tpu.pack_subelements %get3A_450, %get3A_454 {pack_format = #tpu.pack_format<interleaved>, positions = array<i32: 0, 1>} : vector<16xf32>, vector<16xf32> -> vector<32xbf16>
        %get3A_456 = arith.index_cast %rem3A_273 : i32 to index
        %get3A_457 = arith.index_cast %add3A_437 : i32 to index
        %get3A_458 = arith.constant 32 : index
        %get3A_459 = tpu.vector_load %arg14[%get3A_456, %get3A_457, %get3A_458] {strides = array<i32>} : memref<2x125x128xf32, #tpu.memory_space<vmem>>, vector<16xf32>,
        %get3A_460 = arith.index_cast %rem3A_273 : i32 to index
        %get3A_461 = arith.index_cast %add3A_437 : i32 to index
        %get3A_462 = arith.constant 96 : index
        %get3A_463 = tpu.vector_load %arg14[%get3A_460, %get3A_461, %get3A_462] {strides = array<i32>} : memref<2x125x128xf32, #tpu.memory_space<vmem>>, vector<16xf32>,
        %pack3A_464 = tpu.pack_subelements %get3A_459, %get3A_463 {pack_format = #tpu.pack_format<interleaved>, positions = array<i32: 0, 1>} : vector<16xf32>, vector<16xf32> -> vector<32xbf16>
        %get3A_465 = arith.index_cast %rem3A_273 : i32 to index
        %get3A_466 = arith.index_cast %add3A_437 : i32 to index
        %get3A_467 = arith.constant 48 : index
        %get3A_468 = tpu.vector_load %arg14[%get3A_465, %get3A_466, %get3A_467] {strides = array<i32>} : memref<2x125x128xf32, #tpu.memory_space<vmem>>, vector<16xf32>,
        %get3A_469 = arith.index_cast %rem3A_273 : i32 to index
        %get3A_470 = arith.index_cast %add3A_437 : i32 to index
        %get3A_471 = arith.constant 112 : index
        %get3A_472 = tpu.vector_load %arg14[%get3A_469, %get3A_470, %get3A_471] {strides = array<i32>} : memref<2x125x128xf32, #tpu.memory_space<vmem>>, vector<16xf32>,
        %pack3A_473 = tpu.pack_subelements %get3A_468, %get3A_472 {pack_format = #tpu.pack_format<interleaved>, positions = array<i32: 0, 1>} : vector<16xf32>, vector<16xf32> -> vector<32xbf16>
        %mul3A_474 = arith.constant 5 : i32
        %mul3A_475 = arith.muli %scan3A_315, %mul3A_474 : i32
        %add3A_476 = arith.constant 4 : i32
        %add3A_477 = arith.addi %mul3A_475, %add3A_476 : i32
        %get3A_478 = arith.index_cast %rem3A_273 : i32 to index
        %get3A_479 = arith.index_cast %add3A_477 : i32 to index
        %get3A_480 = arith.constant 0 : index
        %get3A_481 = tpu.vector_load %arg14[%get3A_478, %get3A_479, %get3A_480] {strides = array<i32>} : memref<2x125x128xf32, #tpu.memory_space<vmem>>, vector<16xf32>,
        %get3A_482 = arith.index_cast %rem3A_273 : i32 to index
        %get3A_483 = arith.index_cast %add3A_477 : i32 to index
        %get3A_484 = arith.constant 64 : index
        %get3A_485 = tpu.vector_load %arg14[%get3A_482, %get3A_483, %get3A_484] {strides = array<i32>} : memref<2x125x128xf32, #tpu.memory_space<vmem>>, vector<16xf32>,
        %pack3A_486 = tpu.pack_subelements %get3A_481, %get3A_485 {pack_format = #tpu.pack_format<interleaved>, positions = array<i32: 0, 1>} : vector<16xf32>, vector<16xf32> -> vector<32xbf16>
        %get3A_487 = arith.index_cast %rem3A_273 : i32 to index
        %get3A_488 = arith.index_cast %add3A_477 : i32 to index
        %get3A_489 = arith.constant 16 : index
        %get3A_490 = tpu.vector_load %arg14[%get3A_487, %get3A_488, %get3A_489] {strides = array<i32>} : memref<2x125x128xf32, #tpu.memory_space<vmem>>, vector<16xf32>,
        %get3A_491 = arith.index_cast %rem3A_273 : i32 to index
        %get3A_492 = arith.index_cast %add3A_477 : i32 to index
        %get3A_493 = arith.constant 80 : index
        %get3A_494 = tpu.vector_load %arg14[%get3A_491, %get3A_492, %get3A_493] {strides = array<i32>} : memref<2x125x128xf32, #tpu.memory_space<vmem>>, vector<16xf32>,
        %pack3A_495 = tpu.pack_subelements %get3A_490, %get3A_494 {pack_format = #tpu.pack_format<interleaved>, positions = array<i32: 0, 1>} : vector<16xf32>, vector<16xf32> -> vector<32xbf16>
        %get3A_496 = arith.index_cast %rem3A_273 : i32 to index
        %get3A_497 = arith.index_cast %add3A_477 : i32 to index
        %get3A_498 = arith.constant 32 : index
        %get3A_499 = tpu.vector_load %arg14[%get3A_496, %get3A_497, %get3A_498] {strides = array<i32>} : memref<2x125x128xf32, #tpu.memory_space<vmem>>, vector<16xf32>,
        %get3A_500 = arith.index_cast %rem3A_273 : i32 to index
        %get3A_501 = arith.index_cast %add3A_477 : i32 to index
        %get3A_502 = arith.constant 96 : index
        %get3A_503 = tpu.vector_load %arg14[%get3A_500, %get3A_501, %get3A_502] {strides = array<i32>} : memref<2x125x128xf32, #tpu.memory_space<vmem>>, vector<16xf32>,
        %pack3A_504 = tpu.pack_subelements %get3A_499, %get3A_503 {pack_format = #tpu.pack_format<interleaved>, positions = array<i32: 0, 1>} : vector<16xf32>, vector<16xf32> -> vector<32xbf16>
        %get3A_505 = arith.index_cast %rem3A_273 : i32 to index
        %get3A_506 = arith.index_cast %add3A_477 : i32 to index
        %get3A_507 = arith.constant 48 : index
        %get3A_508 = tpu.vector_load %arg14[%get3A_505, %get3A_506, %get3A_507] {strides = array<i32>} : memref<2x125x128xf32, #tpu.memory_space<vmem>>, vector<16xf32>,
        %get3A_509 = arith.index_cast %rem3A_273 : i32 to index
        %get3A_510 = arith.index_cast %add3A_477 : i32 to index
        %get3A_511 = arith.constant 112 : index
        %get3A_512 = tpu.vector_load %arg14[%get3A_509, %get3A_510, %get3A_511] {strides = array<i32>} : memref<2x125x128xf32, #tpu.memory_space<vmem>>, vector<16xf32>,
        %pack3A_513 = tpu.pack_subelements %get3A_508, %get3A_512 {pack_format = #tpu.pack_format<interleaved>, positions = array<i32: 0, 1>} : vector<16xf32>, vector<16xf32> -> vector<32xbf16>
        %mul3A_514 = arith.constant 5 : i32
        %mul3A_515 = arith.muli %scan3A_315, %mul3A_514 : i32
        %add3A_516 = arith.constant 0 : i32
        %add3A_517 = arith.addi %mul3A_515, %add3A_516 : i32
        %bitcast3A = vector.bitcast %pack3A : vector<32xbf16> to vector<16xi32>
        %swap3A = arith.index_cast %add3A_517 : i32 to index
        %swap3A_518 = arith.constant 0 : index
        %swap3A_519 = tpu.vector_load %arg15[%swap3A, %swap3A_518] {strides = array<i32>} : memref<125x64xi32, #tpu.memory_space<vmem>>, vector<16xi32>,
        tpu.vector_store %arg15[%swap3A, %swap3A_518], %bitcast3A {strides = array<i32>} : memref<125x64xi32, #tpu.memory_space<vmem>>, vector<16xi32>,
        %bitcast3A_520 = vector.bitcast %pack3A_335 : vector<32xbf16> to vector<16xi32>
        %swap3A_521 = arith.index_cast %add3A_517 : i32 to index
        %swap3A_522 = arith.constant 16 : index
        %swap3A_523 = tpu.vector_load %arg15[%swap3A_521, %swap3A_522] {strides = array<i32>} : memref<125x64xi32, #tpu.memory_space<vmem>>, vector<16xi32>,
        tpu.vector_store %arg15[%swap3A_521, %swap3A_522], %bitcast3A_520 {strides = array<i32>} : memref<125x64xi32, #tpu.memory_space<vmem>>, vector<16xi32>,
        %bitcast3A_524 = vector.bitcast %pack3A_344 : vector<32xbf16> to vector<16xi32>
        %swap3A_525 = arith.index_cast %add3A_517 : i32 to index
        %swap3A_526 = arith.constant 32 : index
        %swap3A_527 = tpu.vector_load %arg15[%swap3A_525, %swap3A_526] {strides = array<i32>} : memref<125x64xi32, #tpu.memory_space<vmem>>, vector<16xi32>,
        tpu.vector_store %arg15[%swap3A_525, %swap3A_526], %bitcast3A_524 {strides = array<i32>} : memref<125x64xi32, #tpu.memory_space<vmem>>, vector<16xi32>,
        %bitcast3A_528 = vector.bitcast %pack3A_353 : vector<32xbf16> to vector<16xi32>
        %swap3A_529 = arith.index_cast %add3A_517 : i32 to index
        %swap3A_530 = arith.constant 48 : index
        %swap3A_531 = tpu.vector_load %arg15[%swap3A_529, %swap3A_530] {strides = array<i32>} : memref<125x64xi32, #tpu.memory_space<vmem>>, vector<16xi32>,
        tpu.vector_store %arg15[%swap3A_529, %swap3A_530], %bitcast3A_528 {strides = array<i32>} : memref<125x64xi32, #tpu.memory_space<vmem>>, vector<16xi32>,
        %mul3A_532 = arith.constant 5 : i32
        %mul3A_533 = arith.muli %scan3A_315, %mul3A_532 : i32
        %add3A_534 = arith.constant 1 : i32
        %add3A_535 = arith.addi %mul3A_533, %add3A_534 : i32
        %bitcast3A_536 = vector.bitcast %pack3A_366 : vector<32xbf16> to vector<16xi32>
        %swap3A_537 = arith.index_cast %add3A_535 : i32 to index
        %swap3A_538 = arith.constant 0 : index
        %swap3A_539 = tpu.vector_load %arg15[%swap3A_537, %swap3A_538] {strides = array<i32>} : memref<125x64xi32, #tpu.memory_space<vmem>>, vector<16xi32>,
        tpu.vector_store %arg15[%swap3A_537, %swap3A_538], %bitcast3A_536 {strides = array<i32>} : memref<125x64xi32, #tpu.memory_space<vmem>>, vector<16xi32>,
        %bitcast3A_540 = vector.bitcast %pack3A_375 : vector<32xbf16> to vector<16xi32>
        %swap3A_541 = arith.index_cast %add3A_535 : i32 to index
        %swap3A_542 = arith.constant 16 : index
        %swap3A_543 = tpu.vector_load %arg15[%swap3A_541, %swap3A_542] {strides = array<i32>} : memref<125x64xi32, #tpu.memory_space<vmem>>, vector<16xi32>,
        tpu.vector_store %arg15[%swap3A_541, %swap3A_542], %bitcast3A_540 {strides = array<i32>} : memref<125x64xi32, #tpu.memory_space<vmem>>, vector<16xi32>,
        %bitcast3A_544 = vector.bitcast %pack3A_384 : vector<32xbf16> to vector<16xi32>
        %swap3A_545 = arith.index_cast %add3A_535 : i32 to index
        %swap3A_546 = arith.constant 32 : index
        %swap3A_547 = tpu.vector_load %arg15[%swap3A_545, %swap3A_546] {strides = array<i32>} : memref<125x64xi32, #tpu.memory_space<vmem>>, vector<16xi32>,
        tpu.vector_store %arg15[%swap3A_545, %swap3A_546], %bitcast3A_544 {strides = array<i32>} : memref<125x64xi32, #tpu.memory_space<vmem>>, vector<16xi32>,
        %bitcast3A_548 = vector.bitcast %pack3A_393 : vector<32xbf16> to vector<16xi32>
        %swap3A_549 = arith.index_cast %add3A_535 : i32 to index
        %swap3A_550 = arith.constant 48 : index
        %swap3A_551 = tpu.vector_load %arg15[%swap3A_549, %swap3A_550] {strides = array<i32>} : memref<125x64xi32, #tpu.memory_space<vmem>>, vector<16xi32>,
        tpu.vector_store %arg15[%swap3A_549, %swap3A_550], %bitcast3A_548 {strides = array<i32>} : memref<125x64xi32, #tpu.memory_space<vmem>>, vector<16xi32>,
        %mul3A_552 = arith.constant 5 : i32
        %mul3A_553 = arith.muli %scan3A_315, %mul3A_552 : i32
        %add3A_554 = arith.constant 2 : i32
        %add3A_555 = arith.addi %mul3A_553, %add3A_554 : i32
        %bitcast3A_556 = vector.bitcast %pack3A_406 : vector<32xbf16> to vector<16xi32>
        %swap3A_557 = arith.index_cast %add3A_555 : i32 to index
        %swap3A_558 = arith.constant 0 : index
        %swap3A_559 = tpu.vector_load %arg15[%swap3A_557, %swap3A_558] {strides = array<i32>} : memref<125x64xi32, #tpu.memory_space<vmem>>, vector<16xi32>,
        tpu.vector_store %arg15[%swap3A_557, %swap3A_558], %bitcast3A_556 {strides = array<i32>} : memref<125x64xi32, #tpu.memory_space<vmem>>, vector<16xi32>,
        %bitcast3A_560 = vector.bitcast %pack3A_415 : vector<32xbf16> to vector<16xi32>
        %swap3A_561 = arith.index_cast %add3A_555 : i32 to index
        %swap3A_562 = arith.constant 16 : index
        %swap3A_563 = tpu.vector_load %arg15[%swap3A_561, %swap3A_562] {strides = array<i32>} : memref<125x64xi32, #tpu.memory_space<vmem>>, vector<16xi32>,
        tpu.vector_store %arg15[%swap3A_561, %swap3A_562], %bitcast3A_560 {strides = array<i32>} : memref<125x64xi32, #tpu.memory_space<vmem>>, vector<16xi32>,
        %bitcast3A_564 = vector.bitcast %pack3A_424 : vector<32xbf16> to vector<16xi32>
        %swap3A_565 = arith.index_cast %add3A_555 : i32 to index
        %swap3A_566 = arith.constant 32 : index
        %swap3A_567 = tpu.vector_load %arg15[%swap3A_565, %swap3A_566] {strides = array<i32>} : memref<125x64xi32, #tpu.memory_space<vmem>>, vector<16xi32>,
        tpu.vector_store %arg15[%swap3A_565, %swap3A_566], %bitcast3A_564 {strides = array<i32>} : memref<125x64xi32, #tpu.memory_space<vmem>>, vector<16xi32>,
        %bitcast3A_568 = vector.bitcast %pack3A_433 : vector<32xbf16> to vector<16xi32>
        %swap3A_569 = arith.index_cast %add3A_555 : i32 to index
        %swap3A_570 = arith.constant 48 : index
        %swap3A_571 = tpu.vector_load %arg15[%swap3A_569, %swap3A_570] {strides = array<i32>} : memref<125x64xi32, #tpu.memory_space<vmem>>, vector<16xi32>,
        tpu.vector_store %arg15[%swap3A_569, %swap3A_570], %bitcast3A_568 {strides = array<i32>} : memref<125x64xi32, #tpu.memory_space<vmem>>, vector<16xi32>,
        %mul3A_572 = arith.constant 5 : i32
        %mul3A_573 = arith.muli %scan3A_315, %mul3A_572 : i32
        %add3A_574 = arith.constant 3 : i32
        %add3A_575 = arith.addi %mul3A_573, %add3A_574 : i32
        %bitcast3A_576 = vector.bitcast %pack3A_446 : vector<32xbf16> to vector<16xi32>
        %swap3A_577 = arith.index_cast %add3A_575 : i32 to index
        %swap3A_578 = arith.constant 0 : index
        %swap3A_579 = tpu.vector_load %arg15[%swap3A_577, %swap3A_578] {strides = array<i32>} : memref<125x64xi32, #tpu.memory_space<vmem>>, vector<16xi32>,
        tpu.vector_store %arg15[%swap3A_577, %swap3A_578], %bitcast3A_576 {strides = array<i32>} : memref<125x64xi32, #tpu.memory_space<vmem>>, vector<16xi32>,
        %bitcast3A_580 = vector.bitcast %pack3A_455 : vector<32xbf16> to vector<16xi32>
        %swap3A_581 = arith.index_cast %add3A_575 : i32 to index
        %swap3A_582 = arith.constant 16 : index
        %swap3A_583 = tpu.vector_load %arg15[%swap3A_581, %swap3A_582] {strides = array<i32>} : memref<125x64xi32, #tpu.memory_space<vmem>>, vector<16xi32>,
        tpu.vector_store %arg15[%swap3A_581, %swap3A_582], %bitcast3A_580 {strides = array<i32>} : memref<125x64xi32, #tpu.memory_space<vmem>>, vector<16xi32>,
        %bitcast3A_584 = vector.bitcast %pack3A_464 : vector<32xbf16> to vector<16xi32>
        %swap3A_585 = arith.index_cast %add3A_575 : i32 to index
        %swap3A_586 = arith.constant 32 : index
        %swap3A_587 = tpu.vector_load %arg15[%swap3A_585, %swap3A_586] {strides = array<i32>} : memref<125x64xi32, #tpu.memory_space<vmem>>, vector<16xi32>,
        tpu.vector_store %arg15[%swap3A_585, %swap3A_586], %bitcast3A_584 {strides = array<i32>} : memref<125x64xi32, #tpu.memory_space<vmem>>, vector<16xi32>,
        %bitcast3A_588 = vector.bitcast %pack3A_473 : vector<32xbf16> to vector<16xi32>
        %swap3A_589 = arith.index_cast %add3A_575 : i32 to index
        %swap3A_590 = arith.constant 48 : index
        %swap3A_591 = tpu.vector_load %arg15[%swap3A_589, %swap3A_590] {strides = array<i32>} : memref<125x64xi32, #tpu.memory_space<vmem>>, vector<16xi32>,
        tpu.vector_store %arg15[%swap3A_589, %swap3A_590], %bitcast3A_588 {strides = array<i32>} : memref<125x64xi32, #tpu.memory_space<vmem>>, vector<16xi32>,
        %mul3A_592 = arith.constant 5 : i32
        %mul3A_593 = arith.muli %scan3A_315, %mul3A_592 : i32
        %add3A_594 = arith.constant 4 : i32
        %add3A_595 = arith.addi %mul3A_593, %add3A_594 : i32
        %bitcast3A_596 = vector.bitcast %pack3A_486 : vector<32xbf16> to vector<16xi32>
        %swap3A_597 = arith.index_cast %add3A_595 : i32 to index
        %swap3A_598 = arith.constant 0 : index
        %swap3A_599 = tpu.vector_load %arg15[%swap3A_597, %swap3A_598] {strides = array<i32>} : memref<125x64xi32, #tpu.memory_space<vmem>>, vector<16xi32>,
        tpu.vector_store %arg15[%swap3A_597, %swap3A_598], %bitcast3A_596 {strides = array<i32>} : memref<125x64xi32, #tpu.memory_space<vmem>>, vector<16xi32>,
        %bitcast3A_600 = vector.bitcast %pack3A_495 : vector<32xbf16> to vector<16xi32>
        %swap3A_601 = arith.index_cast %add3A_595 : i32 to index
        %swap3A_602 = arith.constant 16 : index
        %swap3A_603 = tpu.vector_load %arg15[%swap3A_601, %swap3A_602] {strides = array<i32>} : memref<125x64xi32, #tpu.memory_space<vmem>>, vector<16xi32>,
        tpu.vector_store %arg15[%swap3A_601, %swap3A_602], %bitcast3A_600 {strides = array<i32>} : memref<125x64xi32, #tpu.memory_space<vmem>>, vector<16xi32>,
        %bitcast3A_604 = vector.bitcast %pack3A_504 : vector<32xbf16> to vector<16xi32>
        %swap3A_605 = arith.index_cast %add3A_595 : i32 to index
        %swap3A_606 = arith.constant 32 : index
        %swap3A_607 = tpu.vector_load %arg15[%swap3A_605, %swap3A_606] {strides = array<i32>} : memref<125x64xi32, #tpu.memory_space<vmem>>, vector<16xi32>,
        tpu.vector_store %arg15[%swap3A_605, %swap3A_606], %bitcast3A_604 {strides = array<i32>} : memref<125x64xi32, #tpu.memory_space<vmem>>, vector<16xi32>,
        %bitcast3A_608 = vector.bitcast %pack3A_513 : vector<32xbf16> to vector<16xi32>
        %swap3A_609 = arith.index_cast %add3A_595 : i32 to index
        %swap3A_610 = arith.constant 48 : index
        %swap3A_611 = tpu.vector_load %arg15[%swap3A_609, %swap3A_610] {strides = array<i32>} : memref<125x64xi32, #tpu.memory_space<vmem>>, vector<16xi32>,
        tpu.vector_store %arg15[%swap3A_609, %swap3A_610], %bitcast3A_608 {strides = array<i32>} : memref<125x64xi32, #tpu.memory_space<vmem>>, vector<16xi32>,
      }
      %scan3A_308 = arith.constant 25 : i32
      %dma_start3A_309 = arith.constant 0 : i32
      %dma_start3A_310 = tpu.memref_slice %arg6[%arg0, %add3A_278, %dma_start3A_309] : memref<2x10000x64xi32, #tpu.memory_space<hbm>> -> memref<1x125x64xi32, #tpu.memory_space<hbm>>
      %dma_start3A_311 = tpu.memref_squeeze %dma_start3A_310 : memref<1x125x64xi32, #tpu.memory_space<hbm>> -> memref<125x64xi32, #tpu.memory_space<hbm>>
      %dma_start3A_312 = arith.constant 0 : i32
      %dma_start3A_313 = tpu.memref_slice %arg6[%arg0, %add3A_278, %dma_start3A_312] : memref<2x10000x64xi32, #tpu.memory_space<hbm>> -> memref<1x125x64xi32, #tpu.memory_space<hbm>>
      %dma_start3A_314 = tpu.memref_squeeze %dma_start3A_313 : memref<1x125x64xi32, #tpu.memory_space<hbm>> -> memref<125x64xi32, #tpu.memory_space<hbm>>
      tpu.enqueue_dma source(%arg15 : memref<125x64xi32, #tpu.memory_space<vmem>>) target(%dma_start3A_314 : memref<125x64xi32, #tpu.memory_space<hbm>>) target_semaphore(%arg18 : memref<!tpu.dma_semaphore, #tpu.memory_space<semaphore_mem>>)
    }
    %scan3A_40 = arith.constant 5 : i32
    %dma_wait3A = arith.constant 0 : i32
    %dma_wait3A_41 = arith.constant 0 : i32
    %dma_wait3A_42 = tpu.memref_slice %arg6[%arg0, %dma_wait3A, %dma_wait3A_41] : memref<2x10000x64xi32, #tpu.memory_space<hbm>> -> memref<1x125x64xi32, #tpu.memory_space<hbm>>
    %dma_wait3A_43 = tpu.memref_squeeze %dma_wait3A_42 : memref<1x125x64xi32, #tpu.memory_space<hbm>> -> memref<125x64xi32, #tpu.memory_space<hbm>>
    %dma_wait3A_44 = arith.constant 0 : i32
    %dma_wait3A_45 = arith.constant 0 : i32
    %dma_wait3A_46 = tpu.memref_slice %arg6[%arg0, %dma_wait3A_44, %dma_wait3A_45] : memref<2x10000x64xi32, #tpu.memory_space<hbm>> -> memref<1x125x64xi32, #tpu.memory_space<hbm>>
    %dma_wait3A_47 = tpu.memref_squeeze %dma_wait3A_46 : memref<1x125x64xi32, #tpu.memory_space<hbm>> -> memref<125x64xi32, #tpu.memory_space<hbm>>
    tpu.wait_dma2 semaphore(%arg18 : memref<!tpu.dma_semaphore, #tpu.memory_space<semaphore_mem>>) src(%arg15 : memref<125x64xi32, #tpu.memory_space<vmem>>) dst(%dma_wait3A_47 : memref<125x64xi32, #tpu.memory_space<hbm>>)
    %mul3A_48 = arith.constant 625 : i32
    %mul3A_49 = arith.muli %arg1, %mul3A_48 : i32
    %dma_start3A_50 = arith.constant 0 : i32
    %dma_start3A_51 = arith.constant 0 : i32
    %dma_start3A_52 = arith.constant 0 : i32
    %dma_start3A_53 = arith.constant 0 : i32
    %dma_start3A_54 = tpu.memref_slice %arg14[%dma_start3A_50, %dma_start3A_52, %dma_start3A_53] : memref<2x125x128xf32, #tpu.memory_space<vmem>> -> memref<1x125x128xf32, #tpu.memory_space<vmem>>
    %dma_start3A_55 = tpu.memref_squeeze %dma_start3A_54 : memref<1x125x128xf32, #tpu.memory_space<vmem>> -> memref<125x128xf32, #tpu.memory_space<vmem>>
    %dma_start3A_56 = arith.constant 0 : i32
    %dma_start3A_57 = tpu.memref_slice %arg3[%mul3A_49, %dma_start3A_56] : memref<10000x128xf32, #tpu.memory_space<hbm>> -> memref<125x128xf32, #tpu.memory_space<hbm>>
    %dma_start3A_58 = tpu.memref_slice %arg17[%dma_start3A_51] : memref<2x!tpu.dma_semaphore, #tpu.memory_space<semaphore_mem>> -> memref<1x!tpu.dma_semaphore, #tpu.memory_space<semaphore_mem>>
    %dma_start3A_59 = tpu.memref_squeeze %dma_start3A_58 : memref<1x!tpu.dma_semaphore, #tpu.memory_space<semaphore_mem>> -> memref<!tpu.dma_semaphore, #tpu.memory_space<semaphore_mem>>
    %dma_start3A_60 = arith.constant 0 : i32
    %dma_start3A_61 = arith.constant 0 : i32
    %dma_start3A_62 = tpu.memref_slice %arg14[%dma_start3A_50, %dma_start3A_60, %dma_start3A_61] : memref<2x125x128xf32, #tpu.memory_space<vmem>> -> memref<1x125x128xf32, #tpu.memory_space<vmem>>
    %dma_start3A_63 = tpu.memref_squeeze %dma_start3A_62 : memref<1x125x128xf32, #tpu.memory_space<vmem>> -> memref<125x128xf32, #tpu.memory_space<vmem>>
    %dma_start3A_64 = arith.constant 0 : i32
    %dma_start3A_65 = tpu.memref_slice %arg3[%mul3A_49, %dma_start3A_64] : memref<10000x128xf32, #tpu.memory_space<hbm>> -> memref<125x128xf32, #tpu.memory_space<hbm>>
    tpu.enqueue_dma source(%dma_start3A_65 : memref<125x128xf32, #tpu.memory_space<hbm>>) target(%dma_start3A_63 : memref<125x128xf32, #tpu.memory_space<vmem>>) target_semaphore(%dma_start3A_59 : memref<!tpu.dma_semaphore, #tpu.memory_space<semaphore_mem>>)
    %scan3A_66 = arith.constant 0 : i32
    %scan3A_67 = arith.constant 0 : i32
    %scan3A_68 = arith.constant 5 : i32
    %scan3A_69 = arith.addi %scan3A_67, %scan3A_68 : i32
    %scan3A_70 = arith.constant 1 : i32
    scf.for %scan3A_272 = %scan3A_67 to %scan3A_69 step %scan3A_70  : i32 {
      %rem3A = arith.constant 2 : i32
      %rem3A_273 = arith.remsi %scan3A_272, %rem3A : i32
      %mul3A_274 = arith.constant 625 : i32
      %mul3A_275 = arith.muli %arg1, %mul3A_274 : i32
      %mul3A_276 = arith.constant 125 : i32
      %mul3A_277 = arith.muli %scan3A_272, %mul3A_276 : i32
      %add3A_278 = arith.addi %mul3A_275, %mul3A_277 : i32
      %dma_wait3A_279 = arith.constant 0 : i32
      %dma_wait3A_280 = arith.constant 0 : i32
      %dma_wait3A_281 = tpu.memref_slice %arg14[%rem3A_273, %dma_wait3A_279, %dma_wait3A_280] : memref<2x125x128xf32, #tpu.memory_space<vmem>> -> memref<1x125x128xf32, #tpu.memory_space<vmem>>
      %dma_wait3A_282 = tpu.memref_squeeze %dma_wait3A_281 : memref<1x125x128xf32, #tpu.memory_space<vmem>> -> memref<125x128xf32, #tpu.memory_space<vmem>>
      %dma_wait3A_283 = arith.constant 0 : i32
      %dma_wait3A_284 = arith.constant 0 : i32
      %dma_wait3A_285 = tpu.memref_slice %arg3[%dma_wait3A_283, %dma_wait3A_284] : memref<10000x128xf32, #tpu.memory_space<hbm>> -> memref<125x128xf32, #tpu.memory_space<hbm>>
      %dma_wait3A_286 = tpu.memref_slice %arg17[%rem3A_273] : memref<2x!tpu.dma_semaphore, #tpu.memory_space<semaphore_mem>> -> memref<1x!tpu.dma_semaphore, #tpu.memory_space<semaphore_mem>>
      %dma_wait3A_287 = tpu.memref_squeeze %dma_wait3A_286 : memref<1x!tpu.dma_semaphore, #tpu.memory_space<semaphore_mem>> -> memref<!tpu.dma_semaphore, #tpu.memory_space<semaphore_mem>>
      %dma_wait3A_288 = arith.constant 0 : i32
      %dma_wait3A_289 = arith.constant 0 : i32
      %dma_wait3A_290 = tpu.memref_slice %arg14[%rem3A_273, %dma_wait3A_288, %dma_wait3A_289] : memref<2x125x128xf32, #tpu.memory_space<vmem>> -> memref<1x125x128xf32, #tpu.memory_space<vmem>>
      %dma_wait3A_291 = tpu.memref_squeeze %dma_wait3A_290 : memref<1x125x128xf32, #tpu.memory_space<vmem>> -> memref<125x128xf32, #tpu.memory_space<vmem>>
      %dma_wait3A_292 = arith.constant 0 : i32
      %dma_wait3A_293 = arith.constant 0 : i32
      %dma_wait3A_294 = tpu.memref_slice %arg3[%dma_wait3A_292, %dma_wait3A_293] : memref<10000x128xf32, #tpu.memory_space<hbm>> -> memref<125x128xf32, #tpu.memory_space<hbm>>
      tpu.wait_dma2 semaphore(%dma_wait3A_287 : memref<!tpu.dma_semaphore, #tpu.memory_space<semaphore_mem>>) src(%dma_wait3A_294 : memref<125x128xf32, #tpu.memory_space<hbm>>) dst(%dma_wait3A_291 : memref<125x128xf32, #tpu.memory_space<vmem>>)
      %add3A_295 = arith.constant 1 : i32
      %add3A_296 = arith.addi %scan3A_272, %add3A_295 : i32
      %lt3A = arith.constant 5 : i32
      %lt3A_297 = arith.cmpi slt, %add3A_296, %lt3A : i32
      %convert_element_type3A = arith.extui %lt3A_297 : i1 to i32
      %cond3A = arith.constant 0 : i32
      %cond3A_298 = arith.cmpi ne, %convert_element_type3A, %cond3A : i32
      scf.if %cond3A_298 {
        %add3A_315 = arith.constant 125 : i32
        %add3A_316 = arith.addi %add3A_278, %add3A_315 : i32
        %sub3A = arith.constant 1 : i32
        %sub3A_317 = arith.subi %sub3A, %rem3A_273 : i32
        %sub3A_318 = arith.constant 1 : i32
        %sub3A_319 = arith.subi %sub3A_318, %rem3A_273 : i32
        %dma_start3A_320 = arith.constant 0 : i32
        %dma_start3A_321 = arith.constant 0 : i32
        %dma_start3A_322 = tpu.memref_slice %arg14[%sub3A_317, %dma_start3A_320, %dma_start3A_321] : memref<2x125x128xf32, #tpu.memory_space<vmem>> -> memref<1x125x128xf32, #tpu.memory_space<vmem>>
        %dma_start3A_323 = tpu.memref_squeeze %dma_start3A_322 : memref<1x125x128xf32, #tpu.memory_space<vmem>> -> memref<125x128xf32, #tpu.memory_space<vmem>>
        %dma_start3A_324 = arith.constant 0 : i32
        %dma_start3A_325 = tpu.memref_slice %arg3[%add3A_316, %dma_start3A_324] : memref<10000x128xf32, #tpu.memory_space<hbm>> -> memref<125x128xf32, #tpu.memory_space<hbm>>
        %dma_start3A_326 = tpu.memref_slice %arg17[%sub3A_319] : memref<2x!tpu.dma_semaphore, #tpu.memory_space<semaphore_mem>> -> memref<1x!tpu.dma_semaphore, #tpu.memory_space<semaphore_mem>>
        %dma_start3A_327 = tpu.memref_squeeze %dma_start3A_326 : memref<1x!tpu.dma_semaphore, #tpu.memory_space<semaphore_mem>> -> memref<!tpu.dma_semaphore, #tpu.memory_space<semaphore_mem>>
        %dma_start3A_328 = arith.constant 0 : i32
        %dma_start3A_329 = arith.constant 0 : i32
        %dma_start3A_330 = tpu.memref_slice %arg14[%sub3A_317, %dma_start3A_328, %dma_start3A_329] : memref<2x125x128xf32, #tpu.memory_space<vmem>> -> memref<1x125x128xf32, #tpu.memory_space<vmem>>
        %dma_start3A_331 = tpu.memref_squeeze %dma_start3A_330 : memref<1x125x128xf32, #tpu.memory_space<vmem>> -> memref<125x128xf32, #tpu.memory_space<vmem>>
        %dma_start3A_332 = arith.constant 0 : i32
        %dma_start3A_333 = tpu.memref_slice %arg3[%add3A_316, %dma_start3A_332] : memref<10000x128xf32, #tpu.memory_space<hbm>> -> memref<125x128xf32, #tpu.memory_space<hbm>>
        tpu.enqueue_dma source(%dma_start3A_333 : memref<125x128xf32, #tpu.memory_space<hbm>>) target(%dma_start3A_331 : memref<125x128xf32, #tpu.memory_space<vmem>>) target_semaphore(%dma_start3A_327 : memref<!tpu.dma_semaphore, #tpu.memory_space<semaphore_mem>>)
      } else {
      }
      %ge3A = arith.constant 1 : i32
      %ge3A_299 = arith.cmpi sge, %scan3A_272, %ge3A : i32
      %convert_element_type3A_300 = arith.extui %ge3A_299 : i1 to i32
      %cond3A_301 = arith.constant 0 : i32
      %cond3A_302 = arith.cmpi ne, %convert_element_type3A_300, %cond3A_301 : i32
      scf.if %cond3A_302 {
        %dma_wait3A_315 = arith.constant 0 : i32
        %dma_wait3A_316 = arith.constant 0 : i32
        %dma_wait3A_317 = tpu.memref_slice %arg7[%arg0, %dma_wait3A_315, %dma_wait3A_316] : memref<2x10000x64xi32, #tpu.memory_space<hbm>> -> memref<1x125x64xi32, #tpu.memory_space<hbm>>
        %dma_wait3A_318 = tpu.memref_squeeze %dma_wait3A_317 : memref<1x125x64xi32, #tpu.memory_space<hbm>> -> memref<125x64xi32, #tpu.memory_space<hbm>>
        %dma_wait3A_319 = arith.constant 0 : i32
        %dma_wait3A_320 = arith.constant 0 : i32
        %dma_wait3A_321 = tpu.memref_slice %arg7[%arg0, %dma_wait3A_319, %dma_wait3A_320] : memref<2x10000x64xi32, #tpu.memory_space<hbm>> -> memref<1x125x64xi32, #tpu.memory_space<hbm>>
        %dma_wait3A_322 = tpu.memref_squeeze %dma_wait3A_321 : memref<1x125x64xi32, #tpu.memory_space<hbm>> -> memref<125x64xi32, #tpu.memory_space<hbm>>
        tpu.wait_dma2 semaphore(%arg18 : memref<!tpu.dma_semaphore, #tpu.memory_space<semaphore_mem>>) src(%arg15 : memref<125x64xi32, #tpu.memory_space<vmem>>) dst(%dma_wait3A_322 : memref<125x64xi32, #tpu.memory_space<hbm>>)
      } else {
      }
      %scan3A_303 = arith.constant 0 : i32
      %scan3A_304 = arith.constant 0 : i32
      %scan3A_305 = arith.constant 25 : i32
      %scan3A_306 = arith.addi %scan3A_304, %scan3A_305 : i32
      %scan3A_307 = arith.constant 1 : i32
      scf.for %scan3A_315 = %scan3A_304 to %scan3A_306 step %scan3A_307  : i32 {
        %mul3A_316 = arith.constant 5 : i32
        %mul3A_317 = arith.muli %scan3A_315, %mul3A_316 : i32
        %add3A_318 = arith.constant 0 : i32
        %add3A_319 = arith.addi %mul3A_317, %add3A_318 : i32
        %get3A = arith.index_cast %rem3A_273 : i32 to index
        %get3A_320 = arith.index_cast %add3A_319 : i32 to index
        %get3A_321 = arith.constant 0 : index
        %get3A_322 = tpu.vector_load %arg14[%get3A, %get3A_320, %get3A_321] {strides = array<i32>} : memref<2x125x128xf32, #tpu.memory_space<vmem>>, vector<16xf32>,
        %get3A_323 = arith.index_cast %rem3A_273 : i32 to index
        %get3A_324 = arith.index_cast %add3A_319 : i32 to index
        %get3A_325 = arith.constant 64 : index
        %get3A_326 = tpu.vector_load %arg14[%get3A_323, %get3A_324, %get3A_325] {strides = array<i32>} : memref<2x125x128xf32, #tpu.memory_space<vmem>>, vector<16xf32>,
        %pack3A = tpu.pack_subelements %get3A_322, %get3A_326 {pack_format = #tpu.pack_format<interleaved>, positions = array<i32: 0, 1>} : vector<16xf32>, vector<16xf32> -> vector<32xbf16>
        %get3A_327 = arith.index_cast %rem3A_273 : i32 to index
        %get3A_328 = arith.index_cast %add3A_319 : i32 to index
        %get3A_329 = arith.constant 16 : index
        %get3A_330 = tpu.vector_load %arg14[%get3A_327, %get3A_328, %get3A_329] {strides = array<i32>} : memref<2x125x128xf32, #tpu.memory_space<vmem>>, vector<16xf32>,
        %get3A_331 = arith.index_cast %rem3A_273 : i32 to index
        %get3A_332 = arith.index_cast %add3A_319 : i32 to index
        %get3A_333 = arith.constant 80 : index
        %get3A_334 = tpu.vector_load %arg14[%get3A_331, %get3A_332, %get3A_333] {strides = array<i32>} : memref<2x125x128xf32, #tpu.memory_space<vmem>>, vector<16xf32>,
        %pack3A_335 = tpu.pack_subelements %get3A_330, %get3A_334 {pack_format = #tpu.pack_format<interleaved>, positions = array<i32: 0, 1>} : vector<16xf32>, vector<16xf32> -> vector<32xbf16>
        %get3A_336 = arith.index_cast %rem3A_273 : i32 to index
        %get3A_337 = arith.index_cast %add3A_319 : i32 to index
        %get3A_338 = arith.constant 32 : index
        %get3A_339 = tpu.vector_load %arg14[%get3A_336, %get3A_337, %get3A_338] {strides = array<i32>} : memref<2x125x128xf32, #tpu.memory_space<vmem>>, vector<16xf32>,
        %get3A_340 = arith.index_cast %rem3A_273 : i32 to index
        %get3A_341 = arith.index_cast %add3A_319 : i32 to index
        %get3A_342 = arith.constant 96 : index
        %get3A_343 = tpu.vector_load %arg14[%get3A_340, %get3A_341, %get3A_342] {strides = array<i32>} : memref<2x125x128xf32, #tpu.memory_space<vmem>>, vector<16xf32>,
        %pack3A_344 = tpu.pack_subelements %get3A_339, %get3A_343 {pack_format = #tpu.pack_format<interleaved>, positions = array<i32: 0, 1>} : vector<16xf32>, vector<16xf32> -> vector<32xbf16>
        %get3A_345 = arith.index_cast %rem3A_273 : i32 to index
        %get3A_346 = arith.index_cast %add3A_319 : i32 to index
        %get3A_347 = arith.constant 48 : index
        %get3A_348 = tpu.vector_load %arg14[%get3A_345, %get3A_346, %get3A_347] {strides = array<i32>} : memref<2x125x128xf32, #tpu.memory_space<vmem>>, vector<16xf32>,
        %get3A_349 = arith.index_cast %rem3A_273 : i32 to index
        %get3A_350 = arith.index_cast %add3A_319 : i32 to index
        %get3A_351 = arith.constant 112 : index
        %get3A_352 = tpu.vector_load %arg14[%get3A_349, %get3A_350, %get3A_351] {strides = array<i32>} : memref<2x125x128xf32, #tpu.memory_space<vmem>>, vector<16xf32>,
        %pack3A_353 = tpu.pack_subelements %get3A_348, %get3A_352 {pack_format = #tpu.pack_format<interleaved>, positions = array<i32: 0, 1>} : vector<16xf32>, vector<16xf32> -> vector<32xbf16>
        %mul3A_354 = arith.constant 5 : i32
        %mul3A_355 = arith.muli %scan3A_315, %mul3A_354 : i32
        %add3A_356 = arith.constant 1 : i32
        %add3A_357 = arith.addi %mul3A_355, %add3A_356 : i32
        %get3A_358 = arith.index_cast %rem3A_273 : i32 to index
        %get3A_359 = arith.index_cast %add3A_357 : i32 to index
        %get3A_360 = arith.constant 0 : index
        %get3A_361 = tpu.vector_load %arg14[%get3A_358, %get3A_359, %get3A_360] {strides = array<i32>} : memref<2x125x128xf32, #tpu.memory_space<vmem>>, vector<16xf32>,
        %get3A_362 = arith.index_cast %rem3A_273 : i32 to index
        %get3A_363 = arith.index_cast %add3A_357 : i32 to index
        %get3A_364 = arith.constant 64 : index
        %get3A_365 = tpu.vector_load %arg14[%get3A_362, %get3A_363, %get3A_364] {strides = array<i32>} : memref<2x125x128xf32, #tpu.memory_space<vmem>>, vector<16xf32>,
        %pack3A_366 = tpu.pack_subelements %get3A_361, %get3A_365 {pack_format = #tpu.pack_format<interleaved>, positions = array<i32: 0, 1>} : vector<16xf32>, vector<16xf32> -> vector<32xbf16>
        %get3A_367 = arith.index_cast %rem3A_273 : i32 to index
        %get3A_368 = arith.index_cast %add3A_357 : i32 to index
        %get3A_369 = arith.constant 16 : index
        %get3A_370 = tpu.vector_load %arg14[%get3A_367, %get3A_368, %get3A_369] {strides = array<i32>} : memref<2x125x128xf32, #tpu.memory_space<vmem>>, vector<16xf32>,
        %get3A_371 = arith.index_cast %rem3A_273 : i32 to index
        %get3A_372 = arith.index_cast %add3A_357 : i32 to index
        %get3A_373 = arith.constant 80 : index
        %get3A_374 = tpu.vector_load %arg14[%get3A_371, %get3A_372, %get3A_373] {strides = array<i32>} : memref<2x125x128xf32, #tpu.memory_space<vmem>>, vector<16xf32>,
        %pack3A_375 = tpu.pack_subelements %get3A_370, %get3A_374 {pack_format = #tpu.pack_format<interleaved>, positions = array<i32: 0, 1>} : vector<16xf32>, vector<16xf32> -> vector<32xbf16>
        %get3A_376 = arith.index_cast %rem3A_273 : i32 to index
        %get3A_377 = arith.index_cast %add3A_357 : i32 to index
        %get3A_378 = arith.constant 32 : index
        %get3A_379 = tpu.vector_load %arg14[%get3A_376, %get3A_377, %get3A_378] {strides = array<i32>} : memref<2x125x128xf32, #tpu.memory_space<vmem>>, vector<16xf32>,
        %get3A_380 = arith.index_cast %rem3A_273 : i32 to index
        %get3A_381 = arith.index_cast %add3A_357 : i32 to index
        %get3A_382 = arith.constant 96 : index
        %get3A_383 = tpu.vector_load %arg14[%get3A_380, %get3A_381, %get3A_382] {strides = array<i32>} : memref<2x125x128xf32, #tpu.memory_space<vmem>>, vector<16xf32>,
        %pack3A_384 = tpu.pack_subelements %get3A_379, %get3A_383 {pack_format = #tpu.pack_format<interleaved>, positions = array<i32: 0, 1>} : vector<16xf32>, vector<16xf32> -> vector<32xbf16>
        %get3A_385 = arith.index_cast %rem3A_273 : i32 to index
        %get3A_386 = arith.index_cast %add3A_357 : i32 to index
        %get3A_387 = arith.constant 48 : index
        %get3A_388 = tpu.vector_load %arg14[%get3A_385, %get3A_386, %get3A_387] {strides = array<i32>} : memref<2x125x128xf32, #tpu.memory_space<vmem>>, vector<16xf32>,
        %get3A_389 = arith.index_cast %rem3A_273 : i32 to index
        %get3A_390 = arith.index_cast %add3A_357 : i32 to index
        %get3A_391 = arith.constant 112 : index
        %get3A_392 = tpu.vector_load %arg14[%get3A_389, %get3A_390, %get3A_391] {strides = array<i32>} : memref<2x125x128xf32, #tpu.memory_space<vmem>>, vector<16xf32>,
        %pack3A_393 = tpu.pack_subelements %get3A_388, %get3A_392 {pack_format = #tpu.pack_format<interleaved>, positions = array<i32: 0, 1>} : vector<16xf32>, vector<16xf32> -> vector<32xbf16>
        %mul3A_394 = arith.constant 5 : i32
        %mul3A_395 = arith.muli %scan3A_315, %mul3A_394 : i32
        %add3A_396 = arith.constant 2 : i32
        %add3A_397 = arith.addi %mul3A_395, %add3A_396 : i32
        %get3A_398 = arith.index_cast %rem3A_273 : i32 to index
        %get3A_399 = arith.index_cast %add3A_397 : i32 to index
        %get3A_400 = arith.constant 0 : index
        %get3A_401 = tpu.vector_load %arg14[%get3A_398, %get3A_399, %get3A_400] {strides = array<i32>} : memref<2x125x128xf32, #tpu.memory_space<vmem>>, vector<16xf32>,
        %get3A_402 = arith.index_cast %rem3A_273 : i32 to index
        %get3A_403 = arith.index_cast %add3A_397 : i32 to index
        %get3A_404 = arith.constant 64 : index
        %get3A_405 = tpu.vector_load %arg14[%get3A_402, %get3A_403, %get3A_404] {strides = array<i32>} : memref<2x125x128xf32, #tpu.memory_space<vmem>>, vector<16xf32>,
        %pack3A_406 = tpu.pack_subelements %get3A_401, %get3A_405 {pack_format = #tpu.pack_format<interleaved>, positions = array<i32: 0, 1>} : vector<16xf32>, vector<16xf32> -> vector<32xbf16>
        %get3A_407 = arith.index_cast %rem3A_273 : i32 to index
        %get3A_408 = arith.index_cast %add3A_397 : i32 to index
        %get3A_409 = arith.constant 16 : index
        %get3A_410 = tpu.vector_load %arg14[%get3A_407, %get3A_408, %get3A_409] {strides = array<i32>} : memref<2x125x128xf32, #tpu.memory_space<vmem>>, vector<16xf32>,
        %get3A_411 = arith.index_cast %rem3A_273 : i32 to index
        %get3A_412 = arith.index_cast %add3A_397 : i32 to index
        %get3A_413 = arith.constant 80 : index
        %get3A_414 = tpu.vector_load %arg14[%get3A_411, %get3A_412, %get3A_413] {strides = array<i32>} : memref<2x125x128xf32, #tpu.memory_space<vmem>>, vector<16xf32>,
        %pack3A_415 = tpu.pack_subelements %get3A_410, %get3A_414 {pack_format = #tpu.pack_format<interleaved>, positions = array<i32: 0, 1>} : vector<16xf32>, vector<16xf32> -> vector<32xbf16>
        %get3A_416 = arith.index_cast %rem3A_273 : i32 to index
        %get3A_417 = arith.index_cast %add3A_397 : i32 to index
        %get3A_418 = arith.constant 32 : index
        %get3A_419 = tpu.vector_load %arg14[%get3A_416, %get3A_417, %get3A_418] {strides = array<i32>} : memref<2x125x128xf32, #tpu.memory_space<vmem>>, vector<16xf32>,
        %get3A_420 = arith.index_cast %rem3A_273 : i32 to index
        %get3A_421 = arith.index_cast %add3A_397 : i32 to index
        %get3A_422 = arith.constant 96 : index
        %get3A_423 = tpu.vector_load %arg14[%get3A_420, %get3A_421, %get3A_422] {strides = array<i32>} : memref<2x125x128xf32, #tpu.memory_space<vmem>>, vector<16xf32>,
        %pack3A_424 = tpu.pack_subelements %get3A_419, %get3A_423 {pack_format = #tpu.pack_format<interleaved>, positions = array<i32: 0, 1>} : vector<16xf32>, vector<16xf32> -> vector<32xbf16>
        %get3A_425 = arith.index_cast %rem3A_273 : i32 to index
        %get3A_426 = arith.index_cast %add3A_397 : i32 to index
        %get3A_427 = arith.constant 48 : index
        %get3A_428 = tpu.vector_load %arg14[%get3A_425, %get3A_426, %get3A_427] {strides = array<i32>} : memref<2x125x128xf32, #tpu.memory_space<vmem>>, vector<16xf32>,
        %get3A_429 = arith.index_cast %rem3A_273 : i32 to index
        %get3A_430 = arith.index_cast %add3A_397 : i32 to index
        %get3A_431 = arith.constant 112 : index
        %get3A_432 = tpu.vector_load %arg14[%get3A_429, %get3A_430, %get3A_431] {strides = array<i32>} : memref<2x125x128xf32, #tpu.memory_space<vmem>>, vector<16xf32>,
        %pack3A_433 = tpu.pack_subelements %get3A_428, %get3A_432 {pack_format = #tpu.pack_format<interleaved>, positions = array<i32: 0, 1>} : vector<16xf32>, vector<16xf32> -> vector<32xbf16>
        %mul3A_434 = arith.constant 5 : i32
        %mul3A_435 = arith.muli %scan3A_315, %mul3A_434 : i32
        %add3A_436 = arith.constant 3 : i32
        %add3A_437 = arith.addi %mul3A_435, %add3A_436 : i32
        %get3A_438 = arith.index_cast %rem3A_273 : i32 to index
        %get3A_439 = arith.index_cast %add3A_437 : i32 to index
        %get3A_440 = arith.constant 0 : index
        %get3A_441 = tpu.vector_load %arg14[%get3A_438, %get3A_439, %get3A_440] {strides = array<i32>} : memref<2x125x128xf32, #tpu.memory_space<vmem>>, vector<16xf32>,
        %get3A_442 = arith.index_cast %rem3A_273 : i32 to index
        %get3A_443 = arith.index_cast %add3A_437 : i32 to index
        %get3A_444 = arith.constant 64 : index
        %get3A_445 = tpu.vector_load %arg14[%get3A_442, %get3A_443, %get3A_444] {strides = array<i32>} : memref<2x125x128xf32, #tpu.memory_space<vmem>>, vector<16xf32>,
        %pack3A_446 = tpu.pack_subelements %get3A_441, %get3A_445 {pack_format = #tpu.pack_format<interleaved>, positions = array<i32: 0, 1>} : vector<16xf32>, vector<16xf32> -> vector<32xbf16>
        %get3A_447 = arith.index_cast %rem3A_273 : i32 to index
        %get3A_448 = arith.index_cast %add3A_437 : i32 to index
        %get3A_449 = arith.constant 16 : index
        %get3A_450 = tpu.vector_load %arg14[%get3A_447, %get3A_448, %get3A_449] {strides = array<i32>} : memref<2x125x128xf32, #tpu.memory_space<vmem>>, vector<16xf32>,
        %get3A_451 = arith.index_cast %rem3A_273 : i32 to index
        %get3A_452 = arith.index_cast %add3A_437 : i32 to index
        %get3A_453 = arith.constant 80 : index
        %get3A_454 = tpu.vector_load %arg14[%get3A_451, %get3A_452, %get3A_453] {strides = array<i32>} : memref<2x125x128xf32, #tpu.memory_space<vmem>>, vector<16xf32>,
        %pack3A_455 = tpu.pack_subelements %get3A_450, %get3A_454 {pack_format = #tpu.pack_format<interleaved>, positions = array<i32: 0, 1>} : vector<16xf32>, vector<16xf32> -> vector<32xbf16>
        %get3A_456 = arith.index_cast %rem3A_273 : i32 to index
        %get3A_457 = arith.index_cast %add3A_437 : i32 to index
        %get3A_458 = arith.constant 32 : index
        %get3A_459 = tpu.vector_load %arg14[%get3A_456, %get3A_457, %get3A_458] {strides = array<i32>} : memref<2x125x128xf32, #tpu.memory_space<vmem>>, vector<16xf32>,
        %get3A_460 = arith.index_cast %rem3A_273 : i32 to index
        %get3A_461 = arith.index_cast %add3A_437 : i32 to index
        %get3A_462 = arith.constant 96 : index
        %get3A_463 = tpu.vector_load %arg14[%get3A_460, %get3A_461, %get3A_462] {strides = array<i32>} : memref<2x125x128xf32, #tpu.memory_space<vmem>>, vector<16xf32>,
        %pack3A_464 = tpu.pack_subelements %get3A_459, %get3A_463 {pack_format = #tpu.pack_format<interleaved>, positions = array<i32: 0, 1>} : vector<16xf32>, vector<16xf32> -> vector<32xbf16>
        %get3A_465 = arith.index_cast %rem3A_273 : i32 to index
        %get3A_466 = arith.index_cast %add3A_437 : i32 to index
        %get3A_467 = arith.constant 48 : index
        %get3A_468 = tpu.vector_load %arg14[%get3A_465, %get3A_466, %get3A_467] {strides = array<i32>} : memref<2x125x128xf32, #tpu.memory_space<vmem>>, vector<16xf32>,
        %get3A_469 = arith.index_cast %rem3A_273 : i32 to index
        %get3A_470 = arith.index_cast %add3A_437 : i32 to index
        %get3A_471 = arith.constant 112 : index
        %get3A_472 = tpu.vector_load %arg14[%get3A_469, %get3A_470, %get3A_471] {strides = array<i32>} : memref<2x125x128xf32, #tpu.memory_space<vmem>>, vector<16xf32>,
        %pack3A_473 = tpu.pack_subelements %get3A_468, %get3A_472 {pack_format = #tpu.pack_format<interleaved>, positions = array<i32: 0, 1>} : vector<16xf32>, vector<16xf32> -> vector<32xbf16>
        %mul3A_474 = arith.constant 5 : i32
        %mul3A_475 = arith.muli %scan3A_315, %mul3A_474 : i32
        %add3A_476 = arith.constant 4 : i32
        %add3A_477 = arith.addi %mul3A_475, %add3A_476 : i32
        %get3A_478 = arith.index_cast %rem3A_273 : i32 to index
        %get3A_479 = arith.index_cast %add3A_477 : i32 to index
        %get3A_480 = arith.constant 0 : index
        %get3A_481 = tpu.vector_load %arg14[%get3A_478, %get3A_479, %get3A_480] {strides = array<i32>} : memref<2x125x128xf32, #tpu.memory_space<vmem>>, vector<16xf32>,
        %get3A_482 = arith.index_cast %rem3A_273 : i32 to index
        %get3A_483 = arith.index_cast %add3A_477 : i32 to index
        %get3A_484 = arith.constant 64 : index
        %get3A_485 = tpu.vector_load %arg14[%get3A_482, %get3A_483, %get3A_484] {strides = array<i32>} : memref<2x125x128xf32, #tpu.memory_space<vmem>>, vector<16xf32>,
        %pack3A_486 = tpu.pack_subelements %get3A_481, %get3A_485 {pack_format = #tpu.pack_format<interleaved>, positions = array<i32: 0, 1>} : vector<16xf32>, vector<16xf32> -> vector<32xbf16>
        %get3A_487 = arith.index_cast %rem3A_273 : i32 to index
        %get3A_488 = arith.index_cast %add3A_477 : i32 to index
        %get3A_489 = arith.constant 16 : index
        %get3A_490 = tpu.vector_load %arg14[%get3A_487, %get3A_488, %get3A_489] {strides = array<i32>} : memref<2x125x128xf32, #tpu.memory_space<vmem>>, vector<16xf32>,
        %get3A_491 = arith.index_cast %rem3A_273 : i32 to index
        %get3A_492 = arith.index_cast %add3A_477 : i32 to index
        %get3A_493 = arith.constant 80 : index
        %get3A_494 = tpu.vector_load %arg14[%get3A_491, %get3A_492, %get3A_493] {strides = array<i32>} : memref<2x125x128xf32, #tpu.memory_space<vmem>>, vector<16xf32>,
        %pack3A_495 = tpu.pack_subelements %get3A_490, %get3A_494 {pack_format = #tpu.pack_format<interleaved>, positions = array<i32: 0, 1>} : vector<16xf32>, vector<16xf32> -> vector<32xbf16>
        %get3A_496 = arith.index_cast %rem3A_273 : i32 to index
        %get3A_497 = arith.index_cast %add3A_477 : i32 to index
        %get3A_498 = arith.constant 32 : index
        %get3A_499 = tpu.vector_load %arg14[%get3A_496, %get3A_497, %get3A_498] {strides = array<i32>} : memref<2x125x128xf32, #tpu.memory_space<vmem>>, vector<16xf32>,
        %get3A_500 = arith.index_cast %rem3A_273 : i32 to index
        %get3A_501 = arith.index_cast %add3A_477 : i32 to index
        %get3A_502 = arith.constant 96 : index
        %get3A_503 = tpu.vector_load %arg14[%get3A_500, %get3A_501, %get3A_502] {strides = array<i32>} : memref<2x125x128xf32, #tpu.memory_space<vmem>>, vector<16xf32>,
        %pack3A_504 = tpu.pack_subelements %get3A_499, %get3A_503 {pack_format = #tpu.pack_format<interleaved>, positions = array<i32: 0, 1>} : vector<16xf32>, vector<16xf32> -> vector<32xbf16>
        %get3A_505 = arith.index_cast %rem3A_273 : i32 to index
        %get3A_506 = arith.index_cast %add3A_477 : i32 to index
        %get3A_507 = arith.constant 48 : index
        %get3A_508 = tpu.vector_load %arg14[%get3A_505, %get3A_506, %get3A_507] {strides = array<i32>} : memref<2x125x128xf32, #tpu.memory_space<vmem>>, vector<16xf32>,
        %get3A_509 = arith.index_cast %rem3A_273 : i32 to index
        %get3A_510 = arith.index_cast %add3A_477 : i32 to index
        %get3A_511 = arith.constant 112 : index
        %get3A_512 = tpu.vector_load %arg14[%get3A_509, %get3A_510, %get3A_511] {strides = array<i32>} : memref<2x125x128xf32, #tpu.memory_space<vmem>>, vector<16xf32>,
        %pack3A_513 = tpu.pack_subelements %get3A_508, %get3A_512 {pack_format = #tpu.pack_format<interleaved>, positions = array<i32: 0, 1>} : vector<16xf32>, vector<16xf32> -> vector<32xbf16>
        %mul3A_514 = arith.constant 5 : i32
        %mul3A_515 = arith.muli %scan3A_315, %mul3A_514 : i32
        %add3A_516 = arith.constant 0 : i32
        %add3A_517 = arith.addi %mul3A_515, %add3A_516 : i32
        %bitcast3A = vector.bitcast %pack3A : vector<32xbf16> to vector<16xi32>
        %swap3A = arith.index_cast %add3A_517 : i32 to index
        %swap3A_518 = arith.constant 0 : index
        %swap3A_519 = tpu.vector_load %arg15[%swap3A, %swap3A_518] {strides = array<i32>} : memref<125x64xi32, #tpu.memory_space<vmem>>, vector<16xi32>,
        tpu.vector_store %arg15[%swap3A, %swap3A_518], %bitcast3A {strides = array<i32>} : memref<125x64xi32, #tpu.memory_space<vmem>>, vector<16xi32>,
        %bitcast3A_520 = vector.bitcast %pack3A_335 : vector<32xbf16> to vector<16xi32>
        %swap3A_521 = arith.index_cast %add3A_517 : i32 to index
        %swap3A_522 = arith.constant 16 : index
        %swap3A_523 = tpu.vector_load %arg15[%swap3A_521, %swap3A_522] {strides = array<i32>} : memref<125x64xi32, #tpu.memory_space<vmem>>, vector<16xi32>,
        tpu.vector_store %arg15[%swap3A_521, %swap3A_522], %bitcast3A_520 {strides = array<i32>} : memref<125x64xi32, #tpu.memory_space<vmem>>, vector<16xi32>,
        %bitcast3A_524 = vector.bitcast %pack3A_344 : vector<32xbf16> to vector<16xi32>
        %swap3A_525 = arith.index_cast %add3A_517 : i32 to index
        %swap3A_526 = arith.constant 32 : index
        %swap3A_527 = tpu.vector_load %arg15[%swap3A_525, %swap3A_526] {strides = array<i32>} : memref<125x64xi32, #tpu.memory_space<vmem>>, vector<16xi32>,
        tpu.vector_store %arg15[%swap3A_525, %swap3A_526], %bitcast3A_524 {strides = array<i32>} : memref<125x64xi32, #tpu.memory_space<vmem>>, vector<16xi32>,
        %bitcast3A_528 = vector.bitcast %pack3A_353 : vector<32xbf16> to vector<16xi32>
        %swap3A_529 = arith.index_cast %add3A_517 : i32 to index
        %swap3A_530 = arith.constant 48 : index
        %swap3A_531 = tpu.vector_load %arg15[%swap3A_529, %swap3A_530] {strides = array<i32>} : memref<125x64xi32, #tpu.memory_space<vmem>>, vector<16xi32>,
        tpu.vector_store %arg15[%swap3A_529, %swap3A_530], %bitcast3A_528 {strides = array<i32>} : memref<125x64xi32, #tpu.memory_space<vmem>>, vector<16xi32>,
        %mul3A_532 = arith.constant 5 : i32
        %mul3A_533 = arith.muli %scan3A_315, %mul3A_532 : i32
        %add3A_534 = arith.constant 1 : i32
        %add3A_535 = arith.addi %mul3A_533, %add3A_534 : i32
        %bitcast3A_536 = vector.bitcast %pack3A_366 : vector<32xbf16> to vector<16xi32>
        %swap3A_537 = arith.index_cast %add3A_535 : i32 to index
        %swap3A_538 = arith.constant 0 : index
        %swap3A_539 = tpu.vector_load %arg15[%swap3A_537, %swap3A_538] {strides = array<i32>} : memref<125x64xi32, #tpu.memory_space<vmem>>, vector<16xi32>,
        tpu.vector_store %arg15[%swap3A_537, %swap3A_538], %bitcast3A_536 {strides = array<i32>} : memref<125x64xi32, #tpu.memory_space<vmem>>, vector<16xi32>,
        %bitcast3A_540 = vector.bitcast %pack3A_375 : vector<32xbf16> to vector<16xi32>
        %swap3A_541 = arith.index_cast %add3A_535 : i32 to index
        %swap3A_542 = arith.constant 16 : index
        %swap3A_543 = tpu.vector_load %arg15[%swap3A_541, %swap3A_542] {strides = array<i32>} : memref<125x64xi32, #tpu.memory_space<vmem>>, vector<16xi32>,
        tpu.vector_store %arg15[%swap3A_541, %swap3A_542], %bitcast3A_540 {strides = array<i32>} : memref<125x64xi32, #tpu.memory_space<vmem>>, vector<16xi32>,
        %bitcast3A_544 = vector.bitcast %pack3A_384 : vector<32xbf16> to vector<16xi32>
        %swap3A_545 = arith.index_cast %add3A_535 : i32 to index
        %swap3A_546 = arith.constant 32 : index
        %swap3A_547 = tpu.vector_load %arg15[%swap3A_545, %swap3A_546] {strides = array<i32>} : memref<125x64xi32, #tpu.memory_space<vmem>>, vector<16xi32>,
        tpu.vector_store %arg15[%swap3A_545, %swap3A_546], %bitcast3A_544 {strides = array<i32>} : memref<125x64xi32, #tpu.memory_space<vmem>>, vector<16xi32>,
        %bitcast3A_548 = vector.bitcast %pack3A_393 : vector<32xbf16> to vector<16xi32>
        %swap3A_549 = arith.index_cast %add3A_535 : i32 to index
        %swap3A_550 = arith.constant 48 : index
        %swap3A_551 = tpu.vector_load %arg15[%swap3A_549, %swap3A_550] {strides = array<i32>} : memref<125x64xi32, #tpu.memory_space<vmem>>, vector<16xi32>,
        tpu.vector_store %arg15[%swap3A_549, %swap3A_550], %bitcast3A_548 {strides = array<i32>} : memref<125x64xi32, #tpu.memory_space<vmem>>, vector<16xi32>,
        %mul3A_552 = arith.constant 5 : i32
        %mul3A_553 = arith.muli %scan3A_315, %mul3A_552 : i32
        %add3A_554 = arith.constant 2 : i32
        %add3A_555 = arith.addi %mul3A_553, %add3A_554 : i32
        %bitcast3A_556 = vector.bitcast %pack3A_406 : vector<32xbf16> to vector<16xi32>
        %swap3A_557 = arith.index_cast %add3A_555 : i32 to index
        %swap3A_558 = arith.constant 0 : index
        %swap3A_559 = tpu.vector_load %arg15[%swap3A_557, %swap3A_558] {strides = array<i32>} : memref<125x64xi32, #tpu.memory_space<vmem>>, vector<16xi32>,
        tpu.vector_store %arg15[%swap3A_557, %swap3A_558], %bitcast3A_556 {strides = array<i32>} : memref<125x64xi32, #tpu.memory_space<vmem>>, vector<16xi32>,
        %bitcast3A_560 = vector.bitcast %pack3A_415 : vector<32xbf16> to vector<16xi32>
        %swap3A_561 = arith.index_cast %add3A_555 : i32 to index
        %swap3A_562 = arith.constant 16 : index
        %swap3A_563 = tpu.vector_load %arg15[%swap3A_561, %swap3A_562] {strides = array<i32>} : memref<125x64xi32, #tpu.memory_space<vmem>>, vector<16xi32>,
        tpu.vector_store %arg15[%swap3A_561, %swap3A_562], %bitcast3A_560 {strides = array<i32>} : memref<125x64xi32, #tpu.memory_space<vmem>>, vector<16xi32>,
        %bitcast3A_564 = vector.bitcast %pack3A_424 : vector<32xbf16> to vector<16xi32>
        %swap3A_565 = arith.index_cast %add3A_555 : i32 to index
        %swap3A_566 = arith.constant 32 : index
        %swap3A_567 = tpu.vector_load %arg15[%swap3A_565, %swap3A_566] {strides = array<i32>} : memref<125x64xi32, #tpu.memory_space<vmem>>, vector<16xi32>,
        tpu.vector_store %arg15[%swap3A_565, %swap3A_566], %bitcast3A_564 {strides = array<i32>} : memref<125x64xi32, #tpu.memory_space<vmem>>, vector<16xi32>,
        %bitcast3A_568 = vector.bitcast %pack3A_433 : vector<32xbf16> to vector<16xi32>
        %swap3A_569 = arith.index_cast %add3A_555 : i32 to index
        %swap3A_570 = arith.constant 48 : index
        %swap3A_571 = tpu.vector_load %arg15[%swap3A_569, %swap3A_570] {strides = array<i32>} : memref<125x64xi32, #tpu.memory_space<vmem>>, vector<16xi32>,
        tpu.vector_store %arg15[%swap3A_569, %swap3A_570], %bitcast3A_568 {strides = array<i32>} : memref<125x64xi32, #tpu.memory_space<vmem>>, vector<16xi32>,
        %mul3A_572 = arith.constant 5 : i32
        %mul3A_573 = arith.muli %scan3A_315, %mul3A_572 : i32
        %add3A_574 = arith.constant 3 : i32
        %add3A_575 = arith.addi %mul3A_573, %add3A_574 : i32
        %bitcast3A_576 = vector.bitcast %pack3A_446 : vector<32xbf16> to vector<16xi32>
        %swap3A_577 = arith.index_cast %add3A_575 : i32 to index
        %swap3A_578 = arith.constant 0 : index
        %swap3A_579 = tpu.vector_load %arg15[%swap3A_577, %swap3A_578] {strides = array<i32>} : memref<125x64xi32, #tpu.memory_space<vmem>>, vector<16xi32>,
        tpu.vector_store %arg15[%swap3A_577, %swap3A_578], %bitcast3A_576 {strides = array<i32>} : memref<125x64xi32, #tpu.memory_space<vmem>>, vector<16xi32>,
        %bitcast3A_580 = vector.bitcast %pack3A_455 : vector<32xbf16> to vector<16xi32>
        %swap3A_581 = arith.index_cast %add3A_575 : i32 to index
        %swap3A_582 = arith.constant 16 : index
        %swap3A_583 = tpu.vector_load %arg15[%swap3A_581, %swap3A_582] {strides = array<i32>} : memref<125x64xi32, #tpu.memory_space<vmem>>, vector<16xi32>,
        tpu.vector_store %arg15[%swap3A_581, %swap3A_582], %bitcast3A_580 {strides = array<i32>} : memref<125x64xi32, #tpu.memory_space<vmem>>, vector<16xi32>,
        %bitcast3A_584 = vector.bitcast %pack3A_464 : vector<32xbf16> to vector<16xi32>
        %swap3A_585 = arith.index_cast %add3A_575 : i32 to index
        %swap3A_586 = arith.constant 32 : index
        %swap3A_587 = tpu.vector_load %arg15[%swap3A_585, %swap3A_586] {strides = array<i32>} : memref<125x64xi32, #tpu.memory_space<vmem>>, vector<16xi32>,
        tpu.vector_store %arg15[%swap3A_585, %swap3A_586], %bitcast3A_584 {strides = array<i32>} : memref<125x64xi32, #tpu.memory_space<vmem>>, vector<16xi32>,
        %bitcast3A_588 = vector.bitcast %pack3A_473 : vector<32xbf16> to vector<16xi32>
        %swap3A_589 = arith.index_cast %add3A_575 : i32 to index
        %swap3A_590 = arith.constant 48 : index
        %swap3A_591 = tpu.vector_load %arg15[%swap3A_589, %swap3A_590] {strides = array<i32>} : memref<125x64xi32, #tpu.memory_space<vmem>>, vector<16xi32>,
        tpu.vector_store %arg15[%swap3A_589, %swap3A_590], %bitcast3A_588 {strides = array<i32>} : memref<125x64xi32, #tpu.memory_space<vmem>>, vector<16xi32>,
        %mul3A_592 = arith.constant 5 : i32
        %mul3A_593 = arith.muli %scan3A_315, %mul3A_592 : i32
        %add3A_594 = arith.constant 4 : i32
        %add3A_595 = arith.addi %mul3A_593, %add3A_594 : i32
        %bitcast3A_596 = vector.bitcast %pack3A_486 : vector<32xbf16> to vector<16xi32>
        %swap3A_597 = arith.index_cast %add3A_595 : i32 to index
        %swap3A_598 = arith.constant 0 : index
        %swap3A_599 = tpu.vector_load %arg15[%swap3A_597, %swap3A_598] {strides = array<i32>} : memref<125x64xi32, #tpu.memory_space<vmem>>, vector<16xi32>,
        tpu.vector_store %arg15[%swap3A_597, %swap3A_598], %bitcast3A_596 {strides = array<i32>} : memref<125x64xi32, #tpu.memory_space<vmem>>, vector<16xi32>,
        %bitcast3A_600 = vector.bitcast %pack3A_495 : vector<32xbf16> to vector<16xi32>
        %swap3A_601 = arith.index_cast %add3A_595 : i32 to index
        %swap3A_602 = arith.constant 16 : index
        %swap3A_603 = tpu.vector_load %arg15[%swap3A_601, %swap3A_602] {strides = array<i32>} : memref<125x64xi32, #tpu.memory_space<vmem>>, vector<16xi32>,
        tpu.vector_store %arg15[%swap3A_601, %swap3A_602], %bitcast3A_600 {strides = array<i32>} : memref<125x64xi32, #tpu.memory_space<vmem>>, vector<16xi32>,
        %bitcast3A_604 = vector.bitcast %pack3A_504 : vector<32xbf16> to vector<16xi32>
        %swap3A_605 = arith.index_cast %add3A_595 : i32 to index
        %swap3A_606 = arith.constant 32 : index
        %swap3A_607 = tpu.vector_load %arg15[%swap3A_605, %swap3A_606] {strides = array<i32>} : memref<125x64xi32, #tpu.memory_space<vmem>>, vector<16xi32>,
        tpu.vector_store %arg15[%swap3A_605, %swap3A_606], %bitcast3A_604 {strides = array<i32>} : memref<125x64xi32, #tpu.memory_space<vmem>>, vector<16xi32>,
        %bitcast3A_608 = vector.bitcast %pack3A_513 : vector<32xbf16> to vector<16xi32>
        %swap3A_609 = arith.index_cast %add3A_595 : i32 to index
        %swap3A_610 = arith.constant 48 : index
        %swap3A_611 = tpu.vector_load %arg15[%swap3A_609, %swap3A_610] {strides = array<i32>} : memref<125x64xi32, #tpu.memory_space<vmem>>, vector<16xi32>,
        tpu.vector_store %arg15[%swap3A_609, %swap3A_610], %bitcast3A_608 {strides = array<i32>} : memref<125x64xi32, #tpu.memory_space<vmem>>, vector<16xi32>,
      }
      %scan3A_308 = arith.constant 25 : i32
      %dma_start3A_309 = arith.constant 0 : i32
      %dma_start3A_310 = tpu.memref_slice %arg7[%arg0, %add3A_278, %dma_start3A_309] : memref<2x10000x64xi32, #tpu.memory_space<hbm>> -> memref<1x125x64xi32, #tpu.memory_space<hbm>>
      %dma_start3A_311 = tpu.memref_squeeze %dma_start3A_310 : memref<1x125x64xi32, #tpu.memory_space<hbm>> -> memref<125x64xi32, #tpu.memory_space<hbm>>
      %dma_start3A_312 = arith.constant 0 : i32
      %dma_start3A_313 = tpu.memref_slice %arg7[%arg0, %add3A_278, %dma_start3A_312] : memref<2x10000x64xi32, #tpu.memory_space<hbm>> -> memref<1x125x64xi32, #tpu.memory_space<hbm>>
      %dma_start3A_314 = tpu.memref_squeeze %dma_start3A_313 : memref<1x125x64xi32, #tpu.memory_space<hbm>> -> memref<125x64xi32, #tpu.memory_space<hbm>>
      tpu.enqueue_dma source(%arg15 : memref<125x64xi32, #tpu.memory_space<vmem>>) target(%dma_start3A_314 : memref<125x64xi32, #tpu.memory_space<hbm>>) target_semaphore(%arg18 : memref<!tpu.dma_semaphore, #tpu.memory_space<semaphore_mem>>)
    }
    %scan3A_71 = arith.constant 5 : i32
    %dma_wait3A_72 = arith.constant 0 : i32
    %dma_wait3A_73 = arith.constant 0 : i32
    %dma_wait3A_74 = tpu.memref_slice %arg7[%arg0, %dma_wait3A_72, %dma_wait3A_73] : memref<2x10000x64xi32, #tpu.memory_space<hbm>> -> memref<1x125x64xi32, #tpu.memory_space<hbm>>
    %dma_wait3A_75 = tpu.memref_squeeze %dma_wait3A_74 : memref<1x125x64xi32, #tpu.memory_space<hbm>> -> memref<125x64xi32, #tpu.memory_space<hbm>>
    %dma_wait3A_76 = arith.constant 0 : i32
    %dma_wait3A_77 = arith.constant 0 : i32
    %dma_wait3A_78 = tpu.memref_slice %arg7[%arg0, %dma_wait3A_76, %dma_wait3A_77] : memref<2x10000x64xi32, #tpu.memory_space<hbm>> -> memref<1x125x64xi32, #tpu.memory_space<hbm>>
    %dma_wait3A_79 = tpu.memref_squeeze %dma_wait3A_78 : memref<1x125x64xi32, #tpu.memory_space<hbm>> -> memref<125x64xi32, #tpu.memory_space<hbm>>
    tpu.wait_dma2 semaphore(%arg18 : memref<!tpu.dma_semaphore, #tpu.memory_space<semaphore_mem>>) src(%arg15 : memref<125x64xi32, #tpu.memory_space<vmem>>) dst(%dma_wait3A_79 : memref<125x64xi32, #tpu.memory_space<hbm>>)
    %barrier3A = arith.constant 0 : index
    tpu.barrier barrier_id(%barrier3A)
    %dma_wait3A_80 = arith.constant 0 : i32
    %dma_wait3A_81 = arith.constant 0 : i32
    %dma_wait3A_82 = tpu.memref_slice %arg4[%dma_wait3A_80, %mul3A_2] : memref<2x320000xi32, #tpu.memory_space<hbm>> -> memref<1x10000xi32, #tpu.memory_space<hbm>>
    %dma_wait3A_83 = tpu.memref_squeeze %dma_wait3A_82 : memref<1x10000xi32, #tpu.memory_space<hbm>> -> memref<10000xi32, #tpu.memory_space<hbm>>
    %dma_wait3A_84 = tpu.memref_slice %arg16[%dma_wait3A_81] : memref<5x!tpu.dma_semaphore, #tpu.memory_space<semaphore_mem>> -> memref<1x!tpu.dma_semaphore, #tpu.memory_space<semaphore_mem>>
    %dma_wait3A_85 = tpu.memref_squeeze %dma_wait3A_84 : memref<1x!tpu.dma_semaphore, #tpu.memory_space<semaphore_mem>> -> memref<!tpu.dma_semaphore, #tpu.memory_space<semaphore_mem>>
    %dma_wait3A_86 = tpu.memref_slice %arg4[%dma_wait3A_80, %mul3A_2] : memref<2x320000xi32, #tpu.memory_space<hbm>> -> memref<1x10000xi32, #tpu.memory_space<hbm>>
    %dma_wait3A_87 = tpu.memref_squeeze %dma_wait3A_86 : memref<1x10000xi32, #tpu.memory_space<hbm>> -> memref<10000xi32, #tpu.memory_space<hbm>>
    tpu.wait_dma2 semaphore(%dma_wait3A_85 : memref<!tpu.dma_semaphore, #tpu.memory_space<semaphore_mem>>) src(%dma_wait3A_87 : memref<10000xi32, #tpu.memory_space<hbm>>) dst(%arg8 : memref<10000xi32, #tpu.memory_space<vmem>>)
    %dma_wait3A_88 = arith.constant 1 : i32
    %dma_wait3A_89 = arith.constant 1 : i32
    %dma_wait3A_90 = tpu.memref_slice %arg4[%dma_wait3A_88, %mul3A_2] : memref<2x320000xi32, #tpu.memory_space<hbm>> -> memref<1x10000xi32, #tpu.memory_space<hbm>>
    %dma_wait3A_91 = tpu.memref_squeeze %dma_wait3A_90 : memref<1x10000xi32, #tpu.memory_space<hbm>> -> memref<10000xi32, #tpu.memory_space<hbm>>
    %dma_wait3A_92 = tpu.memref_slice %arg16[%dma_wait3A_89] : memref<5x!tpu.dma_semaphore, #tpu.memory_space<semaphore_mem>> -> memref<1x!tpu.dma_semaphore, #tpu.memory_space<semaphore_mem>>
    %dma_wait3A_93 = tpu.memref_squeeze %dma_wait3A_92 : memref<1x!tpu.dma_semaphore, #tpu.memory_space<semaphore_mem>> -> memref<!tpu.dma_semaphore, #tpu.memory_space<semaphore_mem>>
    %dma_wait3A_94 = tpu.memref_slice %arg4[%dma_wait3A_88, %mul3A_2] : memref<2x320000xi32, #tpu.memory_space<hbm>> -> memref<1x10000xi32, #tpu.memory_space<hbm>>
    %dma_wait3A_95 = tpu.memref_squeeze %dma_wait3A_94 : memref<1x10000xi32, #tpu.memory_space<hbm>> -> memref<10000xi32, #tpu.memory_space<hbm>>
    tpu.wait_dma2 semaphore(%dma_wait3A_93 : memref<!tpu.dma_semaphore, #tpu.memory_space<semaphore_mem>>) src(%dma_wait3A_95 : memref<10000xi32, #tpu.memory_space<hbm>>) dst(%arg9 : memref<10000xi32, #tpu.memory_space<vmem>>)
    %dma_start3A_96 = arith.constant 0 : i32
    %dma_start3A_97 = arith.constant 0 : i32
    %dma_start3A_98 = arith.constant 0 : i32
    %dma_start3A_99 = arith.constant 0 : i32
    %dma_start3A_100 = tpu.memref_slice %arg10[%dma_start3A_96, %dma_start3A_98, %dma_start3A_99] : memref<5x80x64xi32, #tpu.memory_space<vmem>> -> memref<1x80x64xi32, #tpu.memory_space<vmem>>
    %dma_start3A_101 = tpu.memref_squeeze %dma_start3A_100 : memref<1x80x64xi32, #tpu.memory_space<vmem>> -> memref<80x64xi32, #tpu.memory_space<vmem>>
    %dma_start3A_102 = arith.constant 0 : i32
    %dma_start3A_103 = tpu.memref_slice %arg8[%dma_start3A_102] : memref<10000xi32, #tpu.memory_space<vmem>> -> memref<80xi32, #tpu.memory_space<vmem>>
    %dma_start3A_104 = arith.constant 0 : i32
    %dma_start3A_105 = arith.constant 0 : i32
    %dma_start3A_106 = tpu.memref_slice %arg6[%arg0, %dma_start3A_104, %dma_start3A_105] : memref<2x10000x64xi32, #tpu.memory_space<hbm>> -> memref<1x10000x64xi32, #tpu.memory_space<hbm>>
    %dma_start3A_107 = tpu.memref_squeeze %dma_start3A_106 : memref<1x10000x64xi32, #tpu.memory_space<hbm>> -> memref<10000x64xi32, #tpu.memory_space<hbm>>
    %dma_start3A_108 = arith.constant 0 : i32
    %dma_start3A_109 = arith.constant 0 : i32
    %dma_start3A_110 = tpu.memref_slice %dma_start3A_107[%dma_start3A_108, %dma_start3A_109] : memref<10000x64xi32, #tpu.memory_space<hbm>> -> memref<10000x64xi32, #tpu.memory_space<hbm>>
    %dma_start3A_111 = tpu.memref_slice %arg16[%dma_start3A_97] : memref<5x!tpu.dma_semaphore, #tpu.memory_space<semaphore_mem>> -> memref<1x!tpu.dma_semaphore, #tpu.memory_space<semaphore_mem>>
    %dma_start3A_112 = tpu.memref_squeeze %dma_start3A_111 : memref<1x!tpu.dma_semaphore, #tpu.memory_space<semaphore_mem>> -> memref<!tpu.dma_semaphore, #tpu.memory_space<semaphore_mem>>
    tpu.enqueue_indirect_dma source(%dma_start3A_110 : memref<10000x64xi32, #tpu.memory_space<hbm>>) target(%dma_start3A_101 : memref<80x64xi32, #tpu.memory_space<vmem>>) offsets(%dma_start3A_103 : memref<80xi32, #tpu.memory_space<vmem>>) semaphore(%dma_start3A_112 : memref<!tpu.dma_semaphore, #tpu.memory_space<semaphore_mem>>)
    %dma_start3A_113 = arith.constant 0 : i32
    %dma_start3A_114 = arith.constant 0 : i32
    %dma_start3A_115 = arith.constant 0 : i32
    %dma_start3A_116 = arith.constant 0 : i32
    %dma_start3A_117 = tpu.memref_slice %arg11[%dma_start3A_113, %dma_start3A_115, %dma_start3A_116] : memref<5x80x64xi32, #tpu.memory_space<vmem>> -> memref<1x80x64xi32, #tpu.memory_space<vmem>>
    %dma_start3A_118 = tpu.memref_squeeze %dma_start3A_117 : memref<1x80x64xi32, #tpu.memory_space<vmem>> -> memref<80x64xi32, #tpu.memory_space<vmem>>
    %dma_start3A_119 = arith.constant 0 : i32
    %dma_start3A_120 = tpu.memref_slice %arg9[%dma_start3A_119] : memref<10000xi32, #tpu.memory_space<vmem>> -> memref<80xi32, #tpu.memory_space<vmem>>
    %dma_start3A_121 = arith.constant 0 : i32
    %dma_start3A_122 = arith.constant 0 : i32
    %dma_start3A_123 = tpu.memref_slice %arg7[%arg0, %dma_start3A_121, %dma_start3A_122] : memref<2x10000x64xi32, #tpu.memory_space<hbm>> -> memref<1x10000x64xi32, #tpu.memory_space<hbm>>
    %dma_start3A_124 = tpu.memref_squeeze %dma_start3A_123 : memref<1x10000x64xi32, #tpu.memory_space<hbm>> -> memref<10000x64xi32, #tpu.memory_space<hbm>>
    %dma_start3A_125 = arith.constant 0 : i32
    %dma_start3A_126 = arith.constant 0 : i32
    %dma_start3A_127 = tpu.memref_slice %dma_start3A_124[%dma_start3A_125, %dma_start3A_126] : memref<10000x64xi32, #tpu.memory_space<hbm>> -> memref<10000x64xi32, #tpu.memory_space<hbm>>
    %dma_start3A_128 = tpu.memref_slice %arg16[%dma_start3A_114] : memref<5x!tpu.dma_semaphore, #tpu.memory_space<semaphore_mem>> -> memref<1x!tpu.dma_semaphore, #tpu.memory_space<semaphore_mem>>
    %dma_start3A_129 = tpu.memref_squeeze %dma_start3A_128 : memref<1x!tpu.dma_semaphore, #tpu.memory_space<semaphore_mem>> -> memref<!tpu.dma_semaphore, #tpu.memory_space<semaphore_mem>>
    tpu.enqueue_indirect_dma source(%dma_start3A_127 : memref<10000x64xi32, #tpu.memory_space<hbm>>) target(%dma_start3A_118 : memref<80x64xi32, #tpu.memory_space<vmem>>) offsets(%dma_start3A_120 : memref<80xi32, #tpu.memory_space<vmem>>) semaphore(%dma_start3A_129 : memref<!tpu.dma_semaphore, #tpu.memory_space<semaphore_mem>>)
    %dma_start3A_130 = arith.constant 1 : i32
    %dma_start3A_131 = arith.constant 1 : i32
    %dma_start3A_132 = arith.constant 0 : i32
    %dma_start3A_133 = arith.constant 0 : i32
    %dma_start3A_134 = tpu.memref_slice %arg10[%dma_start3A_130, %dma_start3A_132, %dma_start3A_133] : memref<5x80x64xi32, #tpu.memory_space<vmem>> -> memref<1x80x64xi32, #tpu.memory_space<vmem>>
    %dma_start3A_135 = tpu.memref_squeeze %dma_start3A_134 : memref<1x80x64xi32, #tpu.memory_space<vmem>> -> memref<80x64xi32, #tpu.memory_space<vmem>>
    %dma_start3A_136 = arith.constant 80 : i32
    %dma_start3A_137 = tpu.memref_slice %arg8[%dma_start3A_136] : memref<10000xi32, #tpu.memory_space<vmem>> -> memref<80xi32, #tpu.memory_space<vmem>>
    %dma_start3A_138 = arith.constant 0 : i32
    %dma_start3A_139 = arith.constant 0 : i32
    %dma_start3A_140 = tpu.memref_slice %arg6[%arg0, %dma_start3A_138, %dma_start3A_139] : memref<2x10000x64xi32, #tpu.memory_space<hbm>> -> memref<1x10000x64xi32, #tpu.memory_space<hbm>>
    %dma_start3A_141 = tpu.memref_squeeze %dma_start3A_140 : memref<1x10000x64xi32, #tpu.memory_space<hbm>> -> memref<10000x64xi32, #tpu.memory_space<hbm>>
    %dma_start3A_142 = arith.constant 0 : i32
    %dma_start3A_143 = arith.constant 0 : i32
    %dma_start3A_144 = tpu.memref_slice %dma_start3A_141[%dma_start3A_142, %dma_start3A_143] : memref<10000x64xi32, #tpu.memory_space<hbm>> -> memref<10000x64xi32, #tpu.memory_space<hbm>>
    %dma_start3A_145 = tpu.memref_slice %arg16[%dma_start3A_131] : memref<5x!tpu.dma_semaphore, #tpu.memory_space<semaphore_mem>> -> memref<1x!tpu.dma_semaphore, #tpu.memory_space<semaphore_mem>>
    %dma_start3A_146 = tpu.memref_squeeze %dma_start3A_145 : memref<1x!tpu.dma_semaphore, #tpu.memory_space<semaphore_mem>> -> memref<!tpu.dma_semaphore, #tpu.memory_space<semaphore_mem>>
    tpu.enqueue_indirect_dma source(%dma_start3A_144 : memref<10000x64xi32, #tpu.memory_space<hbm>>) target(%dma_start3A_135 : memref<80x64xi32, #tpu.memory_space<vmem>>) offsets(%dma_start3A_137 : memref<80xi32, #tpu.memory_space<vmem>>) semaphore(%dma_start3A_146 : memref<!tpu.dma_semaphore, #tpu.memory_space<semaphore_mem>>)
    %dma_start3A_147 = arith.constant 1 : i32
    %dma_start3A_148 = arith.constant 1 : i32
    %dma_start3A_149 = arith.constant 0 : i32
    %dma_start3A_150 = arith.constant 0 : i32
    %dma_start3A_151 = tpu.memref_slice %arg11[%dma_start3A_147, %dma_start3A_149, %dma_start3A_150] : memref<5x80x64xi32, #tpu.memory_space<vmem>> -> memref<1x80x64xi32, #tpu.memory_space<vmem>>
    %dma_start3A_152 = tpu.memref_squeeze %dma_start3A_151 : memref<1x80x64xi32, #tpu.memory_space<vmem>> -> memref<80x64xi32, #tpu.memory_space<vmem>>
    %dma_start3A_153 = arith.constant 80 : i32
    %dma_start3A_154 = tpu.memref_slice %arg9[%dma_start3A_153] : memref<10000xi32, #tpu.memory_space<vmem>> -> memref<80xi32, #tpu.memory_space<vmem>>
    %dma_start3A_155 = arith.constant 0 : i32
    %dma_start3A_156 = arith.constant 0 : i32
    %dma_start3A_157 = tpu.memref_slice %arg7[%arg0, %dma_start3A_155, %dma_start3A_156] : memref<2x10000x64xi32, #tpu.memory_space<hbm>> -> memref<1x10000x64xi32, #tpu.memory_space<hbm>>
    %dma_start3A_158 = tpu.memref_squeeze %dma_start3A_157 : memref<1x10000x64xi32, #tpu.memory_space<hbm>> -> memref<10000x64xi32, #tpu.memory_space<hbm>>
    %dma_start3A_159 = arith.constant 0 : i32
    %dma_start3A_160 = arith.constant 0 : i32
    %dma_start3A_161 = tpu.memref_slice %dma_start3A_158[%dma_start3A_159, %dma_start3A_160] : memref<10000x64xi32, #tpu.memory_space<hbm>> -> memref<10000x64xi32, #tpu.memory_space<hbm>>
    %dma_start3A_162 = tpu.memref_slice %arg16[%dma_start3A_148] : memref<5x!tpu.dma_semaphore, #tpu.memory_space<semaphore_mem>> -> memref<1x!tpu.dma_semaphore, #tpu.memory_space<semaphore_mem>>
    %dma_start3A_163 = tpu.memref_squeeze %dma_start3A_162 : memref<1x!tpu.dma_semaphore, #tpu.memory_space<semaphore_mem>> -> memref<!tpu.dma_semaphore, #tpu.memory_space<semaphore_mem>>
    tpu.enqueue_indirect_dma source(%dma_start3A_161 : memref<10000x64xi32, #tpu.memory_space<hbm>>) target(%dma_start3A_152 : memref<80x64xi32, #tpu.memory_space<vmem>>) offsets(%dma_start3A_154 : memref<80xi32, #tpu.memory_space<vmem>>) semaphore(%dma_start3A_163 : memref<!tpu.dma_semaphore, #tpu.memory_space<semaphore_mem>>)
    %dma_start3A_164 = arith.constant 2 : i32
    %dma_start3A_165 = arith.constant 2 : i32
    %dma_start3A_166 = arith.constant 0 : i32
    %dma_start3A_167 = arith.constant 0 : i32
    %dma_start3A_168 = tpu.memref_slice %arg10[%dma_start3A_164, %dma_start3A_166, %dma_start3A_167] : memref<5x80x64xi32, #tpu.memory_space<vmem>> -> memref<1x80x64xi32, #tpu.memory_space<vmem>>
    %dma_start3A_169 = tpu.memref_squeeze %dma_start3A_168 : memref<1x80x64xi32, #tpu.memory_space<vmem>> -> memref<80x64xi32, #tpu.memory_space<vmem>>
    %dma_start3A_170 = arith.constant 160 : i32
    %dma_start3A_171 = tpu.memref_slice %arg8[%dma_start3A_170] : memref<10000xi32, #tpu.memory_space<vmem>> -> memref<80xi32, #tpu.memory_space<vmem>>
    %dma_start3A_172 = arith.constant 0 : i32
    %dma_start3A_173 = arith.constant 0 : i32
    %dma_start3A_174 = tpu.memref_slice %arg6[%arg0, %dma_start3A_172, %dma_start3A_173] : memref<2x10000x64xi32, #tpu.memory_space<hbm>> -> memref<1x10000x64xi32, #tpu.memory_space<hbm>>
    %dma_start3A_175 = tpu.memref_squeeze %dma_start3A_174 : memref<1x10000x64xi32, #tpu.memory_space<hbm>> -> memref<10000x64xi32, #tpu.memory_space<hbm>>
    %dma_start3A_176 = arith.constant 0 : i32
    %dma_start3A_177 = arith.constant 0 : i32
    %dma_start3A_178 = tpu.memref_slice %dma_start3A_175[%dma_start3A_176, %dma_start3A_177] : memref<10000x64xi32, #tpu.memory_space<hbm>> -> memref<10000x64xi32, #tpu.memory_space<hbm>>
    %dma_start3A_179 = tpu.memref_slice %arg16[%dma_start3A_165] : memref<5x!tpu.dma_semaphore, #tpu.memory_space<semaphore_mem>> -> memref<1x!tpu.dma_semaphore, #tpu.memory_space<semaphore_mem>>
    %dma_start3A_180 = tpu.memref_squeeze %dma_start3A_179 : memref<1x!tpu.dma_semaphore, #tpu.memory_space<semaphore_mem>> -> memref<!tpu.dma_semaphore, #tpu.memory_space<semaphore_mem>>
    tpu.enqueue_indirect_dma source(%dma_start3A_178 : memref<10000x64xi32, #tpu.memory_space<hbm>>) target(%dma_start3A_169 : memref<80x64xi32, #tpu.memory_space<vmem>>) offsets(%dma_start3A_171 : memref<80xi32, #tpu.memory_space<vmem>>) semaphore(%dma_start3A_180 : memref<!tpu.dma_semaphore, #tpu.memory_space<semaphore_mem>>)
    %dma_start3A_181 = arith.constant 2 : i32
    %dma_start3A_182 = arith.constant 2 : i32
    %dma_start3A_183 = arith.constant 0 : i32
    %dma_start3A_184 = arith.constant 0 : i32
    %dma_start3A_185 = tpu.memref_slice %arg11[%dma_start3A_181, %dma_start3A_183, %dma_start3A_184] : memref<5x80x64xi32, #tpu.memory_space<vmem>> -> memref<1x80x64xi32, #tpu.memory_space<vmem>>
    %dma_start3A_186 = tpu.memref_squeeze %dma_start3A_185 : memref<1x80x64xi32, #tpu.memory_space<vmem>> -> memref<80x64xi32, #tpu.memory_space<vmem>>
    %dma_start3A_187 = arith.constant 160 : i32
    %dma_start3A_188 = tpu.memref_slice %arg9[%dma_start3A_187] : memref<10000xi32, #tpu.memory_space<vmem>> -> memref<80xi32, #tpu.memory_space<vmem>>
    %dma_start3A_189 = arith.constant 0 : i32
    %dma_start3A_190 = arith.constant 0 : i32
    %dma_start3A_191 = tpu.memref_slice %arg7[%arg0, %dma_start3A_189, %dma_start3A_190] : memref<2x10000x64xi32, #tpu.memory_space<hbm>> -> memref<1x10000x64xi32, #tpu.memory_space<hbm>>
    %dma_start3A_192 = tpu.memref_squeeze %dma_start3A_191 : memref<1x10000x64xi32, #tpu.memory_space<hbm>> -> memref<10000x64xi32, #tpu.memory_space<hbm>>
    %dma_start3A_193 = arith.constant 0 : i32
    %dma_start3A_194 = arith.constant 0 : i32
    %dma_start3A_195 = tpu.memref_slice %dma_start3A_192[%dma_start3A_193, %dma_start3A_194] : memref<10000x64xi32, #tpu.memory_space<hbm>> -> memref<10000x64xi32, #tpu.memory_space<hbm>>
    %dma_start3A_196 = tpu.memref_slice %arg16[%dma_start3A_182] : memref<5x!tpu.dma_semaphore, #tpu.memory_space<semaphore_mem>> -> memref<1x!tpu.dma_semaphore, #tpu.memory_space<semaphore_mem>>
    %dma_start3A_197 = tpu.memref_squeeze %dma_start3A_196 : memref<1x!tpu.dma_semaphore, #tpu.memory_space<semaphore_mem>> -> memref<!tpu.dma_semaphore, #tpu.memory_space<semaphore_mem>>
    tpu.enqueue_indirect_dma source(%dma_start3A_195 : memref<10000x64xi32, #tpu.memory_space<hbm>>) target(%dma_start3A_186 : memref<80x64xi32, #tpu.memory_space<vmem>>) offsets(%dma_start3A_188 : memref<80xi32, #tpu.memory_space<vmem>>) semaphore(%dma_start3A_197 : memref<!tpu.dma_semaphore, #tpu.memory_space<semaphore_mem>>)
    %dma_start3A_198 = arith.constant 3 : i32
    %dma_start3A_199 = arith.constant 3 : i32
    %dma_start3A_200 = arith.constant 0 : i32
    %dma_start3A_201 = arith.constant 0 : i32
    %dma_start3A_202 = tpu.memref_slice %arg10[%dma_start3A_198, %dma_start3A_200, %dma_start3A_201] : memref<5x80x64xi32, #tpu.memory_space<vmem>> -> memref<1x80x64xi32, #tpu.memory_space<vmem>>
    %dma_start3A_203 = tpu.memref_squeeze %dma_start3A_202 : memref<1x80x64xi32, #tpu.memory_space<vmem>> -> memref<80x64xi32, #tpu.memory_space<vmem>>
    %dma_start3A_204 = arith.constant 240 : i32
    %dma_start3A_205 = tpu.memref_slice %arg8[%dma_start3A_204] : memref<10000xi32, #tpu.memory_space<vmem>> -> memref<80xi32, #tpu.memory_space<vmem>>
    %dma_start3A_206 = arith.constant 0 : i32
    %dma_start3A_207 = arith.constant 0 : i32
    %dma_start3A_208 = tpu.memref_slice %arg6[%arg0, %dma_start3A_206, %dma_start3A_207] : memref<2x10000x64xi32, #tpu.memory_space<hbm>> -> memref<1x10000x64xi32, #tpu.memory_space<hbm>>
    %dma_start3A_209 = tpu.memref_squeeze %dma_start3A_208 : memref<1x10000x64xi32, #tpu.memory_space<hbm>> -> memref<10000x64xi32, #tpu.memory_space<hbm>>
    %dma_start3A_210 = arith.constant 0 : i32
    %dma_start3A_211 = arith.constant 0 : i32
    %dma_start3A_212 = tpu.memref_slice %dma_start3A_209[%dma_start3A_210, %dma_start3A_211] : memref<10000x64xi32, #tpu.memory_space<hbm>> -> memref<10000x64xi32, #tpu.memory_space<hbm>>
    %dma_start3A_213 = tpu.memref_slice %arg16[%dma_start3A_199] : memref<5x!tpu.dma_semaphore, #tpu.memory_space<semaphore_mem>> -> memref<1x!tpu.dma_semaphore, #tpu.memory_space<semaphore_mem>>
    %dma_start3A_214 = tpu.memref_squeeze %dma_start3A_213 : memref<1x!tpu.dma_semaphore, #tpu.memory_space<semaphore_mem>> -> memref<!tpu.dma_semaphore, #tpu.memory_space<semaphore_mem>>
    tpu.enqueue_indirect_dma source(%dma_start3A_212 : memref<10000x64xi32, #tpu.memory_space<hbm>>) target(%dma_start3A_203 : memref<80x64xi32, #tpu.memory_space<vmem>>) offsets(%dma_start3A_205 : memref<80xi32, #tpu.memory_space<vmem>>) semaphore(%dma_start3A_214 : memref<!tpu.dma_semaphore, #tpu.memory_space<semaphore_mem>>)
    %dma_start3A_215 = arith.constant 3 : i32
    %dma_start3A_216 = arith.constant 3 : i32
    %dma_start3A_217 = arith.constant 0 : i32
    %dma_start3A_218 = arith.constant 0 : i32
    %dma_start3A_219 = tpu.memref_slice %arg11[%dma_start3A_215, %dma_start3A_217, %dma_start3A_218] : memref<5x80x64xi32, #tpu.memory_space<vmem>> -> memref<1x80x64xi32, #tpu.memory_space<vmem>>
    %dma_start3A_220 = tpu.memref_squeeze %dma_start3A_219 : memref<1x80x64xi32, #tpu.memory_space<vmem>> -> memref<80x64xi32, #tpu.memory_space<vmem>>
    %dma_start3A_221 = arith.constant 240 : i32
    %dma_start3A_222 = tpu.memref_slice %arg9[%dma_start3A_221] : memref<10000xi32, #tpu.memory_space<vmem>> -> memref<80xi32, #tpu.memory_space<vmem>>
    %dma_start3A_223 = arith.constant 0 : i32
    %dma_start3A_224 = arith.constant 0 : i32
    %dma_start3A_225 = tpu.memref_slice %arg7[%arg0, %dma_start3A_223, %dma_start3A_224] : memref<2x10000x64xi32, #tpu.memory_space<hbm>> -> memref<1x10000x64xi32, #tpu.memory_space<hbm>>
    %dma_start3A_226 = tpu.memref_squeeze %dma_start3A_225 : memref<1x10000x64xi32, #tpu.memory_space<hbm>> -> memref<10000x64xi32, #tpu.memory_space<hbm>>
    %dma_start3A_227 = arith.constant 0 : i32
    %dma_start3A_228 = arith.constant 0 : i32
    %dma_start3A_229 = tpu.memref_slice %dma_start3A_226[%dma_start3A_227, %dma_start3A_228] : memref<10000x64xi32, #tpu.memory_space<hbm>> -> memref<10000x64xi32, #tpu.memory_space<hbm>>
    %dma_start3A_230 = tpu.memref_slice %arg16[%dma_start3A_216] : memref<5x!tpu.dma_semaphore, #tpu.memory_space<semaphore_mem>> -> memref<1x!tpu.dma_semaphore, #tpu.memory_space<semaphore_mem>>
    %dma_start3A_231 = tpu.memref_squeeze %dma_start3A_230 : memref<1x!tpu.dma_semaphore, #tpu.memory_space<semaphore_mem>> -> memref<!tpu.dma_semaphore, #tpu.memory_space<semaphore_mem>>
    tpu.enqueue_indirect_dma source(%dma_start3A_229 : memref<10000x64xi32, #tpu.memory_space<hbm>>) target(%dma_start3A_220 : memref<80x64xi32, #tpu.memory_space<vmem>>) offsets(%dma_start3A_222 : memref<80xi32, #tpu.memory_space<vmem>>) semaphore(%dma_start3A_231 : memref<!tpu.dma_semaphore, #tpu.memory_space<semaphore_mem>>)
    %dma_start3A_232 = arith.constant 4 : i32
    %dma_start3A_233 = arith.constant 4 : i32
    %dma_start3A_234 = arith.constant 0 : i32
    %dma_start3A_235 = arith.constant 0 : i32
    %dma_start3A_236 = tpu.memref_slice %arg10[%dma_start3A_232, %dma_start3A_234, %dma_start3A_235] : memref<5x80x64xi32, #tpu.memory_space<vmem>> -> memref<1x80x64xi32, #tpu.memory_space<vmem>>
    %dma_start3A_237 = tpu.memref_squeeze %dma_start3A_236 : memref<1x80x64xi32, #tpu.memory_space<vmem>> -> memref<80x64xi32, #tpu.memory_space<vmem>>
    %dma_start3A_238 = arith.constant 320 : i32
    %dma_start3A_239 = tpu.memref_slice %arg8[%dma_start3A_238] : memref<10000xi32, #tpu.memory_space<vmem>> -> memref<80xi32, #tpu.memory_space<vmem>>
    %dma_start3A_240 = arith.constant 0 : i32
    %dma_start3A_241 = arith.constant 0 : i32
    %dma_start3A_242 = tpu.memref_slice %arg6[%arg0, %dma_start3A_240, %dma_start3A_241] : memref<2x10000x64xi32, #tpu.memory_space<hbm>> -> memref<1x10000x64xi32, #tpu.memory_space<hbm>>
    %dma_start3A_243 = tpu.memref_squeeze %dma_start3A_242 : memref<1x10000x64xi32, #tpu.memory_space<hbm>> -> memref<10000x64xi32, #tpu.memory_space<hbm>>
    %dma_start3A_244 = arith.constant 0 : i32
    %dma_start3A_245 = arith.constant 0 : i32
    %dma_start3A_246 = tpu.memref_slice %dma_start3A_243[%dma_start3A_244, %dma_start3A_245] : memref<10000x64xi32, #tpu.memory_space<hbm>> -> memref<10000x64xi32, #tpu.memory_space<hbm>>
    %dma_start3A_247 = tpu.memref_slice %arg16[%dma_start3A_233] : memref<5x!tpu.dma_semaphore, #tpu.memory_space<semaphore_mem>> -> memref<1x!tpu.dma_semaphore, #tpu.memory_space<semaphore_mem>>
    %dma_start3A_248 = tpu.memref_squeeze %dma_start3A_247 : memref<1x!tpu.dma_semaphore, #tpu.memory_space<semaphore_mem>> -> memref<!tpu.dma_semaphore, #tpu.memory_space<semaphore_mem>>
    tpu.enqueue_indirect_dma source(%dma_start3A_246 : memref<10000x64xi32, #tpu.memory_space<hbm>>) target(%dma_start3A_237 : memref<80x64xi32, #tpu.memory_space<vmem>>) offsets(%dma_start3A_239 : memref<80xi32, #tpu.memory_space<vmem>>) semaphore(%dma_start3A_248 : memref<!tpu.dma_semaphore, #tpu.memory_space<semaphore_mem>>)
    %dma_start3A_249 = arith.constant 4 : i32
    %dma_start3A_250 = arith.constant 4 : i32
    %dma_start3A_251 = arith.constant 0 : i32
    %dma_start3A_252 = arith.constant 0 : i32
    %dma_start3A_253 = tpu.memref_slice %arg11[%dma_start3A_249, %dma_start3A_251, %dma_start3A_252] : memref<5x80x64xi32, #tpu.memory_space<vmem>> -> memref<1x80x64xi32, #tpu.memory_space<vmem>>
    %dma_start3A_254 = tpu.memref_squeeze %dma_start3A_253 : memref<1x80x64xi32, #tpu.memory_space<vmem>> -> memref<80x64xi32, #tpu.memory_space<vmem>>
    %dma_start3A_255 = arith.constant 320 : i32
    %dma_start3A_256 = tpu.memref_slice %arg9[%dma_start3A_255] : memref<10000xi32, #tpu.memory_space<vmem>> -> memref<80xi32, #tpu.memory_space<vmem>>
    %dma_start3A_257 = arith.constant 0 : i32
    %dma_start3A_258 = arith.constant 0 : i32
    %dma_start3A_259 = tpu.memref_slice %arg7[%arg0, %dma_start3A_257, %dma_start3A_258] : memref<2x10000x64xi32, #tpu.memory_space<hbm>> -> memref<1x10000x64xi32, #tpu.memory_space<hbm>>
    %dma_start3A_260 = tpu.memref_squeeze %dma_start3A_259 : memref<1x10000x64xi32, #tpu.memory_space<hbm>> -> memref<10000x64xi32, #tpu.memory_space<hbm>>
    %dma_start3A_261 = arith.constant 0 : i32
    %dma_start3A_262 = arith.constant 0 : i32
    %dma_start3A_263 = tpu.memref_slice %dma_start3A_260[%dma_start3A_261, %dma_start3A_262] : memref<10000x64xi32, #tpu.memory_space<hbm>> -> memref<10000x64xi32, #tpu.memory_space<hbm>>
    %dma_start3A_264 = tpu.memref_slice %arg16[%dma_start3A_250] : memref<5x!tpu.dma_semaphore, #tpu.memory_space<semaphore_mem>> -> memref<1x!tpu.dma_semaphore, #tpu.memory_space<semaphore_mem>>
    %dma_start3A_265 = tpu.memref_squeeze %dma_start3A_264 : memref<1x!tpu.dma_semaphore, #tpu.memory_space<semaphore_mem>> -> memref<!tpu.dma_semaphore, #tpu.memory_space<semaphore_mem>>
    tpu.enqueue_indirect_dma source(%dma_start3A_263 : memref<10000x64xi32, #tpu.memory_space<hbm>>) target(%dma_start3A_254 : memref<80x64xi32, #tpu.memory_space<vmem>>) offsets(%dma_start3A_256 : memref<80xi32, #tpu.memory_space<vmem>>) semaphore(%dma_start3A_265 : memref<!tpu.dma_semaphore, #tpu.memory_space<semaphore_mem>>)
    %scan3A_266 = arith.constant 0 : i32
    %scan3A_267 = arith.constant 0 : i32
    %scan3A_268 = arith.constant 125 : i32
    %scan3A_269 = arith.addi %scan3A_267, %scan3A_268 : i32
    %scan3A_270 = arith.constant 1 : i32
    scf.for %scan3A_272 = %scan3A_267 to %scan3A_269 step %scan3A_270  : i32 {
      %rem3A = arith.constant 5 : i32
      %rem3A_273 = arith.remsi %scan3A_272, %rem3A : i32
      %dma_wait3A_274 = arith.constant 0 : i32
      %dma_wait3A_275 = arith.constant 0 : i32
      %dma_wait3A_276 = arith.constant 0 : i32
      %dma_wait3A_277 = tpu.memref_slice %arg10[%rem3A_273, %dma_wait3A_275, %dma_wait3A_276] : memref<5x80x64xi32, #tpu.memory_space<vmem>> -> memref<1x80x64xi32, #tpu.memory_space<vmem>>
      %dma_wait3A_278 = tpu.memref_squeeze %dma_wait3A_277 : memref<1x80x64xi32, #tpu.memory_space<vmem>> -> memref<80x64xi32, #tpu.memory_space<vmem>>
      %dma_wait3A_279 = arith.constant 0 : i32
      %dma_wait3A_280 = arith.constant 0 : i32
      %dma_wait3A_281 = tpu.memref_slice %arg6[%dma_wait3A_274, %dma_wait3A_279, %dma_wait3A_280] : memref<2x10000x64xi32, #tpu.memory_space<hbm>> -> memref<1x80x64xi32, #tpu.memory_space<hbm>>
      %dma_wait3A_282 = tpu.memref_squeeze %dma_wait3A_281 : memref<1x80x64xi32, #tpu.memory_space<hbm>> -> memref<80x64xi32, #tpu.memory_space<hbm>>
      %dma_wait3A_283 = tpu.memref_slice %arg16[%rem3A_273] : memref<5x!tpu.dma_semaphore, #tpu.memory_space<semaphore_mem>> -> memref<1x!tpu.dma_semaphore, #tpu.memory_space<semaphore_mem>>
      %dma_wait3A_284 = tpu.memref_squeeze %dma_wait3A_283 : memref<1x!tpu.dma_semaphore, #tpu.memory_space<semaphore_mem>> -> memref<!tpu.dma_semaphore, #tpu.memory_space<semaphore_mem>>
      %dma_wait3A_285 = arith.constant 0 : i32
      %dma_wait3A_286 = arith.constant 0 : i32
      %dma_wait3A_287 = tpu.memref_slice %arg10[%rem3A_273, %dma_wait3A_285, %dma_wait3A_286] : memref<5x80x64xi32, #tpu.memory_space<vmem>> -> memref<1x80x64xi32, #tpu.memory_space<vmem>>
      %dma_wait3A_288 = tpu.memref_squeeze %dma_wait3A_287 : memref<1x80x64xi32, #tpu.memory_space<vmem>> -> memref<80x64xi32, #tpu.memory_space<vmem>>
      %dma_wait3A_289 = arith.constant 0 : i32
      %dma_wait3A_290 = arith.constant 0 : i32
      %dma_wait3A_291 = tpu.memref_slice %arg6[%dma_wait3A_274, %dma_wait3A_289, %dma_wait3A_290] : memref<2x10000x64xi32, #tpu.memory_space<hbm>> -> memref<1x80x64xi32, #tpu.memory_space<hbm>>
      %dma_wait3A_292 = tpu.memref_squeeze %dma_wait3A_291 : memref<1x80x64xi32, #tpu.memory_space<hbm>> -> memref<80x64xi32, #tpu.memory_space<hbm>>
      tpu.wait_dma2 semaphore(%dma_wait3A_284 : memref<!tpu.dma_semaphore, #tpu.memory_space<semaphore_mem>>) src(%dma_wait3A_292 : memref<80x64xi32, #tpu.memory_space<hbm>>) dst(%dma_wait3A_288 : memref<80x64xi32, #tpu.memory_space<vmem>>)
      %dma_wait3A_293 = arith.constant 0 : i32
      %dma_wait3A_294 = arith.constant 0 : i32
      %dma_wait3A_295 = arith.constant 0 : i32
      %dma_wait3A_296 = tpu.memref_slice %arg11[%rem3A_273, %dma_wait3A_294, %dma_wait3A_295] : memref<5x80x64xi32, #tpu.memory_space<vmem>> -> memref<1x80x64xi32, #tpu.memory_space<vmem>>
      %dma_wait3A_297 = tpu.memref_squeeze %dma_wait3A_296 : memref<1x80x64xi32, #tpu.memory_space<vmem>> -> memref<80x64xi32, #tpu.memory_space<vmem>>
      %dma_wait3A_298 = arith.constant 0 : i32
      %dma_wait3A_299 = arith.constant 0 : i32
      %dma_wait3A_300 = tpu.memref_slice %arg6[%dma_wait3A_293, %dma_wait3A_298, %dma_wait3A_299] : memref<2x10000x64xi32, #tpu.memory_space<hbm>> -> memref<1x80x64xi32, #tpu.memory_space<hbm>>
      %dma_wait3A_301 = tpu.memref_squeeze %dma_wait3A_300 : memref<1x80x64xi32, #tpu.memory_space<hbm>> -> memref<80x64xi32, #tpu.memory_space<hbm>>
      %dma_wait3A_302 = tpu.memref_slice %arg16[%rem3A_273] : memref<5x!tpu.dma_semaphore, #tpu.memory_space<semaphore_mem>> -> memref<1x!tpu.dma_semaphore, #tpu.memory_space<semaphore_mem>>
      %dma_wait3A_303 = tpu.memref_squeeze %dma_wait3A_302 : memref<1x!tpu.dma_semaphore, #tpu.memory_space<semaphore_mem>> -> memref<!tpu.dma_semaphore, #tpu.memory_space<semaphore_mem>>
      %dma_wait3A_304 = arith.constant 0 : i32
      %dma_wait3A_305 = arith.constant 0 : i32
      %dma_wait3A_306 = tpu.memref_slice %arg11[%rem3A_273, %dma_wait3A_304, %dma_wait3A_305] : memref<5x80x64xi32, #tpu.memory_space<vmem>> -> memref<1x80x64xi32, #tpu.memory_space<vmem>>
      %dma_wait3A_307 = tpu.memref_squeeze %dma_wait3A_306 : memref<1x80x64xi32, #tpu.memory_space<vmem>> -> memref<80x64xi32, #tpu.memory_space<vmem>>
      %dma_wait3A_308 = arith.constant 0 : i32
      %dma_wait3A_309 = arith.constant 0 : i32
      %dma_wait3A_310 = tpu.memref_slice %arg6[%dma_wait3A_293, %dma_wait3A_308, %dma_wait3A_309] : memref<2x10000x64xi32, #tpu.memory_space<hbm>> -> memref<1x80x64xi32, #tpu.memory_space<hbm>>
      %dma_wait3A_311 = tpu.memref_squeeze %dma_wait3A_310 : memref<1x80x64xi32, #tpu.memory_space<hbm>> -> memref<80x64xi32, #tpu.memory_space<hbm>>
      tpu.wait_dma2 semaphore(%dma_wait3A_303 : memref<!tpu.dma_semaphore, #tpu.memory_space<semaphore_mem>>) src(%dma_wait3A_311 : memref<80x64xi32, #tpu.memory_space<hbm>>) dst(%dma_wait3A_307 : memref<80x64xi32, #tpu.memory_space<vmem>>)
      %scan3A_312 = arith.constant 0 : i32
      %scan3A_313 = arith.constant 0 : i32
      %scan3A_314 = arith.constant 5 : i32
      %scan3A_315 = arith.addi %scan3A_313, %scan3A_314 : i32
      %scan3A_316 = arith.constant 1 : i32
      scf.for %scan3A_320 = %scan3A_313 to %scan3A_315 step %scan3A_316  : i32 {
        %mul3A_321 = arith.constant 16 : i32
        %mul3A_322 = arith.muli %scan3A_320, %mul3A_321 : i32
        %add3A_323 = arith.constant 0 : i32
        %add3A_324 = arith.addi %mul3A_322, %add3A_323 : i32
        %get3A = arith.index_cast %rem3A_273 : i32 to index
        %get3A_325 = arith.index_cast %add3A_324 : i32 to index
        %get3A_326 = arith.constant 0 : index
        %get3A_327 = tpu.vector_load %arg10[%get3A, %get3A_325, %get3A_326] {strides = array<i32>} : memref<5x80x64xi32, #tpu.memory_space<vmem>>, vector<16xi32>,
        %bitcast3A = vector.bitcast %get3A_327 : vector<16xi32> to vector<32xbf16>
        %get3A_328 = arith.index_cast %rem3A_273 : i32 to index
        %get3A_329 = arith.index_cast %add3A_324 : i32 to index
        %get3A_330 = arith.constant 0 : index
        %get3A_331 = tpu.vector_load %arg11[%get3A_328, %get3A_329, %get3A_330] {strides = array<i32>} : memref<5x80x64xi32, #tpu.memory_space<vmem>>, vector<16xi32>,
        %bitcast3A_332 = vector.bitcast %get3A_331 : vector<16xi32> to vector<32xbf16>
        %mul3A_333 = arith.mulf %bitcast3A, %bitcast3A_332 : vector<32xbf16>
        %get3A_334 = arith.index_cast %rem3A_273 : i32 to index
        %get3A_335 = arith.index_cast %add3A_324 : i32 to index
        %get3A_336 = arith.constant 16 : index
        %get3A_337 = tpu.vector_load %arg10[%get3A_334, %get3A_335, %get3A_336] {strides = array<i32>} : memref<5x80x64xi32, #tpu.memory_space<vmem>>, vector<16xi32>,
        %bitcast3A_338 = vector.bitcast %get3A_337 : vector<16xi32> to vector<32xbf16>
        %get3A_339 = arith.index_cast %rem3A_273 : i32 to index
        %get3A_340 = arith.index_cast %add3A_324 : i32 to index
        %get3A_341 = arith.constant 16 : index
        %get3A_342 = tpu.vector_load %arg11[%get3A_339, %get3A_340, %get3A_341] {strides = array<i32>} : memref<5x80x64xi32, #tpu.memory_space<vmem>>, vector<16xi32>,
        %bitcast3A_343 = vector.bitcast %get3A_342 : vector<16xi32> to vector<32xbf16>
        %mul3A_344 = arith.mulf %bitcast3A_338, %bitcast3A_343 : vector<32xbf16>
        %add3A_345 = arith.addf %mul3A_333, %mul3A_344 : vector<32xbf16>
        %get3A_346 = arith.index_cast %rem3A_273 : i32 to index
        %get3A_347 = arith.index_cast %add3A_324 : i32 to index
        %get3A_348 = arith.constant 32 : index
        %get3A_349 = tpu.vector_load %arg10[%get3A_346, %get3A_347, %get3A_348] {strides = array<i32>} : memref<5x80x64xi32, #tpu.memory_space<vmem>>, vector<16xi32>,
        %bitcast3A_350 = vector.bitcast %get3A_349 : vector<16xi32> to vector<32xbf16>
        %get3A_351 = arith.index_cast %rem3A_273 : i32 to index
        %get3A_352 = arith.index_cast %add3A_324 : i32 to index
        %get3A_353 = arith.constant 32 : index
        %get3A_354 = tpu.vector_load %arg11[%get3A_351, %get3A_352, %get3A_353] {strides = array<i32>} : memref<5x80x64xi32, #tpu.memory_space<vmem>>, vector<16xi32>,
        %bitcast3A_355 = vector.bitcast %get3A_354 : vector<16xi32> to vector<32xbf16>
        %mul3A_356 = arith.mulf %bitcast3A_350, %bitcast3A_355 : vector<32xbf16>
        %add3A_357 = arith.addf %add3A_345, %mul3A_356 : vector<32xbf16>
        %get3A_358 = arith.index_cast %rem3A_273 : i32 to index
        %get3A_359 = arith.index_cast %add3A_324 : i32 to index
        %get3A_360 = arith.constant 48 : index
        %get3A_361 = tpu.vector_load %arg10[%get3A_358, %get3A_359, %get3A_360] {strides = array<i32>} : memref<5x80x64xi32, #tpu.memory_space<vmem>>, vector<16xi32>,
        %bitcast3A_362 = vector.bitcast %get3A_361 : vector<16xi32> to vector<32xbf16>
        %get3A_363 = arith.index_cast %rem3A_273 : i32 to index
        %get3A_364 = arith.index_cast %add3A_324 : i32 to index
        %get3A_365 = arith.constant 48 : index
        %get3A_366 = tpu.vector_load %arg11[%get3A_363, %get3A_364, %get3A_365] {strides = array<i32>} : memref<5x80x64xi32, #tpu.memory_space<vmem>>, vector<16xi32>,
        %bitcast3A_367 = vector.bitcast %get3A_366 : vector<16xi32> to vector<32xbf16>
        %mul3A_368 = arith.mulf %bitcast3A_362, %bitcast3A_367 : vector<32xbf16>
        %add3A_369 = arith.addf %add3A_357, %mul3A_368 : vector<32xbf16>
        %mul3A_370 = arith.constant 16 : i32
        %mul3A_371 = arith.muli %scan3A_320, %mul3A_370 : i32
        %add3A_372 = arith.constant 1 : i32
        %add3A_373 = arith.addi %mul3A_371, %add3A_372 : i32
        %get3A_374 = arith.index_cast %rem3A_273 : i32 to index
        %get3A_375 = arith.index_cast %add3A_373 : i32 to index
        %get3A_376 = arith.constant 0 : index
        %get3A_377 = tpu.vector_load %arg10[%get3A_374, %get3A_375, %get3A_376] {strides = array<i32>} : memref<5x80x64xi32, #tpu.memory_space<vmem>>, vector<16xi32>,
        %bitcast3A_378 = vector.bitcast %get3A_377 : vector<16xi32> to vector<32xbf16>
        %get3A_379 = arith.index_cast %rem3A_273 : i32 to index
        %get3A_380 = arith.index_cast %add3A_373 : i32 to index
        %get3A_381 = arith.constant 0 : index
        %get3A_382 = tpu.vector_load %arg11[%get3A_379, %get3A_380, %get3A_381] {strides = array<i32>} : memref<5x80x64xi32, #tpu.memory_space<vmem>>, vector<16xi32>,
        %bitcast3A_383 = vector.bitcast %get3A_382 : vector<16xi32> to vector<32xbf16>
        %mul3A_384 = arith.mulf %bitcast3A_378, %bitcast3A_383 : vector<32xbf16>
        %get3A_385 = arith.index_cast %rem3A_273 : i32 to index
        %get3A_386 = arith.index_cast %add3A_373 : i32 to index
        %get3A_387 = arith.constant 16 : index
        %get3A_388 = tpu.vector_load %arg10[%get3A_385, %get3A_386, %get3A_387] {strides = array<i32>} : memref<5x80x64xi32, #tpu.memory_space<vmem>>, vector<16xi32>,
        %bitcast3A_389 = vector.bitcast %get3A_388 : vector<16xi32> to vector<32xbf16>
        %get3A_390 = arith.index_cast %rem3A_273 : i32 to index
        %get3A_391 = arith.index_cast %add3A_373 : i32 to index
        %get3A_392 = arith.constant 16 : index
        %get3A_393 = tpu.vector_load %arg11[%get3A_390, %get3A_391, %get3A_392] {strides = array<i32>} : memref<5x80x64xi32, #tpu.memory_space<vmem>>, vector<16xi32>,
        %bitcast3A_394 = vector.bitcast %get3A_393 : vector<16xi32> to vector<32xbf16>
        %mul3A_395 = arith.mulf %bitcast3A_389, %bitcast3A_394 : vector<32xbf16>
        %add3A_396 = arith.addf %mul3A_384, %mul3A_395 : vector<32xbf16>
        %get3A_397 = arith.index_cast %rem3A_273 : i32 to index
        %get3A_398 = arith.index_cast %add3A_373 : i32 to index
        %get3A_399 = arith.constant 32 : index
        %get3A_400 = tpu.vector_load %arg10[%get3A_397, %get3A_398, %get3A_399] {strides = array<i32>} : memref<5x80x64xi32, #tpu.memory_space<vmem>>, vector<16xi32>,
        %bitcast3A_401 = vector.bitcast %get3A_400 : vector<16xi32> to vector<32xbf16>
        %get3A_402 = arith.index_cast %rem3A_273 : i32 to index
        %get3A_403 = arith.index_cast %add3A_373 : i32 to index
        %get3A_404 = arith.constant 32 : index
        %get3A_405 = tpu.vector_load %arg11[%get3A_402, %get3A_403, %get3A_404] {strides = array<i32>} : memref<5x80x64xi32, #tpu.memory_space<vmem>>, vector<16xi32>,
        %bitcast3A_406 = vector.bitcast %get3A_405 : vector<16xi32> to vector<32xbf16>
        %mul3A_407 = arith.mulf %bitcast3A_401, %bitcast3A_406 : vector<32xbf16>
        %add3A_408 = arith.addf %add3A_396, %mul3A_407 : vector<32xbf16>
        %get3A_409 = arith.index_cast %rem3A_273 : i32 to index
        %get3A_410 = arith.index_cast %add3A_373 : i32 to index
        %get3A_411 = arith.constant 48 : index
        %get3A_412 = tpu.vector_load %arg10[%get3A_409, %get3A_410, %get3A_411] {strides = array<i32>} : memref<5x80x64xi32, #tpu.memory_space<vmem>>, vector<16xi32>,
        %bitcast3A_413 = vector.bitcast %get3A_412 : vector<16xi32> to vector<32xbf16>
        %get3A_414 = arith.index_cast %rem3A_273 : i32 to index
        %get3A_415 = arith.index_cast %add3A_373 : i32 to index
        %get3A_416 = arith.constant 48 : index
        %get3A_417 = tpu.vector_load %arg11[%get3A_414, %get3A_415, %get3A_416] {strides = array<i32>} : memref<5x80x64xi32, #tpu.memory_space<vmem>>, vector<16xi32>,
        %bitcast3A_418 = vector.bitcast %get3A_417 : vector<16xi32> to vector<32xbf16>
        %mul3A_419 = arith.mulf %bitcast3A_413, %bitcast3A_418 : vector<32xbf16>
        %add3A_420 = arith.addf %add3A_408, %mul3A_419 : vector<32xbf16>
        %mul3A_421 = arith.constant 16 : i32
        %mul3A_422 = arith.muli %scan3A_320, %mul3A_421 : i32
        %add3A_423 = arith.constant 2 : i32
        %add3A_424 = arith.addi %mul3A_422, %add3A_423 : i32
        %get3A_425 = arith.index_cast %rem3A_273 : i32 to index
        %get3A_426 = arith.index_cast %add3A_424 : i32 to index
        %get3A_427 = arith.constant 0 : index
        %get3A_428 = tpu.vector_load %arg10[%get3A_425, %get3A_426, %get3A_427] {strides = array<i32>} : memref<5x80x64xi32, #tpu.memory_space<vmem>>, vector<16xi32>,
        %bitcast3A_429 = vector.bitcast %get3A_428 : vector<16xi32> to vector<32xbf16>
        %get3A_430 = arith.index_cast %rem3A_273 : i32 to index
        %get3A_431 = arith.index_cast %add3A_424 : i32 to index
        %get3A_432 = arith.constant 0 : index
        %get3A_433 = tpu.vector_load %arg11[%get3A_430, %get3A_431, %get3A_432] {strides = array<i32>} : memref<5x80x64xi32, #tpu.memory_space<vmem>>, vector<16xi32>,
        %bitcast3A_434 = vector.bitcast %get3A_433 : vector<16xi32> to vector<32xbf16>
        %mul3A_435 = arith.mulf %bitcast3A_429, %bitcast3A_434 : vector<32xbf16>
        %get3A_436 = arith.index_cast %rem3A_273 : i32 to index
        %get3A_437 = arith.index_cast %add3A_424 : i32 to index
        %get3A_438 = arith.constant 16 : index
        %get3A_439 = tpu.vector_load %arg10[%get3A_436, %get3A_437, %get3A_438] {strides = array<i32>} : memref<5x80x64xi32, #tpu.memory_space<vmem>>, vector<16xi32>,
        %bitcast3A_440 = vector.bitcast %get3A_439 : vector<16xi32> to vector<32xbf16>
        %get3A_441 = arith.index_cast %rem3A_273 : i32 to index
        %get3A_442 = arith.index_cast %add3A_424 : i32 to index
        %get3A_443 = arith.constant 16 : index
        %get3A_444 = tpu.vector_load %arg11[%get3A_441, %get3A_442, %get3A_443] {strides = array<i32>} : memref<5x80x64xi32, #tpu.memory_space<vmem>>, vector<16xi32>,
        %bitcast3A_445 = vector.bitcast %get3A_444 : vector<16xi32> to vector<32xbf16>
        %mul3A_446 = arith.mulf %bitcast3A_440, %bitcast3A_445 : vector<32xbf16>
        %add3A_447 = arith.addf %mul3A_435, %mul3A_446 : vector<32xbf16>
        %get3A_448 = arith.index_cast %rem3A_273 : i32 to index
        %get3A_449 = arith.index_cast %add3A_424 : i32 to index
        %get3A_450 = arith.constant 32 : index
        %get3A_451 = tpu.vector_load %arg10[%get3A_448, %get3A_449, %get3A_450] {strides = array<i32>} : memref<5x80x64xi32, #tpu.memory_space<vmem>>, vector<16xi32>,
        %bitcast3A_452 = vector.bitcast %get3A_451 : vector<16xi32> to vector<32xbf16>
        %get3A_453 = arith.index_cast %rem3A_273 : i32 to index
        %get3A_454 = arith.index_cast %add3A_424 : i32 to index
        %get3A_455 = arith.constant 32 : index
        %get3A_456 = tpu.vector_load %arg11[%get3A_453, %get3A_454, %get3A_455] {strides = array<i32>} : memref<5x80x64xi32, #tpu.memory_space<vmem>>, vector<16xi32>,
        %bitcast3A_457 = vector.bitcast %get3A_456 : vector<16xi32> to vector<32xbf16>
        %mul3A_458 = arith.mulf %bitcast3A_452, %bitcast3A_457 : vector<32xbf16>
        %add3A_459 = arith.addf %add3A_447, %mul3A_458 : vector<32xbf16>
        %get3A_460 = arith.index_cast %rem3A_273 : i32 to index
        %get3A_461 = arith.index_cast %add3A_424 : i32 to index
        %get3A_462 = arith.constant 48 : index
        %get3A_463 = tpu.vector_load %arg10[%get3A_460, %get3A_461, %get3A_462] {strides = array<i32>} : memref<5x80x64xi32, #tpu.memory_space<vmem>>, vector<16xi32>,
        %bitcast3A_464 = vector.bitcast %get3A_463 : vector<16xi32> to vector<32xbf16>
        %get3A_465 = arith.index_cast %rem3A_273 : i32 to index
        %get3A_466 = arith.index_cast %add3A_424 : i32 to index
        %get3A_467 = arith.constant 48 : index
        %get3A_468 = tpu.vector_load %arg11[%get3A_465, %get3A_466, %get3A_467] {strides = array<i32>} : memref<5x80x64xi32, #tpu.memory_space<vmem>>, vector<16xi32>,
        %bitcast3A_469 = vector.bitcast %get3A_468 : vector<16xi32> to vector<32xbf16>
        %mul3A_470 = arith.mulf %bitcast3A_464, %bitcast3A_469 : vector<32xbf16>
        %add3A_471 = arith.addf %add3A_459, %mul3A_470 : vector<32xbf16>
        %mul3A_472 = arith.constant 16 : i32
        %mul3A_473 = arith.muli %scan3A_320, %mul3A_472 : i32
        %add3A_474 = arith.constant 3 : i32
        %add3A_475 = arith.addi %mul3A_473, %add3A_474 : i32
        %get3A_476 = arith.index_cast %rem3A_273 : i32 to index
        %get3A_477 = arith.index_cast %add3A_475 : i32 to index
        %get3A_478 = arith.constant 0 : index
        %get3A_479 = tpu.vector_load %arg10[%get3A_476, %get3A_477, %get3A_478] {strides = array<i32>} : memref<5x80x64xi32, #tpu.memory_space<vmem>>, vector<16xi32>,
        %bitcast3A_480 = vector.bitcast %get3A_479 : vector<16xi32> to vector<32xbf16>
        %get3A_481 = arith.index_cast %rem3A_273 : i32 to index
        %get3A_482 = arith.index_cast %add3A_475 : i32 to index
        %get3A_483 = arith.constant 0 : index
        %get3A_484 = tpu.vector_load %arg11[%get3A_481, %get3A_482, %get3A_483] {strides = array<i32>} : memref<5x80x64xi32, #tpu.memory_space<vmem>>, vector<16xi32>,
        %bitcast3A_485 = vector.bitcast %get3A_484 : vector<16xi32> to vector<32xbf16>
        %mul3A_486 = arith.mulf %bitcast3A_480, %bitcast3A_485 : vector<32xbf16>
        %get3A_487 = arith.index_cast %rem3A_273 : i32 to index
        %get3A_488 = arith.index_cast %add3A_475 : i32 to index
        %get3A_489 = arith.constant 16 : index
        %get3A_490 = tpu.vector_load %arg10[%get3A_487, %get3A_488, %get3A_489] {strides = array<i32>} : memref<5x80x64xi32, #tpu.memory_space<vmem>>, vector<16xi32>,
        %bitcast3A_491 = vector.bitcast %get3A_490 : vector<16xi32> to vector<32xbf16>
        %get3A_492 = arith.index_cast %rem3A_273 : i32 to index
        %get3A_493 = arith.index_cast %add3A_475 : i32 to index
        %get3A_494 = arith.constant 16 : index
        %get3A_495 = tpu.vector_load %arg11[%get3A_492, %get3A_493, %get3A_494] {strides = array<i32>} : memref<5x80x64xi32, #tpu.memory_space<vmem>>, vector<16xi32>,
        %bitcast3A_496 = vector.bitcast %get3A_495 : vector<16xi32> to vector<32xbf16>
        %mul3A_497 = arith.mulf %bitcast3A_491, %bitcast3A_496 : vector<32xbf16>
        %add3A_498 = arith.addf %mul3A_486, %mul3A_497 : vector<32xbf16>
        %get3A_499 = arith.index_cast %rem3A_273 : i32 to index
        %get3A_500 = arith.index_cast %add3A_475 : i32 to index
        %get3A_501 = arith.constant 32 : index
        %get3A_502 = tpu.vector_load %arg10[%get3A_499, %get3A_500, %get3A_501] {strides = array<i32>} : memref<5x80x64xi32, #tpu.memory_space<vmem>>, vector<16xi32>,
        %bitcast3A_503 = vector.bitcast %get3A_502 : vector<16xi32> to vector<32xbf16>
        %get3A_504 = arith.index_cast %rem3A_273 : i32 to index
        %get3A_505 = arith.index_cast %add3A_475 : i32 to index
        %get3A_506 = arith.constant 32 : index
        %get3A_507 = tpu.vector_load %arg11[%get3A_504, %get3A_505, %get3A_506] {strides = array<i32>} : memref<5x80x64xi32, #tpu.memory_space<vmem>>, vector<16xi32>,
        %bitcast3A_508 = vector.bitcast %get3A_507 : vector<16xi32> to vector<32xbf16>
        %mul3A_509 = arith.mulf %bitcast3A_503, %bitcast3A_508 : vector<32xbf16>
        %add3A_510 = arith.addf %add3A_498, %mul3A_509 : vector<32xbf16>
        %get3A_511 = arith.index_cast %rem3A_273 : i32 to index
        %get3A_512 = arith.index_cast %add3A_475 : i32 to index
        %get3A_513 = arith.constant 48 : index
        %get3A_514 = tpu.vector_load %arg10[%get3A_511, %get3A_512, %get3A_513] {strides = array<i32>} : memref<5x80x64xi32, #tpu.memory_space<vmem>>, vector<16xi32>,
        %bitcast3A_515 = vector.bitcast %get3A_514 : vector<16xi32> to vector<32xbf16>
        %get3A_516 = arith.index_cast %rem3A_273 : i32 to index
        %get3A_517 = arith.index_cast %add3A_475 : i32 to index
        %get3A_518 = arith.constant 48 : index
        %get3A_519 = tpu.vector_load %arg11[%get3A_516, %get3A_517, %get3A_518] {strides = array<i32>} : memref<5x80x64xi32, #tpu.memory_space<vmem>>, vector<16xi32>,
        %bitcast3A_520 = vector.bitcast %get3A_519 : vector<16xi32> to vector<32xbf16>
        %mul3A_521 = arith.mulf %bitcast3A_515, %bitcast3A_520 : vector<32xbf16>
        %add3A_522 = arith.addf %add3A_510, %mul3A_521 : vector<32xbf16>
        %mul3A_523 = arith.constant 16 : i32
        %mul3A_524 = arith.muli %scan3A_320, %mul3A_523 : i32
        %add3A_525 = arith.constant 4 : i32
        %add3A_526 = arith.addi %mul3A_524, %add3A_525 : i32
        %get3A_527 = arith.index_cast %rem3A_273 : i32 to index
        %get3A_528 = arith.index_cast %add3A_526 : i32 to index
        %get3A_529 = arith.constant 0 : index
        %get3A_530 = tpu.vector_load %arg10[%get3A_527, %get3A_528, %get3A_529] {strides = array<i32>} : memref<5x80x64xi32, #tpu.memory_space<vmem>>, vector<16xi32>,
        %bitcast3A_531 = vector.bitcast %get3A_530 : vector<16xi32> to vector<32xbf16>
        %get3A_532 = arith.index_cast %rem3A_273 : i32 to index
        %get3A_533 = arith.index_cast %add3A_526 : i32 to index
        %get3A_534 = arith.constant 0 : index
        %get3A_535 = tpu.vector_load %arg11[%get3A_532, %get3A_533, %get3A_534] {strides = array<i32>} : memref<5x80x64xi32, #tpu.memory_space<vmem>>, vector<16xi32>,
        %bitcast3A_536 = vector.bitcast %get3A_535 : vector<16xi32> to vector<32xbf16>
        %mul3A_537 = arith.mulf %bitcast3A_531, %bitcast3A_536 : vector<32xbf16>
        %get3A_538 = arith.index_cast %rem3A_273 : i32 to index
        %get3A_539 = arith.index_cast %add3A_526 : i32 to index
        %get3A_540 = arith.constant 16 : index
        %get3A_541 = tpu.vector_load %arg10[%get3A_538, %get3A_539, %get3A_540] {strides = array<i32>} : memref<5x80x64xi32, #tpu.memory_space<vmem>>, vector<16xi32>,
        %bitcast3A_542 = vector.bitcast %get3A_541 : vector<16xi32> to vector<32xbf16>
        %get3A_543 = arith.index_cast %rem3A_273 : i32 to index
        %get3A_544 = arith.index_cast %add3A_526 : i32 to index
        %get3A_545 = arith.constant 16 : index
        %get3A_546 = tpu.vector_load %arg11[%get3A_543, %get3A_544, %get3A_545] {strides = array<i32>} : memref<5x80x64xi32, #tpu.memory_space<vmem>>, vector<16xi32>,
        %bitcast3A_547 = vector.bitcast %get3A_546 : vector<16xi32> to vector<32xbf16>
        %mul3A_548 = arith.mulf %bitcast3A_542, %bitcast3A_547 : vector<32xbf16>
        %add3A_549 = arith.addf %mul3A_537, %mul3A_548 : vector<32xbf16>
        %get3A_550 = arith.index_cast %rem3A_273 : i32 to index
        %get3A_551 = arith.index_cast %add3A_526 : i32 to index
        %get3A_552 = arith.constant 32 : index
        %get3A_553 = tpu.vector_load %arg10[%get3A_550, %get3A_551, %get3A_552] {strides = array<i32>} : memref<5x80x64xi32, #tpu.memory_space<vmem>>, vector<16xi32>,
        %bitcast3A_554 = vector.bitcast %get3A_553 : vector<16xi32> to vector<32xbf16>
        %get3A_555 = arith.index_cast %rem3A_273 : i32 to index
        %get3A_556 = arith.index_cast %add3A_526 : i32 to index
        %get3A_557 = arith.constant 32 : index
        %get3A_558 = tpu.vector_load %arg11[%get3A_555, %get3A_556, %get3A_557] {strides = array<i32>} : memref<5x80x64xi32, #tpu.memory_space<vmem>>, vector<16xi32>,
        %bitcast3A_559 = vector.bitcast %get3A_558 : vector<16xi32> to vector<32xbf16>
        %mul3A_560 = arith.mulf %bitcast3A_554, %bitcast3A_559 : vector<32xbf16>
        %add3A_561 = arith.addf %add3A_549, %mul3A_560 : vector<32xbf16>
        %get3A_562 = arith.index_cast %rem3A_273 : i32 to index
        %get3A_563 = arith.index_cast %add3A_526 : i32 to index
        %get3A_564 = arith.constant 48 : index
        %get3A_565 = tpu.vector_load %arg10[%get3A_562, %get3A_563, %get3A_564] {strides = array<i32>} : memref<5x80x64xi32, #tpu.memory_space<vmem>>, vector<16xi32>,
        %bitcast3A_566 = vector.bitcast %get3A_565 : vector<16xi32> to vector<32xbf16>
        %get3A_567 = arith.index_cast %rem3A_273 : i32 to index
        %get3A_568 = arith.index_cast %add3A_526 : i32 to index
        %get3A_569 = arith.constant 48 : index
        %get3A_570 = tpu.vector_load %arg11[%get3A_567, %get3A_568, %get3A_569] {strides = array<i32>} : memref<5x80x64xi32, #tpu.memory_space<vmem>>, vector<16xi32>,
        %bitcast3A_571 = vector.bitcast %get3A_570 : vector<16xi32> to vector<32xbf16>
        %mul3A_572 = arith.mulf %bitcast3A_566, %bitcast3A_571 : vector<32xbf16>
        %add3A_573 = arith.addf %add3A_561, %mul3A_572 : vector<32xbf16>
        %mul3A_574 = arith.constant 16 : i32
        %mul3A_575 = arith.muli %scan3A_320, %mul3A_574 : i32
        %add3A_576 = arith.constant 5 : i32
        %add3A_577 = arith.addi %mul3A_575, %add3A_576 : i32
        %get3A_578 = arith.index_cast %rem3A_273 : i32 to index
        %get3A_579 = arith.index_cast %add3A_577 : i32 to index
        %get3A_580 = arith.constant 0 : index
        %get3A_581 = tpu.vector_load %arg10[%get3A_578, %get3A_579, %get3A_580] {strides = array<i32>} : memref<5x80x64xi32, #tpu.memory_space<vmem>>, vector<16xi32>,
        %bitcast3A_582 = vector.bitcast %get3A_581 : vector<16xi32> to vector<32xbf16>
        %get3A_583 = arith.index_cast %rem3A_273 : i32 to index
        %get3A_584 = arith.index_cast %add3A_577 : i32 to index
        %get3A_585 = arith.constant 0 : index
        %get3A_586 = tpu.vector_load %arg11[%get3A_583, %get3A_584, %get3A_585] {strides = array<i32>} : memref<5x80x64xi32, #tpu.memory_space<vmem>>, vector<16xi32>,
        %bitcast3A_587 = vector.bitcast %get3A_586 : vector<16xi32> to vector<32xbf16>
        %mul3A_588 = arith.mulf %bitcast3A_582, %bitcast3A_587 : vector<32xbf16>
        %get3A_589 = arith.index_cast %rem3A_273 : i32 to index
        %get3A_590 = arith.index_cast %add3A_577 : i32 to index
        %get3A_591 = arith.constant 16 : index
        %get3A_592 = tpu.vector_load %arg10[%get3A_589, %get3A_590, %get3A_591] {strides = array<i32>} : memref<5x80x64xi32, #tpu.memory_space<vmem>>, vector<16xi32>,
        %bitcast3A_593 = vector.bitcast %get3A_592 : vector<16xi32> to vector<32xbf16>
        %get3A_594 = arith.index_cast %rem3A_273 : i32 to index
        %get3A_595 = arith.index_cast %add3A_577 : i32 to index
        %get3A_596 = arith.constant 16 : index
        %get3A_597 = tpu.vector_load %arg11[%get3A_594, %get3A_595, %get3A_596] {strides = array<i32>} : memref<5x80x64xi32, #tpu.memory_space<vmem>>, vector<16xi32>,
        %bitcast3A_598 = vector.bitcast %get3A_597 : vector<16xi32> to vector<32xbf16>
        %mul3A_599 = arith.mulf %bitcast3A_593, %bitcast3A_598 : vector<32xbf16>
        %add3A_600 = arith.addf %mul3A_588, %mul3A_599 : vector<32xbf16>
        %get3A_601 = arith.index_cast %rem3A_273 : i32 to index
        %get3A_602 = arith.index_cast %add3A_577 : i32 to index
        %get3A_603 = arith.constant 32 : index
        %get3A_604 = tpu.vector_load %arg10[%get3A_601, %get3A_602, %get3A_603] {strides = array<i32>} : memref<5x80x64xi32, #tpu.memory_space<vmem>>, vector<16xi32>,
        %bitcast3A_605 = vector.bitcast %get3A_604 : vector<16xi32> to vector<32xbf16>
        %get3A_606 = arith.index_cast %rem3A_273 : i32 to index
        %get3A_607 = arith.index_cast %add3A_577 : i32 to index
        %get3A_608 = arith.constant 32 : index
        %get3A_609 = tpu.vector_load %arg11[%get3A_606, %get3A_607, %get3A_608] {strides = array<i32>} : memref<5x80x64xi32, #tpu.memory_space<vmem>>, vector<16xi32>,
        %bitcast3A_610 = vector.bitcast %get3A_609 : vector<16xi32> to vector<32xbf16>
        %mul3A_611 = arith.mulf %bitcast3A_605, %bitcast3A_610 : vector<32xbf16>
        %add3A_612 = arith.addf %add3A_600, %mul3A_611 : vector<32xbf16>
        %get3A_613 = arith.index_cast %rem3A_273 : i32 to index
        %get3A_614 = arith.index_cast %add3A_577 : i32 to index
        %get3A_615 = arith.constant 48 : index
        %get3A_616 = tpu.vector_load %arg10[%get3A_613, %get3A_614, %get3A_615] {strides = array<i32>} : memref<5x80x64xi32, #tpu.memory_space<vmem>>, vector<16xi32>,
        %bitcast3A_617 = vector.bitcast %get3A_616 : vector<16xi32> to vector<32xbf16>
        %get3A_618 = arith.index_cast %rem3A_273 : i32 to index
        %get3A_619 = arith.index_cast %add3A_577 : i32 to index
        %get3A_620 = arith.constant 48 : index
        %get3A_621 = tpu.vector_load %arg11[%get3A_618, %get3A_619, %get3A_620] {strides = array<i32>} : memref<5x80x64xi32, #tpu.memory_space<vmem>>, vector<16xi32>,
        %bitcast3A_622 = vector.bitcast %get3A_621 : vector<16xi32> to vector<32xbf16>
        %mul3A_623 = arith.mulf %bitcast3A_617, %bitcast3A_622 : vector<32xbf16>
        %add3A_624 = arith.addf %add3A_612, %mul3A_623 : vector<32xbf16>
        %mul3A_625 = arith.constant 16 : i32
        %mul3A_626 = arith.muli %scan3A_320, %mul3A_625 : i32
        %add3A_627 = arith.constant 6 : i32
        %add3A_628 = arith.addi %mul3A_626, %add3A_627 : i32
        %get3A_629 = arith.index_cast %rem3A_273 : i32 to index
        %get3A_630 = arith.index_cast %add3A_628 : i32 to index
        %get3A_631 = arith.constant 0 : index
        %get3A_632 = tpu.vector_load %arg10[%get3A_629, %get3A_630, %get3A_631] {strides = array<i32>} : memref<5x80x64xi32, #tpu.memory_space<vmem>>, vector<16xi32>,
        %bitcast3A_633 = vector.bitcast %get3A_632 : vector<16xi32> to vector<32xbf16>
        %get3A_634 = arith.index_cast %rem3A_273 : i32 to index
        %get3A_635 = arith.index_cast %add3A_628 : i32 to index
        %get3A_636 = arith.constant 0 : index
        %get3A_637 = tpu.vector_load %arg11[%get3A_634, %get3A_635, %get3A_636] {strides = array<i32>} : memref<5x80x64xi32, #tpu.memory_space<vmem>>, vector<16xi32>,
        %bitcast3A_638 = vector.bitcast %get3A_637 : vector<16xi32> to vector<32xbf16>
        %mul3A_639 = arith.mulf %bitcast3A_633, %bitcast3A_638 : vector<32xbf16>
        %get3A_640 = arith.index_cast %rem3A_273 : i32 to index
        %get3A_641 = arith.index_cast %add3A_628 : i32 to index
        %get3A_642 = arith.constant 16 : index
        %get3A_643 = tpu.vector_load %arg10[%get3A_640, %get3A_641, %get3A_642] {strides = array<i32>} : memref<5x80x64xi32, #tpu.memory_space<vmem>>, vector<16xi32>,
        %bitcast3A_644 = vector.bitcast %get3A_643 : vector<16xi32> to vector<32xbf16>
        %get3A_645 = arith.index_cast %rem3A_273 : i32 to index
        %get3A_646 = arith.index_cast %add3A_628 : i32 to index
        %get3A_647 = arith.constant 16 : index
        %get3A_648 = tpu.vector_load %arg11[%get3A_645, %get3A_646, %get3A_647] {strides = array<i32>} : memref<5x80x64xi32, #tpu.memory_space<vmem>>, vector<16xi32>,
        %bitcast3A_649 = vector.bitcast %get3A_648 : vector<16xi32> to vector<32xbf16>
        %mul3A_650 = arith.mulf %bitcast3A_644, %bitcast3A_649 : vector<32xbf16>
        %add3A_651 = arith.addf %mul3A_639, %mul3A_650 : vector<32xbf16>
        %get3A_652 = arith.index_cast %rem3A_273 : i32 to index
        %get3A_653 = arith.index_cast %add3A_628 : i32 to index
        %get3A_654 = arith.constant 32 : index
        %get3A_655 = tpu.vector_load %arg10[%get3A_652, %get3A_653, %get3A_654] {strides = array<i32>} : memref<5x80x64xi32, #tpu.memory_space<vmem>>, vector<16xi32>,
        %bitcast3A_656 = vector.bitcast %get3A_655 : vector<16xi32> to vector<32xbf16>
        %get3A_657 = arith.index_cast %rem3A_273 : i32 to index
        %get3A_658 = arith.index_cast %add3A_628 : i32 to index
        %get3A_659 = arith.constant 32 : index
        %get3A_660 = tpu.vector_load %arg11[%get3A_657, %get3A_658, %get3A_659] {strides = array<i32>} : memref<5x80x64xi32, #tpu.memory_space<vmem>>, vector<16xi32>,
        %bitcast3A_661 = vector.bitcast %get3A_660 : vector<16xi32> to vector<32xbf16>
        %mul3A_662 = arith.mulf %bitcast3A_656, %bitcast3A_661 : vector<32xbf16>
        %add3A_663 = arith.addf %add3A_651, %mul3A_662 : vector<32xbf16>
        %get3A_664 = arith.index_cast %rem3A_273 : i32 to index
        %get3A_665 = arith.index_cast %add3A_628 : i32 to index
        %get3A_666 = arith.constant 48 : index
        %get3A_667 = tpu.vector_load %arg10[%get3A_664, %get3A_665, %get3A_666] {strides = array<i32>} : memref<5x80x64xi32, #tpu.memory_space<vmem>>, vector<16xi32>,
        %bitcast3A_668 = vector.bitcast %get3A_667 : vector<16xi32> to vector<32xbf16>
        %get3A_669 = arith.index_cast %rem3A_273 : i32 to index
        %get3A_670 = arith.index_cast %add3A_628 : i32 to index
        %get3A_671 = arith.constant 48 : index
        %get3A_672 = tpu.vector_load %arg11[%get3A_669, %get3A_670, %get3A_671] {strides = array<i32>} : memref<5x80x64xi32, #tpu.memory_space<vmem>>, vector<16xi32>,
        %bitcast3A_673 = vector.bitcast %get3A_672 : vector<16xi32> to vector<32xbf16>
        %mul3A_674 = arith.mulf %bitcast3A_668, %bitcast3A_673 : vector<32xbf16>
        %add3A_675 = arith.addf %add3A_663, %mul3A_674 : vector<32xbf16>
        %mul3A_676 = arith.constant 16 : i32
        %mul3A_677 = arith.muli %scan3A_320, %mul3A_676 : i32
        %add3A_678 = arith.constant 7 : i32
        %add3A_679 = arith.addi %mul3A_677, %add3A_678 : i32
        %get3A_680 = arith.index_cast %rem3A_273 : i32 to index
        %get3A_681 = arith.index_cast %add3A_679 : i32 to index
        %get3A_682 = arith.constant 0 : index
        %get3A_683 = tpu.vector_load %arg10[%get3A_680, %get3A_681, %get3A_682] {strides = array<i32>} : memref<5x80x64xi32, #tpu.memory_space<vmem>>, vector<16xi32>,
        %bitcast3A_684 = vector.bitcast %get3A_683 : vector<16xi32> to vector<32xbf16>
        %get3A_685 = arith.index_cast %rem3A_273 : i32 to index
        %get3A_686 = arith.index_cast %add3A_679 : i32 to index
        %get3A_687 = arith.constant 0 : index
        %get3A_688 = tpu.vector_load %arg11[%get3A_685, %get3A_686, %get3A_687] {strides = array<i32>} : memref<5x80x64xi32, #tpu.memory_space<vmem>>, vector<16xi32>,
        %bitcast3A_689 = vector.bitcast %get3A_688 : vector<16xi32> to vector<32xbf16>
        %mul3A_690 = arith.mulf %bitcast3A_684, %bitcast3A_689 : vector<32xbf16>
        %get3A_691 = arith.index_cast %rem3A_273 : i32 to index
        %get3A_692 = arith.index_cast %add3A_679 : i32 to index
        %get3A_693 = arith.constant 16 : index
        %get3A_694 = tpu.vector_load %arg10[%get3A_691, %get3A_692, %get3A_693] {strides = array<i32>} : memref<5x80x64xi32, #tpu.memory_space<vmem>>, vector<16xi32>,
        %bitcast3A_695 = vector.bitcast %get3A_694 : vector<16xi32> to vector<32xbf16>
        %get3A_696 = arith.index_cast %rem3A_273 : i32 to index
        %get3A_697 = arith.index_cast %add3A_679 : i32 to index
        %get3A_698 = arith.constant 16 : index
        %get3A_699 = tpu.vector_load %arg11[%get3A_696, %get3A_697, %get3A_698] {strides = array<i32>} : memref<5x80x64xi32, #tpu.memory_space<vmem>>, vector<16xi32>,
        %bitcast3A_700 = vector.bitcast %get3A_699 : vector<16xi32> to vector<32xbf16>
        %mul3A_701 = arith.mulf %bitcast3A_695, %bitcast3A_700 : vector<32xbf16>
        %add3A_702 = arith.addf %mul3A_690, %mul3A_701 : vector<32xbf16>
        %get3A_703 = arith.index_cast %rem3A_273 : i32 to index
        %get3A_704 = arith.index_cast %add3A_679 : i32 to index
        %get3A_705 = arith.constant 32 : index
        %get3A_706 = tpu.vector_load %arg10[%get3A_703, %get3A_704, %get3A_705] {strides = array<i32>} : memref<5x80x64xi32, #tpu.memory_space<vmem>>, vector<16xi32>,
        %bitcast3A_707 = vector.bitcast %get3A_706 : vector<16xi32> to vector<32xbf16>
        %get3A_708 = arith.index_cast %rem3A_273 : i32 to index
        %get3A_709 = arith.index_cast %add3A_679 : i32 to index
        %get3A_710 = arith.constant 32 : index
        %get3A_711 = tpu.vector_load %arg11[%get3A_708, %get3A_709, %get3A_710] {strides = array<i32>} : memref<5x80x64xi32, #tpu.memory_space<vmem>>, vector<16xi32>,
        %bitcast3A_712 = vector.bitcast %get3A_711 : vector<16xi32> to vector<32xbf16>
        %mul3A_713 = arith.mulf %bitcast3A_707, %bitcast3A_712 : vector<32xbf16>
        %add3A_714 = arith.addf %add3A_702, %mul3A_713 : vector<32xbf16>
        %get3A_715 = arith.index_cast %rem3A_273 : i32 to index
        %get3A_716 = arith.index_cast %add3A_679 : i32 to index
        %get3A_717 = arith.constant 48 : index
        %get3A_718 = tpu.vector_load %arg10[%get3A_715, %get3A_716, %get3A_717] {strides = array<i32>} : memref<5x80x64xi32, #tpu.memory_space<vmem>>, vector<16xi32>,
        %bitcast3A_719 = vector.bitcast %get3A_718 : vector<16xi32> to vector<32xbf16>
        %get3A_720 = arith.index_cast %rem3A_273 : i32 to index
        %get3A_721 = arith.index_cast %add3A_679 : i32 to index
        %get3A_722 = arith.constant 48 : index
        %get3A_723 = tpu.vector_load %arg11[%get3A_720, %get3A_721, %get3A_722] {strides = array<i32>} : memref<5x80x64xi32, #tpu.memory_space<vmem>>, vector<16xi32>,
        %bitcast3A_724 = vector.bitcast %get3A_723 : vector<16xi32> to vector<32xbf16>
        %mul3A_725 = arith.mulf %bitcast3A_719, %bitcast3A_724 : vector<32xbf16>
        %add3A_726 = arith.addf %add3A_714, %mul3A_725 : vector<32xbf16>
        %mul3A_727 = arith.constant 16 : i32
        %mul3A_728 = arith.muli %scan3A_320, %mul3A_727 : i32
        %add3A_729 = arith.constant 8 : i32
        %add3A_730 = arith.addi %mul3A_728, %add3A_729 : i32
        %get3A_731 = arith.index_cast %rem3A_273 : i32 to index
        %get3A_732 = arith.index_cast %add3A_730 : i32 to index
        %get3A_733 = arith.constant 0 : index
        %get3A_734 = tpu.vector_load %arg10[%get3A_731, %get3A_732, %get3A_733] {strides = array<i32>} : memref<5x80x64xi32, #tpu.memory_space<vmem>>, vector<16xi32>,
        %bitcast3A_735 = vector.bitcast %get3A_734 : vector<16xi32> to vector<32xbf16>
        %get3A_736 = arith.index_cast %rem3A_273 : i32 to index
        %get3A_737 = arith.index_cast %add3A_730 : i32 to index
        %get3A_738 = arith.constant 0 : index
        %get3A_739 = tpu.vector_load %arg11[%get3A_736, %get3A_737, %get3A_738] {strides = array<i32>} : memref<5x80x64xi32, #tpu.memory_space<vmem>>, vector<16xi32>,
        %bitcast3A_740 = vector.bitcast %get3A_739 : vector<16xi32> to vector<32xbf16>
        %mul3A_741 = arith.mulf %bitcast3A_735, %bitcast3A_740 : vector<32xbf16>
        %get3A_742 = arith.index_cast %rem3A_273 : i32 to index
        %get3A_743 = arith.index_cast %add3A_730 : i32 to index
        %get3A_744 = arith.constant 16 : index
        %get3A_745 = tpu.vector_load %arg10[%get3A_742, %get3A_743, %get3A_744] {strides = array<i32>} : memref<5x80x64xi32, #tpu.memory_space<vmem>>, vector<16xi32>,
        %bitcast3A_746 = vector.bitcast %get3A_745 : vector<16xi32> to vector<32xbf16>
        %get3A_747 = arith.index_cast %rem3A_273 : i32 to index
        %get3A_748 = arith.index_cast %add3A_730 : i32 to index
        %get3A_749 = arith.constant 16 : index
        %get3A_750 = tpu.vector_load %arg11[%get3A_747, %get3A_748, %get3A_749] {strides = array<i32>} : memref<5x80x64xi32, #tpu.memory_space<vmem>>, vector<16xi32>,
        %bitcast3A_751 = vector.bitcast %get3A_750 : vector<16xi32> to vector<32xbf16>
        %mul3A_752 = arith.mulf %bitcast3A_746, %bitcast3A_751 : vector<32xbf16>
        %add3A_753 = arith.addf %mul3A_741, %mul3A_752 : vector<32xbf16>
        %get3A_754 = arith.index_cast %rem3A_273 : i32 to index
        %get3A_755 = arith.index_cast %add3A_730 : i32 to index
        %get3A_756 = arith.constant 32 : index
        %get3A_757 = tpu.vector_load %arg10[%get3A_754, %get3A_755, %get3A_756] {strides = array<i32>} : memref<5x80x64xi32, #tpu.memory_space<vmem>>, vector<16xi32>,
        %bitcast3A_758 = vector.bitcast %get3A_757 : vector<16xi32> to vector<32xbf16>
        %get3A_759 = arith.index_cast %rem3A_273 : i32 to index
        %get3A_760 = arith.index_cast %add3A_730 : i32 to index
        %get3A_761 = arith.constant 32 : index
        %get3A_762 = tpu.vector_load %arg11[%get3A_759, %get3A_760, %get3A_761] {strides = array<i32>} : memref<5x80x64xi32, #tpu.memory_space<vmem>>, vector<16xi32>,
        %bitcast3A_763 = vector.bitcast %get3A_762 : vector<16xi32> to vector<32xbf16>
        %mul3A_764 = arith.mulf %bitcast3A_758, %bitcast3A_763 : vector<32xbf16>
        %add3A_765 = arith.addf %add3A_753, %mul3A_764 : vector<32xbf16>
        %get3A_766 = arith.index_cast %rem3A_273 : i32 to index
        %get3A_767 = arith.index_cast %add3A_730 : i32 to index
        %get3A_768 = arith.constant 48 : index
        %get3A_769 = tpu.vector_load %arg10[%get3A_766, %get3A_767, %get3A_768] {strides = array<i32>} : memref<5x80x64xi32, #tpu.memory_space<vmem>>, vector<16xi32>,
        %bitcast3A_770 = vector.bitcast %get3A_769 : vector<16xi32> to vector<32xbf16>
        %get3A_771 = arith.index_cast %rem3A_273 : i32 to index
        %get3A_772 = arith.index_cast %add3A_730 : i32 to index
        %get3A_773 = arith.constant 48 : index
        %get3A_774 = tpu.vector_load %arg11[%get3A_771, %get3A_772, %get3A_773] {strides = array<i32>} : memref<5x80x64xi32, #tpu.memory_space<vmem>>, vector<16xi32>,
        %bitcast3A_775 = vector.bitcast %get3A_774 : vector<16xi32> to vector<32xbf16>
        %mul3A_776 = arith.mulf %bitcast3A_770, %bitcast3A_775 : vector<32xbf16>
        %add3A_777 = arith.addf %add3A_765, %mul3A_776 : vector<32xbf16>
        %mul3A_778 = arith.constant 16 : i32
        %mul3A_779 = arith.muli %scan3A_320, %mul3A_778 : i32
        %add3A_780 = arith.constant 9 : i32
        %add3A_781 = arith.addi %mul3A_779, %add3A_780 : i32
        %get3A_782 = arith.index_cast %rem3A_273 : i32 to index
        %get3A_783 = arith.index_cast %add3A_781 : i32 to index
        %get3A_784 = arith.constant 0 : index
        %get3A_785 = tpu.vector_load %arg10[%get3A_782, %get3A_783, %get3A_784] {strides = array<i32>} : memref<5x80x64xi32, #tpu.memory_space<vmem>>, vector<16xi32>,
        %bitcast3A_786 = vector.bitcast %get3A_785 : vector<16xi32> to vector<32xbf16>
        %get3A_787 = arith.index_cast %rem3A_273 : i32 to index
        %get3A_788 = arith.index_cast %add3A_781 : i32 to index
        %get3A_789 = arith.constant 0 : index
        %get3A_790 = tpu.vector_load %arg11[%get3A_787, %get3A_788, %get3A_789] {strides = array<i32>} : memref<5x80x64xi32, #tpu.memory_space<vmem>>, vector<16xi32>,
        %bitcast3A_791 = vector.bitcast %get3A_790 : vector<16xi32> to vector<32xbf16>
        %mul3A_792 = arith.mulf %bitcast3A_786, %bitcast3A_791 : vector<32xbf16>
        %get3A_793 = arith.index_cast %rem3A_273 : i32 to index
        %get3A_794 = arith.index_cast %add3A_781 : i32 to index
        %get3A_795 = arith.constant 16 : index
        %get3A_796 = tpu.vector_load %arg10[%get3A_793, %get3A_794, %get3A_795] {strides = array<i32>} : memref<5x80x64xi32, #tpu.memory_space<vmem>>, vector<16xi32>,
        %bitcast3A_797 = vector.bitcast %get3A_796 : vector<16xi32> to vector<32xbf16>
        %get3A_798 = arith.index_cast %rem3A_273 : i32 to index
        %get3A_799 = arith.index_cast %add3A_781 : i32 to index
        %get3A_800 = arith.constant 16 : index
        %get3A_801 = tpu.vector_load %arg11[%get3A_798, %get3A_799, %get3A_800] {strides = array<i32>} : memref<5x80x64xi32, #tpu.memory_space<vmem>>, vector<16xi32>,
        %bitcast3A_802 = vector.bitcast %get3A_801 : vector<16xi32> to vector<32xbf16>
        %mul3A_803 = arith.mulf %bitcast3A_797, %bitcast3A_802 : vector<32xbf16>
        %add3A_804 = arith.addf %mul3A_792, %mul3A_803 : vector<32xbf16>
        %get3A_805 = arith.index_cast %rem3A_273 : i32 to index
        %get3A_806 = arith.index_cast %add3A_781 : i32 to index
        %get3A_807 = arith.constant 32 : index
        %get3A_808 = tpu.vector_load %arg10[%get3A_805, %get3A_806, %get3A_807] {strides = array<i32>} : memref<5x80x64xi32, #tpu.memory_space<vmem>>, vector<16xi32>,
        %bitcast3A_809 = vector.bitcast %get3A_808 : vector<16xi32> to vector<32xbf16>
        %get3A_810 = arith.index_cast %rem3A_273 : i32 to index
        %get3A_811 = arith.index_cast %add3A_781 : i32 to index
        %get3A_812 = arith.constant 32 : index
        %get3A_813 = tpu.vector_load %arg11[%get3A_810, %get3A_811, %get3A_812] {strides = array<i32>} : memref<5x80x64xi32, #tpu.memory_space<vmem>>, vector<16xi32>,
        %bitcast3A_814 = vector.bitcast %get3A_813 : vector<16xi32> to vector<32xbf16>
        %mul3A_815 = arith.mulf %bitcast3A_809, %bitcast3A_814 : vector<32xbf16>
        %add3A_816 = arith.addf %add3A_804, %mul3A_815 : vector<32xbf16>
        %get3A_817 = arith.index_cast %rem3A_273 : i32 to index
        %get3A_818 = arith.index_cast %add3A_781 : i32 to index
        %get3A_819 = arith.constant 48 : index
        %get3A_820 = tpu.vector_load %arg10[%get3A_817, %get3A_818, %get3A_819] {strides = array<i32>} : memref<5x80x64xi32, #tpu.memory_space<vmem>>, vector<16xi32>,
        %bitcast3A_821 = vector.bitcast %get3A_820 : vector<16xi32> to vector<32xbf16>
        %get3A_822 = arith.index_cast %rem3A_273 : i32 to index
        %get3A_823 = arith.index_cast %add3A_781 : i32 to index
        %get3A_824 = arith.constant 48 : index
        %get3A_825 = tpu.vector_load %arg11[%get3A_822, %get3A_823, %get3A_824] {strides = array<i32>} : memref<5x80x64xi32, #tpu.memory_space<vmem>>, vector<16xi32>,
        %bitcast3A_826 = vector.bitcast %get3A_825 : vector<16xi32> to vector<32xbf16>
        %mul3A_827 = arith.mulf %bitcast3A_821, %bitcast3A_826 : vector<32xbf16>
        %add3A_828 = arith.addf %add3A_816, %mul3A_827 : vector<32xbf16>
        %mul3A_829 = arith.constant 16 : i32
        %mul3A_830 = arith.muli %scan3A_320, %mul3A_829 : i32
        %add3A_831 = arith.constant 10 : i32
        %add3A_832 = arith.addi %mul3A_830, %add3A_831 : i32
        %get3A_833 = arith.index_cast %rem3A_273 : i32 to index
        %get3A_834 = arith.index_cast %add3A_832 : i32 to index
        %get3A_835 = arith.constant 0 : index
        %get3A_836 = tpu.vector_load %arg10[%get3A_833, %get3A_834, %get3A_835] {strides = array<i32>} : memref<5x80x64xi32, #tpu.memory_space<vmem>>, vector<16xi32>,
        %bitcast3A_837 = vector.bitcast %get3A_836 : vector<16xi32> to vector<32xbf16>
        %get3A_838 = arith.index_cast %rem3A_273 : i32 to index
        %get3A_839 = arith.index_cast %add3A_832 : i32 to index
        %get3A_840 = arith.constant 0 : index
        %get3A_841 = tpu.vector_load %arg11[%get3A_838, %get3A_839, %get3A_840] {strides = array<i32>} : memref<5x80x64xi32, #tpu.memory_space<vmem>>, vector<16xi32>,
        %bitcast3A_842 = vector.bitcast %get3A_841 : vector<16xi32> to vector<32xbf16>
        %mul3A_843 = arith.mulf %bitcast3A_837, %bitcast3A_842 : vector<32xbf16>
        %get3A_844 = arith.index_cast %rem3A_273 : i32 to index
        %get3A_845 = arith.index_cast %add3A_832 : i32 to index
        %get3A_846 = arith.constant 16 : index
        %get3A_847 = tpu.vector_load %arg10[%get3A_844, %get3A_845, %get3A_846] {strides = array<i32>} : memref<5x80x64xi32, #tpu.memory_space<vmem>>, vector<16xi32>,
        %bitcast3A_848 = vector.bitcast %get3A_847 : vector<16xi32> to vector<32xbf16>
        %get3A_849 = arith.index_cast %rem3A_273 : i32 to index
        %get3A_850 = arith.index_cast %add3A_832 : i32 to index
        %get3A_851 = arith.constant 16 : index
        %get3A_852 = tpu.vector_load %arg11[%get3A_849, %get3A_850, %get3A_851] {strides = array<i32>} : memref<5x80x64xi32, #tpu.memory_space<vmem>>, vector<16xi32>,
        %bitcast3A_853 = vector.bitcast %get3A_852 : vector<16xi32> to vector<32xbf16>
        %mul3A_854 = arith.mulf %bitcast3A_848, %bitcast3A_853 : vector<32xbf16>
        %add3A_855 = arith.addf %mul3A_843, %mul3A_854 : vector<32xbf16>
        %get3A_856 = arith.index_cast %rem3A_273 : i32 to index
        %get3A_857 = arith.index_cast %add3A_832 : i32 to index
        %get3A_858 = arith.constant 32 : index
        %get3A_859 = tpu.vector_load %arg10[%get3A_856, %get3A_857, %get3A_858] {strides = array<i32>} : memref<5x80x64xi32, #tpu.memory_space<vmem>>, vector<16xi32>,
        %bitcast3A_860 = vector.bitcast %get3A_859 : vector<16xi32> to vector<32xbf16>
        %get3A_861 = arith.index_cast %rem3A_273 : i32 to index
        %get3A_862 = arith.index_cast %add3A_832 : i32 to index
        %get3A_863 = arith.constant 32 : index
        %get3A_864 = tpu.vector_load %arg11[%get3A_861, %get3A_862, %get3A_863] {strides = array<i32>} : memref<5x80x64xi32, #tpu.memory_space<vmem>>, vector<16xi32>,
        %bitcast3A_865 = vector.bitcast %get3A_864 : vector<16xi32> to vector<32xbf16>
        %mul3A_866 = arith.mulf %bitcast3A_860, %bitcast3A_865 : vector<32xbf16>
        %add3A_867 = arith.addf %add3A_855, %mul3A_866 : vector<32xbf16>
        %get3A_868 = arith.index_cast %rem3A_273 : i32 to index
        %get3A_869 = arith.index_cast %add3A_832 : i32 to index
        %get3A_870 = arith.constant 48 : index
        %get3A_871 = tpu.vector_load %arg10[%get3A_868, %get3A_869, %get3A_870] {strides = array<i32>} : memref<5x80x64xi32, #tpu.memory_space<vmem>>, vector<16xi32>,
        %bitcast3A_872 = vector.bitcast %get3A_871 : vector<16xi32> to vector<32xbf16>
        %get3A_873 = arith.index_cast %rem3A_273 : i32 to index
        %get3A_874 = arith.index_cast %add3A_832 : i32 to index
        %get3A_875 = arith.constant 48 : index
        %get3A_876 = tpu.vector_load %arg11[%get3A_873, %get3A_874, %get3A_875] {strides = array<i32>} : memref<5x80x64xi32, #tpu.memory_space<vmem>>, vector<16xi32>,
        %bitcast3A_877 = vector.bitcast %get3A_876 : vector<16xi32> to vector<32xbf16>
        %mul3A_878 = arith.mulf %bitcast3A_872, %bitcast3A_877 : vector<32xbf16>
        %add3A_879 = arith.addf %add3A_867, %mul3A_878 : vector<32xbf16>
        %mul3A_880 = arith.constant 16 : i32
        %mul3A_881 = arith.muli %scan3A_320, %mul3A_880 : i32
        %add3A_882 = arith.constant 11 : i32
        %add3A_883 = arith.addi %mul3A_881, %add3A_882 : i32
        %get3A_884 = arith.index_cast %rem3A_273 : i32 to index
        %get3A_885 = arith.index_cast %add3A_883 : i32 to index
        %get3A_886 = arith.constant 0 : index
        %get3A_887 = tpu.vector_load %arg10[%get3A_884, %get3A_885, %get3A_886] {strides = array<i32>} : memref<5x80x64xi32, #tpu.memory_space<vmem>>, vector<16xi32>,
        %bitcast3A_888 = vector.bitcast %get3A_887 : vector<16xi32> to vector<32xbf16>
        %get3A_889 = arith.index_cast %rem3A_273 : i32 to index
        %get3A_890 = arith.index_cast %add3A_883 : i32 to index
        %get3A_891 = arith.constant 0 : index
        %get3A_892 = tpu.vector_load %arg11[%get3A_889, %get3A_890, %get3A_891] {strides = array<i32>} : memref<5x80x64xi32, #tpu.memory_space<vmem>>, vector<16xi32>,
        %bitcast3A_893 = vector.bitcast %get3A_892 : vector<16xi32> to vector<32xbf16>
        %mul3A_894 = arith.mulf %bitcast3A_888, %bitcast3A_893 : vector<32xbf16>
        %get3A_895 = arith.index_cast %rem3A_273 : i32 to index
        %get3A_896 = arith.index_cast %add3A_883 : i32 to index
        %get3A_897 = arith.constant 16 : index
        %get3A_898 = tpu.vector_load %arg10[%get3A_895, %get3A_896, %get3A_897] {strides = array<i32>} : memref<5x80x64xi32, #tpu.memory_space<vmem>>, vector<16xi32>,
        %bitcast3A_899 = vector.bitcast %get3A_898 : vector<16xi32> to vector<32xbf16>
        %get3A_900 = arith.index_cast %rem3A_273 : i32 to index
        %get3A_901 = arith.index_cast %add3A_883 : i32 to index
        %get3A_902 = arith.constant 16 : index
        %get3A_903 = tpu.vector_load %arg11[%get3A_900, %get3A_901, %get3A_902] {strides = array<i32>} : memref<5x80x64xi32, #tpu.memory_space<vmem>>, vector<16xi32>,
        %bitcast3A_904 = vector.bitcast %get3A_903 : vector<16xi32> to vector<32xbf16>
        %mul3A_905 = arith.mulf %bitcast3A_899, %bitcast3A_904 : vector<32xbf16>
        %add3A_906 = arith.addf %mul3A_894, %mul3A_905 : vector<32xbf16>
        %get3A_907 = arith.index_cast %rem3A_273 : i32 to index
        %get3A_908 = arith.index_cast %add3A_883 : i32 to index
        %get3A_909 = arith.constant 32 : index
        %get3A_910 = tpu.vector_load %arg10[%get3A_907, %get3A_908, %get3A_909] {strides = array<i32>} : memref<5x80x64xi32, #tpu.memory_space<vmem>>, vector<16xi32>,
        %bitcast3A_911 = vector.bitcast %get3A_910 : vector<16xi32> to vector<32xbf16>
        %get3A_912 = arith.index_cast %rem3A_273 : i32 to index
        %get3A_913 = arith.index_cast %add3A_883 : i32 to index
        %get3A_914 = arith.constant 32 : index
        %get3A_915 = tpu.vector_load %arg11[%get3A_912, %get3A_913, %get3A_914] {strides = array<i32>} : memref<5x80x64xi32, #tpu.memory_space<vmem>>, vector<16xi32>,
        %bitcast3A_916 = vector.bitcast %get3A_915 : vector<16xi32> to vector<32xbf16>
        %mul3A_917 = arith.mulf %bitcast3A_911, %bitcast3A_916 : vector<32xbf16>
        %add3A_918 = arith.addf %add3A_906, %mul3A_917 : vector<32xbf16>
        %get3A_919 = arith.index_cast %rem3A_273 : i32 to index
        %get3A_920 = arith.index_cast %add3A_883 : i32 to index
        %get3A_921 = arith.constant 48 : index
        %get3A_922 = tpu.vector_load %arg10[%get3A_919, %get3A_920, %get3A_921] {strides = array<i32>} : memref<5x80x64xi32, #tpu.memory_space<vmem>>, vector<16xi32>,
        %bitcast3A_923 = vector.bitcast %get3A_922 : vector<16xi32> to vector<32xbf16>
        %get3A_924 = arith.index_cast %rem3A_273 : i32 to index
        %get3A_925 = arith.index_cast %add3A_883 : i32 to index
        %get3A_926 = arith.constant 48 : index
        %get3A_927 = tpu.vector_load %arg11[%get3A_924, %get3A_925, %get3A_926] {strides = array<i32>} : memref<5x80x64xi32, #tpu.memory_space<vmem>>, vector<16xi32>,
        %bitcast3A_928 = vector.bitcast %get3A_927 : vector<16xi32> to vector<32xbf16>
        %mul3A_929 = arith.mulf %bitcast3A_923, %bitcast3A_928 : vector<32xbf16>
        %add3A_930 = arith.addf %add3A_918, %mul3A_929 : vector<32xbf16>
        %mul3A_931 = arith.constant 16 : i32
        %mul3A_932 = arith.muli %scan3A_320, %mul3A_931 : i32
        %add3A_933 = arith.constant 12 : i32
        %add3A_934 = arith.addi %mul3A_932, %add3A_933 : i32
        %get3A_935 = arith.index_cast %rem3A_273 : i32 to index
        %get3A_936 = arith.index_cast %add3A_934 : i32 to index
        %get3A_937 = arith.constant 0 : index
        %get3A_938 = tpu.vector_load %arg10[%get3A_935, %get3A_936, %get3A_937] {strides = array<i32>} : memref<5x80x64xi32, #tpu.memory_space<vmem>>, vector<16xi32>,
        %bitcast3A_939 = vector.bitcast %get3A_938 : vector<16xi32> to vector<32xbf16>
        %get3A_940 = arith.index_cast %rem3A_273 : i32 to index
        %get3A_941 = arith.index_cast %add3A_934 : i32 to index
        %get3A_942 = arith.constant 0 : index
        %get3A_943 = tpu.vector_load %arg11[%get3A_940, %get3A_941, %get3A_942] {strides = array<i32>} : memref<5x80x64xi32, #tpu.memory_space<vmem>>, vector<16xi32>,
        %bitcast3A_944 = vector.bitcast %get3A_943 : vector<16xi32> to vector<32xbf16>
        %mul3A_945 = arith.mulf %bitcast3A_939, %bitcast3A_944 : vector<32xbf16>
        %get3A_946 = arith.index_cast %rem3A_273 : i32 to index
        %get3A_947 = arith.index_cast %add3A_934 : i32 to index
        %get3A_948 = arith.constant 16 : index
        %get3A_949 = tpu.vector_load %arg10[%get3A_946, %get3A_947, %get3A_948] {strides = array<i32>} : memref<5x80x64xi32, #tpu.memory_space<vmem>>, vector<16xi32>,
        %bitcast3A_950 = vector.bitcast %get3A_949 : vector<16xi32> to vector<32xbf16>
        %get3A_951 = arith.index_cast %rem3A_273 : i32 to index
        %get3A_952 = arith.index_cast %add3A_934 : i32 to index
        %get3A_953 = arith.constant 16 : index
        %get3A_954 = tpu.vector_load %arg11[%get3A_951, %get3A_952, %get3A_953] {strides = array<i32>} : memref<5x80x64xi32, #tpu.memory_space<vmem>>, vector<16xi32>,
        %bitcast3A_955 = vector.bitcast %get3A_954 : vector<16xi32> to vector<32xbf16>
        %mul3A_956 = arith.mulf %bitcast3A_950, %bitcast3A_955 : vector<32xbf16>
        %add3A_957 = arith.addf %mul3A_945, %mul3A_956 : vector<32xbf16>
        %get3A_958 = arith.index_cast %rem3A_273 : i32 to index
        %get3A_959 = arith.index_cast %add3A_934 : i32 to index
        %get3A_960 = arith.constant 32 : index
        %get3A_961 = tpu.vector_load %arg10[%get3A_958, %get3A_959, %get3A_960] {strides = array<i32>} : memref<5x80x64xi32, #tpu.memory_space<vmem>>, vector<16xi32>,
        %bitcast3A_962 = vector.bitcast %get3A_961 : vector<16xi32> to vector<32xbf16>
        %get3A_963 = arith.index_cast %rem3A_273 : i32 to index
        %get3A_964 = arith.index_cast %add3A_934 : i32 to index
        %get3A_965 = arith.constant 32 : index
        %get3A_966 = tpu.vector_load %arg11[%get3A_963, %get3A_964, %get3A_965] {strides = array<i32>} : memref<5x80x64xi32, #tpu.memory_space<vmem>>, vector<16xi32>,
        %bitcast3A_967 = vector.bitcast %get3A_966 : vector<16xi32> to vector<32xbf16>
        %mul3A_968 = arith.mulf %bitcast3A_962, %bitcast3A_967 : vector<32xbf16>
        %add3A_969 = arith.addf %add3A_957, %mul3A_968 : vector<32xbf16>
        %get3A_970 = arith.index_cast %rem3A_273 : i32 to index
        %get3A_971 = arith.index_cast %add3A_934 : i32 to index
        %get3A_972 = arith.constant 48 : index
        %get3A_973 = tpu.vector_load %arg10[%get3A_970, %get3A_971, %get3A_972] {strides = array<i32>} : memref<5x80x64xi32, #tpu.memory_space<vmem>>, vector<16xi32>,
        %bitcast3A_974 = vector.bitcast %get3A_973 : vector<16xi32> to vector<32xbf16>
        %get3A_975 = arith.index_cast %rem3A_273 : i32 to index
        %get3A_976 = arith.index_cast %add3A_934 : i32 to index
        %get3A_977 = arith.constant 48 : index
        %get3A_978 = tpu.vector_load %arg11[%get3A_975, %get3A_976, %get3A_977] {strides = array<i32>} : memref<5x80x64xi32, #tpu.memory_space<vmem>>, vector<16xi32>,
        %bitcast3A_979 = vector.bitcast %get3A_978 : vector<16xi32> to vector<32xbf16>
        %mul3A_980 = arith.mulf %bitcast3A_974, %bitcast3A_979 : vector<32xbf16>
        %add3A_981 = arith.addf %add3A_969, %mul3A_980 : vector<32xbf16>
        %mul3A_982 = arith.constant 16 : i32
        %mul3A_983 = arith.muli %scan3A_320, %mul3A_982 : i32
        %add3A_984 = arith.constant 13 : i32
        %add3A_985 = arith.addi %mul3A_983, %add3A_984 : i32
        %get3A_986 = arith.index_cast %rem3A_273 : i32 to index
        %get3A_987 = arith.index_cast %add3A_985 : i32 to index
        %get3A_988 = arith.constant 0 : index
        %get3A_989 = tpu.vector_load %arg10[%get3A_986, %get3A_987, %get3A_988] {strides = array<i32>} : memref<5x80x64xi32, #tpu.memory_space<vmem>>, vector<16xi32>,
        %bitcast3A_990 = vector.bitcast %get3A_989 : vector<16xi32> to vector<32xbf16>
        %get3A_991 = arith.index_cast %rem3A_273 : i32 to index
        %get3A_992 = arith.index_cast %add3A_985 : i32 to index
        %get3A_993 = arith.constant 0 : index
        %get3A_994 = tpu.vector_load %arg11[%get3A_991, %get3A_992, %get3A_993] {strides = array<i32>} : memref<5x80x64xi32, #tpu.memory_space<vmem>>, vector<16xi32>,
        %bitcast3A_995 = vector.bitcast %get3A_994 : vector<16xi32> to vector<32xbf16>
        %mul3A_996 = arith.mulf %bitcast3A_990, %bitcast3A_995 : vector<32xbf16>
        %get3A_997 = arith.index_cast %rem3A_273 : i32 to index
        %get3A_998 = arith.index_cast %add3A_985 : i32 to index
        %get3A_999 = arith.constant 16 : index
        %get3A_1000 = tpu.vector_load %arg10[%get3A_997, %get3A_998, %get3A_999] {strides = array<i32>} : memref<5x80x64xi32, #tpu.memory_space<vmem>>, vector<16xi32>,
        %bitcast3A_1001 = vector.bitcast %get3A_1000 : vector<16xi32> to vector<32xbf16>
        %get3A_1002 = arith.index_cast %rem3A_273 : i32 to index
        %get3A_1003 = arith.index_cast %add3A_985 : i32 to index
        %get3A_1004 = arith.constant 16 : index
        %get3A_1005 = tpu.vector_load %arg11[%get3A_1002, %get3A_1003, %get3A_1004] {strides = array<i32>} : memref<5x80x64xi32, #tpu.memory_space<vmem>>, vector<16xi32>,
        %bitcast3A_1006 = vector.bitcast %get3A_1005 : vector<16xi32> to vector<32xbf16>
        %mul3A_1007 = arith.mulf %bitcast3A_1001, %bitcast3A_1006 : vector<32xbf16>
        %add3A_1008 = arith.addf %mul3A_996, %mul3A_1007 : vector<32xbf16>
        %get3A_1009 = arith.index_cast %rem3A_273 : i32 to index
        %get3A_1010 = arith.index_cast %add3A_985 : i32 to index
        %get3A_1011 = arith.constant 32 : index
        %get3A_1012 = tpu.vector_load %arg10[%get3A_1009, %get3A_1010, %get3A_1011] {strides = array<i32>} : memref<5x80x64xi32, #tpu.memory_space<vmem>>, vector<16xi32>,
        %bitcast3A_1013 = vector.bitcast %get3A_1012 : vector<16xi32> to vector<32xbf16>
        %get3A_1014 = arith.index_cast %rem3A_273 : i32 to index
        %get3A_1015 = arith.index_cast %add3A_985 : i32 to index
        %get3A_1016 = arith.constant 32 : index
        %get3A_1017 = tpu.vector_load %arg11[%get3A_1014, %get3A_1015, %get3A_1016] {strides = array<i32>} : memref<5x80x64xi32, #tpu.memory_space<vmem>>, vector<16xi32>,
        %bitcast3A_1018 = vector.bitcast %get3A_1017 : vector<16xi32> to vector<32xbf16>
        %mul3A_1019 = arith.mulf %bitcast3A_1013, %bitcast3A_1018 : vector<32xbf16>
        %add3A_1020 = arith.addf %add3A_1008, %mul3A_1019 : vector<32xbf16>
        %get3A_1021 = arith.index_cast %rem3A_273 : i32 to index
        %get3A_1022 = arith.index_cast %add3A_985 : i32 to index
        %get3A_1023 = arith.constant 48 : index
        %get3A_1024 = tpu.vector_load %arg10[%get3A_1021, %get3A_1022, %get3A_1023] {strides = array<i32>} : memref<5x80x64xi32, #tpu.memory_space<vmem>>, vector<16xi32>,
        %bitcast3A_1025 = vector.bitcast %get3A_1024 : vector<16xi32> to vector<32xbf16>
        %get3A_1026 = arith.index_cast %rem3A_273 : i32 to index
        %get3A_1027 = arith.index_cast %add3A_985 : i32 to index
        %get3A_1028 = arith.constant 48 : index
        %get3A_1029 = tpu.vector_load %arg11[%get3A_1026, %get3A_1027, %get3A_1028] {strides = array<i32>} : memref<5x80x64xi32, #tpu.memory_space<vmem>>, vector<16xi32>,
        %bitcast3A_1030 = vector.bitcast %get3A_1029 : vector<16xi32> to vector<32xbf16>
        %mul3A_1031 = arith.mulf %bitcast3A_1025, %bitcast3A_1030 : vector<32xbf16>
        %add3A_1032 = arith.addf %add3A_1020, %mul3A_1031 : vector<32xbf16>
        %mul3A_1033 = arith.constant 16 : i32
        %mul3A_1034 = arith.muli %scan3A_320, %mul3A_1033 : i32
        %add3A_1035 = arith.constant 14 : i32
        %add3A_1036 = arith.addi %mul3A_1034, %add3A_1035 : i32
        %get3A_1037 = arith.index_cast %rem3A_273 : i32 to index
        %get3A_1038 = arith.index_cast %add3A_1036 : i32 to index
        %get3A_1039 = arith.constant 0 : index
        %get3A_1040 = tpu.vector_load %arg10[%get3A_1037, %get3A_1038, %get3A_1039] {strides = array<i32>} : memref<5x80x64xi32, #tpu.memory_space<vmem>>, vector<16xi32>,
        %bitcast3A_1041 = vector.bitcast %get3A_1040 : vector<16xi32> to vector<32xbf16>
        %get3A_1042 = arith.index_cast %rem3A_273 : i32 to index
        %get3A_1043 = arith.index_cast %add3A_1036 : i32 to index
        %get3A_1044 = arith.constant 0 : index
        %get3A_1045 = tpu.vector_load %arg11[%get3A_1042, %get3A_1043, %get3A_1044] {strides = array<i32>} : memref<5x80x64xi32, #tpu.memory_space<vmem>>, vector<16xi32>,
        %bitcast3A_1046 = vector.bitcast %get3A_1045 : vector<16xi32> to vector<32xbf16>
        %mul3A_1047 = arith.mulf %bitcast3A_1041, %bitcast3A_1046 : vector<32xbf16>
        %get3A_1048 = arith.index_cast %rem3A_273 : i32 to index
        %get3A_1049 = arith.index_cast %add3A_1036 : i32 to index
        %get3A_1050 = arith.constant 16 : index
        %get3A_1051 = tpu.vector_load %arg10[%get3A_1048, %get3A_1049, %get3A_1050] {strides = array<i32>} : memref<5x80x64xi32, #tpu.memory_space<vmem>>, vector<16xi32>,
        %bitcast3A_1052 = vector.bitcast %get3A_1051 : vector<16xi32> to vector<32xbf16>
        %get3A_1053 = arith.index_cast %rem3A_273 : i32 to index
        %get3A_1054 = arith.index_cast %add3A_1036 : i32 to index
        %get3A_1055 = arith.constant 16 : index
        %get3A_1056 = tpu.vector_load %arg11[%get3A_1053, %get3A_1054, %get3A_1055] {strides = array<i32>} : memref<5x80x64xi32, #tpu.memory_space<vmem>>, vector<16xi32>,
        %bitcast3A_1057 = vector.bitcast %get3A_1056 : vector<16xi32> to vector<32xbf16>
        %mul3A_1058 = arith.mulf %bitcast3A_1052, %bitcast3A_1057 : vector<32xbf16>
        %add3A_1059 = arith.addf %mul3A_1047, %mul3A_1058 : vector<32xbf16>
        %get3A_1060 = arith.index_cast %rem3A_273 : i32 to index
        %get3A_1061 = arith.index_cast %add3A_1036 : i32 to index
        %get3A_1062 = arith.constant 32 : index
        %get3A_1063 = tpu.vector_load %arg10[%get3A_1060, %get3A_1061, %get3A_1062] {strides = array<i32>} : memref<5x80x64xi32, #tpu.memory_space<vmem>>, vector<16xi32>,
        %bitcast3A_1064 = vector.bitcast %get3A_1063 : vector<16xi32> to vector<32xbf16>
        %get3A_1065 = arith.index_cast %rem3A_273 : i32 to index
        %get3A_1066 = arith.index_cast %add3A_1036 : i32 to index
        %get3A_1067 = arith.constant 32 : index
        %get3A_1068 = tpu.vector_load %arg11[%get3A_1065, %get3A_1066, %get3A_1067] {strides = array<i32>} : memref<5x80x64xi32, #tpu.memory_space<vmem>>, vector<16xi32>,
        %bitcast3A_1069 = vector.bitcast %get3A_1068 : vector<16xi32> to vector<32xbf16>
        %mul3A_1070 = arith.mulf %bitcast3A_1064, %bitcast3A_1069 : vector<32xbf16>
        %add3A_1071 = arith.addf %add3A_1059, %mul3A_1070 : vector<32xbf16>
        %get3A_1072 = arith.index_cast %rem3A_273 : i32 to index
        %get3A_1073 = arith.index_cast %add3A_1036 : i32 to index
        %get3A_1074 = arith.constant 48 : index
        %get3A_1075 = tpu.vector_load %arg10[%get3A_1072, %get3A_1073, %get3A_1074] {strides = array<i32>} : memref<5x80x64xi32, #tpu.memory_space<vmem>>, vector<16xi32>,
        %bitcast3A_1076 = vector.bitcast %get3A_1075 : vector<16xi32> to vector<32xbf16>
        %get3A_1077 = arith.index_cast %rem3A_273 : i32 to index
        %get3A_1078 = arith.index_cast %add3A_1036 : i32 to index
        %get3A_1079 = arith.constant 48 : index
        %get3A_1080 = tpu.vector_load %arg11[%get3A_1077, %get3A_1078, %get3A_1079] {strides = array<i32>} : memref<5x80x64xi32, #tpu.memory_space<vmem>>, vector<16xi32>,
        %bitcast3A_1081 = vector.bitcast %get3A_1080 : vector<16xi32> to vector<32xbf16>
        %mul3A_1082 = arith.mulf %bitcast3A_1076, %bitcast3A_1081 : vector<32xbf16>
        %add3A_1083 = arith.addf %add3A_1071, %mul3A_1082 : vector<32xbf16>
        %mul3A_1084 = arith.constant 16 : i32
        %mul3A_1085 = arith.muli %scan3A_320, %mul3A_1084 : i32
        %add3A_1086 = arith.constant 15 : i32
        %add3A_1087 = arith.addi %mul3A_1085, %add3A_1086 : i32
        %get3A_1088 = arith.index_cast %rem3A_273 : i32 to index
        %get3A_1089 = arith.index_cast %add3A_1087 : i32 to index
        %get3A_1090 = arith.constant 0 : index
        %get3A_1091 = tpu.vector_load %arg10[%get3A_1088, %get3A_1089, %get3A_1090] {strides = array<i32>} : memref<5x80x64xi32, #tpu.memory_space<vmem>>, vector<16xi32>,
        %bitcast3A_1092 = vector.bitcast %get3A_1091 : vector<16xi32> to vector<32xbf16>
        %get3A_1093 = arith.index_cast %rem3A_273 : i32 to index
        %get3A_1094 = arith.index_cast %add3A_1087 : i32 to index
        %get3A_1095 = arith.constant 0 : index
        %get3A_1096 = tpu.vector_load %arg11[%get3A_1093, %get3A_1094, %get3A_1095] {strides = array<i32>} : memref<5x80x64xi32, #tpu.memory_space<vmem>>, vector<16xi32>,
        %bitcast3A_1097 = vector.bitcast %get3A_1096 : vector<16xi32> to vector<32xbf16>
        %mul3A_1098 = arith.mulf %bitcast3A_1092, %bitcast3A_1097 : vector<32xbf16>
        %get3A_1099 = arith.index_cast %rem3A_273 : i32 to index
        %get3A_1100 = arith.index_cast %add3A_1087 : i32 to index
        %get3A_1101 = arith.constant 16 : index
        %get3A_1102 = tpu.vector_load %arg10[%get3A_1099, %get3A_1100, %get3A_1101] {strides = array<i32>} : memref<5x80x64xi32, #tpu.memory_space<vmem>>, vector<16xi32>,
        %bitcast3A_1103 = vector.bitcast %get3A_1102 : vector<16xi32> to vector<32xbf16>
        %get3A_1104 = arith.index_cast %rem3A_273 : i32 to index
        %get3A_1105 = arith.index_cast %add3A_1087 : i32 to index
        %get3A_1106 = arith.constant 16 : index
        %get3A_1107 = tpu.vector_load %arg11[%get3A_1104, %get3A_1105, %get3A_1106] {strides = array<i32>} : memref<5x80x64xi32, #tpu.memory_space<vmem>>, vector<16xi32>,
        %bitcast3A_1108 = vector.bitcast %get3A_1107 : vector<16xi32> to vector<32xbf16>
        %mul3A_1109 = arith.mulf %bitcast3A_1103, %bitcast3A_1108 : vector<32xbf16>
        %add3A_1110 = arith.addf %mul3A_1098, %mul3A_1109 : vector<32xbf16>
        %get3A_1111 = arith.index_cast %rem3A_273 : i32 to index
        %get3A_1112 = arith.index_cast %add3A_1087 : i32 to index
        %get3A_1113 = arith.constant 32 : index
        %get3A_1114 = tpu.vector_load %arg10[%get3A_1111, %get3A_1112, %get3A_1113] {strides = array<i32>} : memref<5x80x64xi32, #tpu.memory_space<vmem>>, vector<16xi32>,
        %bitcast3A_1115 = vector.bitcast %get3A_1114 : vector<16xi32> to vector<32xbf16>
        %get3A_1116 = arith.index_cast %rem3A_273 : i32 to index
        %get3A_1117 = arith.index_cast %add3A_1087 : i32 to index
        %get3A_1118 = arith.constant 32 : index
        %get3A_1119 = tpu.vector_load %arg11[%get3A_1116, %get3A_1117, %get3A_1118] {strides = array<i32>} : memref<5x80x64xi32, #tpu.memory_space<vmem>>, vector<16xi32>,
        %bitcast3A_1120 = vector.bitcast %get3A_1119 : vector<16xi32> to vector<32xbf16>
        %mul3A_1121 = arith.mulf %bitcast3A_1115, %bitcast3A_1120 : vector<32xbf16>
        %add3A_1122 = arith.addf %add3A_1110, %mul3A_1121 : vector<32xbf16>
        %get3A_1123 = arith.index_cast %rem3A_273 : i32 to index
        %get3A_1124 = arith.index_cast %add3A_1087 : i32 to index
        %get3A_1125 = arith.constant 48 : index
        %get3A_1126 = tpu.vector_load %arg10[%get3A_1123, %get3A_1124, %get3A_1125] {strides = array<i32>} : memref<5x80x64xi32, #tpu.memory_space<vmem>>, vector<16xi32>,
        %bitcast3A_1127 = vector.bitcast %get3A_1126 : vector<16xi32> to vector<32xbf16>
        %get3A_1128 = arith.index_cast %rem3A_273 : i32 to index
        %get3A_1129 = arith.index_cast %add3A_1087 : i32 to index
        %get3A_1130 = arith.constant 48 : index
        %get3A_1131 = tpu.vector_load %arg11[%get3A_1128, %get3A_1129, %get3A_1130] {strides = array<i32>} : memref<5x80x64xi32, #tpu.memory_space<vmem>>, vector<16xi32>,
        %bitcast3A_1132 = vector.bitcast %get3A_1131 : vector<16xi32> to vector<32xbf16>
        %mul3A_1133 = arith.mulf %bitcast3A_1127, %bitcast3A_1132 : vector<32xbf16>
        %add3A_1134 = arith.addf %add3A_1122, %mul3A_1133 : vector<32xbf16>
        %unpack3A = tpu.unpack_subelements %add3A_369, 0 {pack_format = #tpu.pack_format<interleaved>} : vector<32xbf16> -> vector<16xf32>
        %unpack3A_1135 = tpu.unpack_subelements %add3A_369, 1 {pack_format = #tpu.pack_format<interleaved>} : vector<32xbf16> -> vector<16xf32>
        %add3A_1136 = arith.addf %unpack3A, %unpack3A_1135 : vector<16xf32>
        %swap3A = arith.constant 0 : index
        %swap3A_1137 = tpu.vector_load %arg12[%swap3A] {strides = array<i32>} : memref<256xf32, #tpu.memory_space<vmem>>, vector<16xf32>,
        tpu.vector_store %arg12[%swap3A], %add3A_1136 {strides = array<i32>} : memref<256xf32, #tpu.memory_space<vmem>>, vector<16xf32>,
        %unpack3A_1138 = tpu.unpack_subelements %add3A_420, 0 {pack_format = #tpu.pack_format<interleaved>} : vector<32xbf16> -> vector<16xf32>
        %unpack3A_1139 = tpu.unpack_subelements %add3A_420, 1 {pack_format = #tpu.pack_format<interleaved>} : vector<32xbf16> -> vector<16xf32>
        %add3A_1140 = arith.addf %unpack3A_1138, %unpack3A_1139 : vector<16xf32>
        %swap3A_1141 = arith.constant 16 : index
        %swap3A_1142 = tpu.vector_load %arg12[%swap3A_1141] {strides = array<i32>} : memref<256xf32, #tpu.memory_space<vmem>>, vector<16xf32>,
        tpu.vector_store %arg12[%swap3A_1141], %add3A_1140 {strides = array<i32>} : memref<256xf32, #tpu.memory_space<vmem>>, vector<16xf32>,
        %unpack3A_1143 = tpu.unpack_subelements %add3A_471, 0 {pack_format = #tpu.pack_format<interleaved>} : vector<32xbf16> -> vector<16xf32>
        %unpack3A_1144 = tpu.unpack_subelements %add3A_471, 1 {pack_format = #tpu.pack_format<interleaved>} : vector<32xbf16> -> vector<16xf32>
        %add3A_1145 = arith.addf %unpack3A_1143, %unpack3A_1144 : vector<16xf32>
        %swap3A_1146 = arith.constant 32 : index
        %swap3A_1147 = tpu.vector_load %arg12[%swap3A_1146] {strides = array<i32>} : memref<256xf32, #tpu.memory_space<vmem>>, vector<16xf32>,
        tpu.vector_store %arg12[%swap3A_1146], %add3A_1145 {strides = array<i32>} : memref<256xf32, #tpu.memory_space<vmem>>, vector<16xf32>,
        %unpack3A_1148 = tpu.unpack_subelements %add3A_522, 0 {pack_format = #tpu.pack_format<interleaved>} : vector<32xbf16> -> vector<16xf32>
        %unpack3A_1149 = tpu.unpack_subelements %add3A_522, 1 {pack_format = #tpu.pack_format<interleaved>} : vector<32xbf16> -> vector<16xf32>
        %add3A_1150 = arith.addf %unpack3A_1148, %unpack3A_1149 : vector<16xf32>
        %swap3A_1151 = arith.constant 48 : index
        %swap3A_1152 = tpu.vector_load %arg12[%swap3A_1151] {strides = array<i32>} : memref<256xf32, #tpu.memory_space<vmem>>, vector<16xf32>,
        tpu.vector_store %arg12[%swap3A_1151], %add3A_1150 {strides = array<i32>} : memref<256xf32, #tpu.memory_space<vmem>>, vector<16xf32>,
        %unpack3A_1153 = tpu.unpack_subelements %add3A_573, 0 {pack_format = #tpu.pack_format<interleaved>} : vector<32xbf16> -> vector<16xf32>
        %unpack3A_1154 = tpu.unpack_subelements %add3A_573, 1 {pack_format = #tpu.pack_format<interleaved>} : vector<32xbf16> -> vector<16xf32>
        %add3A_1155 = arith.addf %unpack3A_1153, %unpack3A_1154 : vector<16xf32>
        %swap3A_1156 = arith.constant 64 : index
        %swap3A_1157 = tpu.vector_load %arg12[%swap3A_1156] {strides = array<i32>} : memref<256xf32, #tpu.memory_space<vmem>>, vector<16xf32>,
        tpu.vector_store %arg12[%swap3A_1156], %add3A_1155 {strides = array<i32>} : memref<256xf32, #tpu.memory_space<vmem>>, vector<16xf32>,
        %unpack3A_1158 = tpu.unpack_subelements %add3A_624, 0 {pack_format = #tpu.pack_format<interleaved>} : vector<32xbf16> -> vector<16xf32>
        %unpack3A_1159 = tpu.unpack_subelements %add3A_624, 1 {pack_format = #tpu.pack_format<interleaved>} : vector<32xbf16> -> vector<16xf32>
        %add3A_1160 = arith.addf %unpack3A_1158, %unpack3A_1159 : vector<16xf32>
        %swap3A_1161 = arith.constant 80 : index
        %swap3A_1162 = tpu.vector_load %arg12[%swap3A_1161] {strides = array<i32>} : memref<256xf32, #tpu.memory_space<vmem>>, vector<16xf32>,
        tpu.vector_store %arg12[%swap3A_1161], %add3A_1160 {strides = array<i32>} : memref<256xf32, #tpu.memory_space<vmem>>, vector<16xf32>,
        %unpack3A_1163 = tpu.unpack_subelements %add3A_675, 0 {pack_format = #tpu.pack_format<interleaved>} : vector<32xbf16> -> vector<16xf32>
        %unpack3A_1164 = tpu.unpack_subelements %add3A_675, 1 {pack_format = #tpu.pack_format<interleaved>} : vector<32xbf16> -> vector<16xf32>
        %add3A_1165 = arith.addf %unpack3A_1163, %unpack3A_1164 : vector<16xf32>
        %swap3A_1166 = arith.constant 96 : index
        %swap3A_1167 = tpu.vector_load %arg12[%swap3A_1166] {strides = array<i32>} : memref<256xf32, #tpu.memory_space<vmem>>, vector<16xf32>,
        tpu.vector_store %arg12[%swap3A_1166], %add3A_1165 {strides = array<i32>} : memref<256xf32, #tpu.memory_space<vmem>>, vector<16xf32>,
        %unpack3A_1168 = tpu.unpack_subelements %add3A_726, 0 {pack_format = #tpu.pack_format<interleaved>} : vector<32xbf16> -> vector<16xf32>
        %unpack3A_1169 = tpu.unpack_subelements %add3A_726, 1 {pack_format = #tpu.pack_format<interleaved>} : vector<32xbf16> -> vector<16xf32>
        %add3A_1170 = arith.addf %unpack3A_1168, %unpack3A_1169 : vector<16xf32>
        %swap3A_1171 = arith.constant 112 : index
        %swap3A_1172 = tpu.vector_load %arg12[%swap3A_1171] {strides = array<i32>} : memref<256xf32, #tpu.memory_space<vmem>>, vector<16xf32>,
        tpu.vector_store %arg12[%swap3A_1171], %add3A_1170 {strides = array<i32>} : memref<256xf32, #tpu.memory_space<vmem>>, vector<16xf32>,
        %unpack3A_1173 = tpu.unpack_subelements %add3A_777, 0 {pack_format = #tpu.pack_format<interleaved>} : vector<32xbf16> -> vector<16xf32>
        %unpack3A_1174 = tpu.unpack_subelements %add3A_777, 1 {pack_format = #tpu.pack_format<interleaved>} : vector<32xbf16> -> vector<16xf32>
        %add3A_1175 = arith.addf %unpack3A_1173, %unpack3A_1174 : vector<16xf32>
        %swap3A_1176 = arith.constant 128 : index
        %swap3A_1177 = tpu.vector_load %arg12[%swap3A_1176] {strides = array<i32>} : memref<256xf32, #tpu.memory_space<vmem>>, vector<16xf32>,
        tpu.vector_store %arg12[%swap3A_1176], %add3A_1175 {strides = array<i32>} : memref<256xf32, #tpu.memory_space<vmem>>, vector<16xf32>,
        %unpack3A_1178 = tpu.unpack_subelements %add3A_828, 0 {pack_format = #tpu.pack_format<interleaved>} : vector<32xbf16> -> vector<16xf32>
        %unpack3A_1179 = tpu.unpack_subelements %add3A_828, 1 {pack_format = #tpu.pack_format<interleaved>} : vector<32xbf16> -> vector<16xf32>
        %add3A_1180 = arith.addf %unpack3A_1178, %unpack3A_1179 : vector<16xf32>
        %swap3A_1181 = arith.constant 144 : index
        %swap3A_1182 = tpu.vector_load %arg12[%swap3A_1181] {strides = array<i32>} : memref<256xf32, #tpu.memory_space<vmem>>, vector<16xf32>,
        tpu.vector_store %arg12[%swap3A_1181], %add3A_1180 {strides = array<i32>} : memref<256xf32, #tpu.memory_space<vmem>>, vector<16xf32>,
        %unpack3A_1183 = tpu.unpack_subelements %add3A_879, 0 {pack_format = #tpu.pack_format<interleaved>} : vector<32xbf16> -> vector<16xf32>
        %unpack3A_1184 = tpu.unpack_subelements %add3A_879, 1 {pack_format = #tpu.pack_format<interleaved>} : vector<32xbf16> -> vector<16xf32>
        %add3A_1185 = arith.addf %unpack3A_1183, %unpack3A_1184 : vector<16xf32>
        %swap3A_1186 = arith.constant 160 : index
        %swap3A_1187 = tpu.vector_load %arg12[%swap3A_1186] {strides = array<i32>} : memref<256xf32, #tpu.memory_space<vmem>>, vector<16xf32>,
        tpu.vector_store %arg12[%swap3A_1186], %add3A_1185 {strides = array<i32>} : memref<256xf32, #tpu.memory_space<vmem>>, vector<16xf32>,
        %unpack3A_1188 = tpu.unpack_subelements %add3A_930, 0 {pack_format = #tpu.pack_format<interleaved>} : vector<32xbf16> -> vector<16xf32>
        %unpack3A_1189 = tpu.unpack_subelements %add3A_930, 1 {pack_format = #tpu.pack_format<interleaved>} : vector<32xbf16> -> vector<16xf32>
        %add3A_1190 = arith.addf %unpack3A_1188, %unpack3A_1189 : vector<16xf32>
        %swap3A_1191 = arith.constant 176 : index
        %swap3A_1192 = tpu.vector_load %arg12[%swap3A_1191] {strides = array<i32>} : memref<256xf32, #tpu.memory_space<vmem>>, vector<16xf32>,
        tpu.vector_store %arg12[%swap3A_1191], %add3A_1190 {strides = array<i32>} : memref<256xf32, #tpu.memory_space<vmem>>, vector<16xf32>,
        %unpack3A_1193 = tpu.unpack_subelements %add3A_981, 0 {pack_format = #tpu.pack_format<interleaved>} : vector<32xbf16> -> vector<16xf32>
        %unpack3A_1194 = tpu.unpack_subelements %add3A_981, 1 {pack_format = #tpu.pack_format<interleaved>} : vector<32xbf16> -> vector<16xf32>
        %add3A_1195 = arith.addf %unpack3A_1193, %unpack3A_1194 : vector<16xf32>
        %swap3A_1196 = arith.constant 192 : index
        %swap3A_1197 = tpu.vector_load %arg12[%swap3A_1196] {strides = array<i32>} : memref<256xf32, #tpu.memory_space<vmem>>, vector<16xf32>,
        tpu.vector_store %arg12[%swap3A_1196], %add3A_1195 {strides = array<i32>} : memref<256xf32, #tpu.memory_space<vmem>>, vector<16xf32>,
        %unpack3A_1198 = tpu.unpack_subelements %add3A_1032, 0 {pack_format = #tpu.pack_format<interleaved>} : vector<32xbf16> -> vector<16xf32>
        %unpack3A_1199 = tpu.unpack_subelements %add3A_1032, 1 {pack_format = #tpu.pack_format<interleaved>} : vector<32xbf16> -> vector<16xf32>
        %add3A_1200 = arith.addf %unpack3A_1198, %unpack3A_1199 : vector<16xf32>
        %swap3A_1201 = arith.constant 208 : index
        %swap3A_1202 = tpu.vector_load %arg12[%swap3A_1201] {strides = array<i32>} : memref<256xf32, #tpu.memory_space<vmem>>, vector<16xf32>,
        tpu.vector_store %arg12[%swap3A_1201], %add3A_1200 {strides = array<i32>} : memref<256xf32, #tpu.memory_space<vmem>>, vector<16xf32>,
        %unpack3A_1203 = tpu.unpack_subelements %add3A_1083, 0 {pack_format = #tpu.pack_format<interleaved>} : vector<32xbf16> -> vector<16xf32>
        %unpack3A_1204 = tpu.unpack_subelements %add3A_1083, 1 {pack_format = #tpu.pack_format<interleaved>} : vector<32xbf16> -> vector<16xf32>
        %add3A_1205 = arith.addf %unpack3A_1203, %unpack3A_1204 : vector<16xf32>
        %swap3A_1206 = arith.constant 224 : index
        %swap3A_1207 = tpu.vector_load %arg12[%swap3A_1206] {strides = array<i32>} : memref<256xf32, #tpu.memory_space<vmem>>, vector<16xf32>,
        tpu.vector_store %arg12[%swap3A_1206], %add3A_1205 {strides = array<i32>} : memref<256xf32, #tpu.memory_space<vmem>>, vector<16xf32>,
        %unpack3A_1208 = tpu.unpack_subelements %add3A_1134, 0 {pack_format = #tpu.pack_format<interleaved>} : vector<32xbf16> -> vector<16xf32>
        %unpack3A_1209 = tpu.unpack_subelements %add3A_1134, 1 {pack_format = #tpu.pack_format<interleaved>} : vector<32xbf16> -> vector<16xf32>
        %add3A_1210 = arith.addf %unpack3A_1208, %unpack3A_1209 : vector<16xf32>
        %swap3A_1211 = arith.constant 240 : index
        %swap3A_1212 = tpu.vector_load %arg12[%swap3A_1211] {strides = array<i32>} : memref<256xf32, #tpu.memory_space<vmem>>, vector<16xf32>,
        tpu.vector_store %arg12[%swap3A_1211], %add3A_1210 {strides = array<i32>} : memref<256xf32, #tpu.memory_space<vmem>>, vector<16xf32>,
        %iota3A = tpu.iota {dimensions = array<i32: 0>} : vector<16xi32>
        %mul3A_1213 = arith.constant 16 : i32
        %mul3A_1214 = vector.broadcast %mul3A_1213 : i32 to vector<16xi32>
        %mul3A_1215 = arith.muli %iota3A, %mul3A_1214 : vector<16xi32>
        %gather3A = tpu.vector_load_idx %arg12[%mul3A_1215] : memref<256xf32, #tpu.memory_space<vmem>>[vector<16xi32>], vector<16xf32>,
        %add3A_1216 = arith.constant 1 : i32
        %add3A_1217 = vector.broadcast %add3A_1216 : i32 to vector<16xi32>
        %add3A_1218 = arith.addi %mul3A_1215, %add3A_1217 : vector<16xi32>
        %gather3A_1219 = tpu.vector_load_idx %arg12[%add3A_1218] : memref<256xf32, #tpu.memory_space<vmem>>[vector<16xi32>], vector<16xf32>,
        %add3A_1220 = arith.addf %gather3A, %gather3A_1219 : vector<16xf32>
        %add3A_1221 = arith.constant 2 : i32
        %add3A_1222 = vector.broadcast %add3A_1221 : i32 to vector<16xi32>
        %add3A_1223 = arith.addi %mul3A_1215, %add3A_1222 : vector<16xi32>
        %gather3A_1224 = tpu.vector_load_idx %arg12[%add3A_1223] : memref<256xf32, #tpu.memory_space<vmem>>[vector<16xi32>], vector<16xf32>,
        %add3A_1225 = arith.addf %add3A_1220, %gather3A_1224 : vector<16xf32>
        %add3A_1226 = arith.constant 3 : i32
        %add3A_1227 = vector.broadcast %add3A_1226 : i32 to vector<16xi32>
        %add3A_1228 = arith.addi %mul3A_1215, %add3A_1227 : vector<16xi32>
        %gather3A_1229 = tpu.vector_load_idx %arg12[%add3A_1228] : memref<256xf32, #tpu.memory_space<vmem>>[vector<16xi32>], vector<16xf32>,
        %add3A_1230 = arith.addf %add3A_1225, %gather3A_1229 : vector<16xf32>
        %add3A_1231 = arith.constant 4 : i32
        %add3A_1232 = vector.broadcast %add3A_1231 : i32 to vector<16xi32>
        %add3A_1233 = arith.addi %mul3A_1215, %add3A_1232 : vector<16xi32>
        %gather3A_1234 = tpu.vector_load_idx %arg12[%add3A_1233] : memref<256xf32, #tpu.memory_space<vmem>>[vector<16xi32>], vector<16xf32>,
        %add3A_1235 = arith.addf %add3A_1230, %gather3A_1234 : vector<16xf32>
        %add3A_1236 = arith.constant 5 : i32
        %add3A_1237 = vector.broadcast %add3A_1236 : i32 to vector<16xi32>
        %add3A_1238 = arith.addi %mul3A_1215, %add3A_1237 : vector<16xi32>
        %gather3A_1239 = tpu.vector_load_idx %arg12[%add3A_1238] : memref<256xf32, #tpu.memory_space<vmem>>[vector<16xi32>], vector<16xf32>,
        %add3A_1240 = arith.addf %add3A_1235, %gather3A_1239 : vector<16xf32>
        %add3A_1241 = arith.constant 6 : i32
        %add3A_1242 = vector.broadcast %add3A_1241 : i32 to vector<16xi32>
        %add3A_1243 = arith.addi %mul3A_1215, %add3A_1242 : vector<16xi32>
        %gather3A_1244 = tpu.vector_load_idx %arg12[%add3A_1243] : memref<256xf32, #tpu.memory_space<vmem>>[vector<16xi32>], vector<16xf32>,
        %add3A_1245 = arith.addf %add3A_1240, %gather3A_1244 : vector<16xf32>
        %add3A_1246 = arith.constant 7 : i32
        %add3A_1247 = vector.broadcast %add3A_1246 : i32 to vector<16xi32>
        %add3A_1248 = arith.addi %mul3A_1215, %add3A_1247 : vector<16xi32>
        %gather3A_1249 = tpu.vector_load_idx %arg12[%add3A_1248] : memref<256xf32, #tpu.memory_space<vmem>>[vector<16xi32>], vector<16xf32>,
        %add3A_1250 = arith.addf %add3A_1245, %gather3A_1249 : vector<16xf32>
        %add3A_1251 = arith.constant 8 : i32
        %add3A_1252 = vector.broadcast %add3A_1251 : i32 to vector<16xi32>
        %add3A_1253 = arith.addi %mul3A_1215, %add3A_1252 : vector<16xi32>
        %gather3A_1254 = tpu.vector_load_idx %arg12[%add3A_1253] : memref<256xf32, #tpu.memory_space<vmem>>[vector<16xi32>], vector<16xf32>,
        %add3A_1255 = arith.addf %add3A_1250, %gather3A_1254 : vector<16xf32>
        %add3A_1256 = arith.constant 9 : i32
        %add3A_1257 = vector.broadcast %add3A_1256 : i32 to vector<16xi32>
        %add3A_1258 = arith.addi %mul3A_1215, %add3A_1257 : vector<16xi32>
        %gather3A_1259 = tpu.vector_load_idx %arg12[%add3A_1258] : memref<256xf32, #tpu.memory_space<vmem>>[vector<16xi32>], vector<16xf32>,
        %add3A_1260 = arith.addf %add3A_1255, %gather3A_1259 : vector<16xf32>
        %add3A_1261 = arith.constant 10 : i32
        %add3A_1262 = vector.broadcast %add3A_1261 : i32 to vector<16xi32>
        %add3A_1263 = arith.addi %mul3A_1215, %add3A_1262 : vector<16xi32>
        %gather3A_1264 = tpu.vector_load_idx %arg12[%add3A_1263] : memref<256xf32, #tpu.memory_space<vmem>>[vector<16xi32>], vector<16xf32>,
        %add3A_1265 = arith.addf %add3A_1260, %gather3A_1264 : vector<16xf32>
        %add3A_1266 = arith.constant 11 : i32
        %add3A_1267 = vector.broadcast %add3A_1266 : i32 to vector<16xi32>
        %add3A_1268 = arith.addi %mul3A_1215, %add3A_1267 : vector<16xi32>
        %gather3A_1269 = tpu.vector_load_idx %arg12[%add3A_1268] : memref<256xf32, #tpu.memory_space<vmem>>[vector<16xi32>], vector<16xf32>,
        %add3A_1270 = arith.addf %add3A_1265, %gather3A_1269 : vector<16xf32>
        %add3A_1271 = arith.constant 12 : i32
        %add3A_1272 = vector.broadcast %add3A_1271 : i32 to vector<16xi32>
        %add3A_1273 = arith.addi %mul3A_1215, %add3A_1272 : vector<16xi32>
        %gather3A_1274 = tpu.vector_load_idx %arg12[%add3A_1273] : memref<256xf32, #tpu.memory_space<vmem>>[vector<16xi32>], vector<16xf32>,
        %add3A_1275 = arith.addf %add3A_1270, %gather3A_1274 : vector<16xf32>
        %add3A_1276 = arith.constant 13 : i32
        %add3A_1277 = vector.broadcast %add3A_1276 : i32 to vector<16xi32>
        %add3A_1278 = arith.addi %mul3A_1215, %add3A_1277 : vector<16xi32>
        %gather3A_1279 = tpu.vector_load_idx %arg12[%add3A_1278] : memref<256xf32, #tpu.memory_space<vmem>>[vector<16xi32>], vector<16xf32>,
        %add3A_1280 = arith.addf %add3A_1275, %gather3A_1279 : vector<16xf32>
        %add3A_1281 = arith.constant 14 : i32
        %add3A_1282 = vector.broadcast %add3A_1281 : i32 to vector<16xi32>
        %add3A_1283 = arith.addi %mul3A_1215, %add3A_1282 : vector<16xi32>
        %gather3A_1284 = tpu.vector_load_idx %arg12[%add3A_1283] : memref<256xf32, #tpu.memory_space<vmem>>[vector<16xi32>], vector<16xf32>,
        %add3A_1285 = arith.addf %add3A_1280, %gather3A_1284 : vector<16xf32>
        %add3A_1286 = arith.constant 15 : i32
        %add3A_1287 = vector.broadcast %add3A_1286 : i32 to vector<16xi32>
        %add3A_1288 = arith.addi %mul3A_1215, %add3A_1287 : vector<16xi32>
        %gather3A_1289 = tpu.vector_load_idx %arg12[%add3A_1288] : memref<256xf32, #tpu.memory_space<vmem>>[vector<16xi32>], vector<16xf32>,
        %add3A_1290 = arith.addf %add3A_1285, %gather3A_1289 : vector<16xf32>
        %mul3A_1291 = arith.constant 80 : i32
        %mul3A_1292 = arith.muli %scan3A_272, %mul3A_1291 : i32
        %mul3A_1293 = arith.constant 16 : i32
        %mul3A_1294 = arith.muli %scan3A_320, %mul3A_1293 : i32
        %add3A_1295 = arith.addi %mul3A_1292, %mul3A_1294 : i32
        %swap3A_1296 = arith.index_cast %add3A_1295 : i32 to index
        %swap3A_1297 = tpu.vector_load %arg13[%swap3A_1296] {strides = array<i32>} : memref<10000xf32, #tpu.memory_space<vmem>>, vector<16xf32>,
        tpu.vector_store %arg13[%swap3A_1296], %add3A_1290 {strides = array<i32>} : memref<10000xf32, #tpu.memory_space<vmem>>, vector<16xf32>,
      }
      %scan3A_317 = arith.constant 5 : i32
      %lt3A = arith.constant 120 : i32
      %lt3A_318 = arith.cmpi slt, %scan3A_272, %lt3A : i32
      %convert_element_type3A = arith.extui %lt3A_318 : i1 to i32
      %cond3A = arith.constant 0 : i32
      %cond3A_319 = arith.cmpi ne, %convert_element_type3A, %cond3A : i32
      scf.if %cond3A_319 {
        %add3A_320 = arith.constant 5 : i32
        %add3A_321 = arith.addi %scan3A_272, %add3A_320 : i32
        %mul3A_322 = arith.constant 80 : i32
        %mul3A_323 = arith.muli %add3A_321, %mul3A_322 : i32
        %dma_start3A_324 = arith.constant 0 : i32
        %dma_start3A_325 = arith.constant 0 : i32
        %dma_start3A_326 = tpu.memref_slice %arg10[%rem3A_273, %dma_start3A_324, %dma_start3A_325] : memref<5x80x64xi32, #tpu.memory_space<vmem>> -> memref<1x80x64xi32, #tpu.memory_space<vmem>>
        %dma_start3A_327 = tpu.memref_squeeze %dma_start3A_326 : memref<1x80x64xi32, #tpu.memory_space<vmem>> -> memref<80x64xi32, #tpu.memory_space<vmem>>
        %dma_start3A_328 = tpu.memref_slice %arg8[%mul3A_323] : memref<10000xi32, #tpu.memory_space<vmem>> -> memref<80xi32, #tpu.memory_space<vmem>>
        %dma_start3A_329 = arith.constant 0 : i32
        %dma_start3A_330 = arith.constant 0 : i32
        %dma_start3A_331 = tpu.memref_slice %arg6[%arg0, %dma_start3A_329, %dma_start3A_330] : memref<2x10000x64xi32, #tpu.memory_space<hbm>> -> memref<1x10000x64xi32, #tpu.memory_space<hbm>>
        %dma_start3A_332 = tpu.memref_squeeze %dma_start3A_331 : memref<1x10000x64xi32, #tpu.memory_space<hbm>> -> memref<10000x64xi32, #tpu.memory_space<hbm>>
        %dma_start3A_333 = arith.constant 0 : i32
        %dma_start3A_334 = arith.constant 0 : i32
        %dma_start3A_335 = tpu.memref_slice %dma_start3A_332[%dma_start3A_333, %dma_start3A_334] : memref<10000x64xi32, #tpu.memory_space<hbm>> -> memref<10000x64xi32, #tpu.memory_space<hbm>>
        %dma_start3A_336 = tpu.memref_slice %arg16[%rem3A_273] : memref<5x!tpu.dma_semaphore, #tpu.memory_space<semaphore_mem>> -> memref<1x!tpu.dma_semaphore, #tpu.memory_space<semaphore_mem>>
        %dma_start3A_337 = tpu.memref_squeeze %dma_start3A_336 : memref<1x!tpu.dma_semaphore, #tpu.memory_space<semaphore_mem>> -> memref<!tpu.dma_semaphore, #tpu.memory_space<semaphore_mem>>
        tpu.enqueue_indirect_dma source(%dma_start3A_335 : memref<10000x64xi32, #tpu.memory_space<hbm>>) target(%dma_start3A_327 : memref<80x64xi32, #tpu.memory_space<vmem>>) offsets(%dma_start3A_328 : memref<80xi32, #tpu.memory_space<vmem>>) semaphore(%dma_start3A_337 : memref<!tpu.dma_semaphore, #tpu.memory_space<semaphore_mem>>)
        %mul3A_338 = arith.constant 80 : i32
        %mul3A_339 = arith.muli %add3A_321, %mul3A_338 : i32
        %dma_start3A_340 = arith.constant 0 : i32
        %dma_start3A_341 = arith.constant 0 : i32
        %dma_start3A_342 = tpu.memref_slice %arg11[%rem3A_273, %dma_start3A_340, %dma_start3A_341] : memref<5x80x64xi32, #tpu.memory_space<vmem>> -> memref<1x80x64xi32, #tpu.memory_space<vmem>>
        %dma_start3A_343 = tpu.memref_squeeze %dma_start3A_342 : memref<1x80x64xi32, #tpu.memory_space<vmem>> -> memref<80x64xi32, #tpu.memory_space<vmem>>
        %dma_start3A_344 = tpu.memref_slice %arg9[%mul3A_339] : memref<10000xi32, #tpu.memory_space<vmem>> -> memref<80xi32, #tpu.memory_space<vmem>>
        %dma_start3A_345 = arith.constant 0 : i32
        %dma_start3A_346 = arith.constant 0 : i32
        %dma_start3A_347 = tpu.memref_slice %arg7[%arg0, %dma_start3A_345, %dma_start3A_346] : memref<2x10000x64xi32, #tpu.memory_space<hbm>> -> memref<1x10000x64xi32, #tpu.memory_space<hbm>>
        %dma_start3A_348 = tpu.memref_squeeze %dma_start3A_347 : memref<1x10000x64xi32, #tpu.memory_space<hbm>> -> memref<10000x64xi32, #tpu.memory_space<hbm>>
        %dma_start3A_349 = arith.constant 0 : i32
        %dma_start3A_350 = arith.constant 0 : i32
        %dma_start3A_351 = tpu.memref_slice %dma_start3A_348[%dma_start3A_349, %dma_start3A_350] : memref<10000x64xi32, #tpu.memory_space<hbm>> -> memref<10000x64xi32, #tpu.memory_space<hbm>>
        %dma_start3A_352 = tpu.memref_slice %arg16[%rem3A_273] : memref<5x!tpu.dma_semaphore, #tpu.memory_space<semaphore_mem>> -> memref<1x!tpu.dma_semaphore, #tpu.memory_space<semaphore_mem>>
        %dma_start3A_353 = tpu.memref_squeeze %dma_start3A_352 : memref<1x!tpu.dma_semaphore, #tpu.memory_space<semaphore_mem>> -> memref<!tpu.dma_semaphore, #tpu.memory_space<semaphore_mem>>
        tpu.enqueue_indirect_dma source(%dma_start3A_351 : memref<10000x64xi32, #tpu.memory_space<hbm>>) target(%dma_start3A_343 : memref<80x64xi32, #tpu.memory_space<vmem>>) offsets(%dma_start3A_344 : memref<80xi32, #tpu.memory_space<vmem>>) semaphore(%dma_start3A_353 : memref<!tpu.dma_semaphore, #tpu.memory_space<semaphore_mem>>)
      } else {
      }
    }
    %scan3A_271 = arith.constant 125 : i32
    "tpu.region"() ({
      %run_scoped3A = tpu.sem_alloc : memref<!tpu.dma_semaphore, #tpu.memory_space<semaphore_mem>>
      %dma_start3A_272 = tpu.memref_slice %arg5[%mul3A_2] : memref<320000xf32, #tpu.memory_space<hbm>> -> memref<10000xf32, #tpu.memory_space<hbm>>
      %dma_start3A_273 = tpu.memref_slice %arg5[%mul3A_2] : memref<320000xf32, #tpu.memory_space<hbm>> -> memref<10000xf32, #tpu.memory_space<hbm>>
      tpu.enqueue_dma source(%arg13 : memref<10000xf32, #tpu.memory_space<vmem>>) target(%dma_start3A_273 : memref<10000xf32, #tpu.memory_space<hbm>>) target_semaphore(%run_scoped3A : memref<!tpu.dma_semaphore, #tpu.memory_space<semaphore_mem>>)
      %dma_wait3A_274 = tpu.memref_slice %arg5[%mul3A_2] : memref<320000xf32, #tpu.memory_space<hbm>> -> memref<10000xf32, #tpu.memory_space<hbm>>
      %dma_wait3A_275 = tpu.memref_slice %arg5[%mul3A_2] : memref<320000xf32, #tpu.memory_space<hbm>> -> memref<10000xf32, #tpu.memory_space<hbm>>
      tpu.wait_dma2 semaphore(%run_scoped3A : memref<!tpu.dma_semaphore, #tpu.memory_space<semaphore_mem>>) src(%arg13 : memref<10000xf32, #tpu.memory_space<vmem>>) dst(%dma_wait3A_275 : memref<10000xf32, #tpu.memory_space<hbm>>)
      tpu.yield
    }) : () -> ()
    return
  }
}

</mosaic_0001>

<sc_bundles>
// kernel: _run.3.cloned.1.call-start
scs
__scs_entry_jumppad:
0x0: {  	(pc) =	sbr.rel $0x88, $3  }
0x1: {  	(tag) =	ssettag $0x0;
	lr =	simm.s32 $0x1  }
0x2: {  	[smem:$0x3F9E] =	sst lr;
	_ =	strace $0xD0000000  }
0x3: {  	_ = 	snop  }
0x4: {  	_ = 	snop  }
0x5: {  	_ = 	snop  }
0x6: {  	_ = 	snop  }
0x7: {  	_ = 	snop  }
__scs_overlays_trampoline_lowered:
0x8: {  	[smem:$0x3FAD] =	sst s0  }
0x9: {  	[smem:$0x3FAE] =	sst s1  }
0xa: {  	[smem:$0x3FAF] =	sst s2  }
0xb: {  	[smem:$0x3FB0] =	sst s3  }
0xc: {  	[smem:$0x3FB1] =	sst s4  }
0xd: {  	[smem:$0x3FB2] =	sst s5  }
0xe: {  	[smem:$0x3FB3] =	sst s6  }
0xf: {  	[smem:$0x3FB4] =	sst s7  }
0x10: {  	[smem:$0x3FB5] =	sst s8  }
0x11: {  	[smem:$0x3FB6] =	sst s9;
	s0 =	simm.s32 @!p0 $0x0  }
0x12: {  	s1 =	sld [smem:$0x3F9C];
	s0 =	simm.s32 @p0 $0x1  }
0x13: {  	[smem:$0x3FB7] =	sst s0;
	s0 =	simm.s32 @!p1 $0x0  }
0x14: {  	s2 =	sld [smem:$0x3F9B];
	s0 =	simm.s32 @p1 $0x1  }
0x15: {  	[smem:$0x3FB8] =	sst s0;
	s0 =	simm.s32 @!p2 $0x0  }
0x16: {  	s3 =	sld [smem:$0x3FDB];
	s0 =	simm.s32 @p2 $0x1  }
0x17: {  	s4 =	simm.s32 $0x1BF5;
	[smem:$0x3FBA] =	sst s0  }
0x18: {  	s0 =	sld [smem:$0x3F9D];
	_ =	swait.ge [sflag:s4], $0x0  }
0x19: {  	s7 =	sld [smem:$0x3F9E]  }
0x1a: {  	s8 =	sadd.s32 $0xFFFFE003, lr  }
0x1b: {  	s9 =	sadd.s32 $0xFFFFFEF7, lr;
	s5 =	simm.s32 $0xFFFFFFFF;
	p2 =	slt.u32 s8, $0xFFFFF086  }
0x1c: {  	p1 =	slt.u32 s9, $0xF7A;
	s5 =	simm.s32 @!p2 $0x0  }
0x1d: {  	s5 =	simm.s32 @p1 $0x1;
	p0 =	seq.s32 s7, s2  }
0x1e: {  	s7 =	smul.u32 @!p0 $0xF7A, s2;
	p2 =	seq.s32 @!p0 s5, $0x0  }
0x1f: {  	s9 =	smul.u32 $0xF7A, s1;
	s8 =	simm.s32 @!p0 $0x1BF5;
	p2 =	por !p2, p0  }
0x20: {  	[sflag:s8] =	ssyncset.s32 @!p0 $0xFFFFF086;
	s6 =	sadd.s32 @!p0 s3, s7;
	s7 =	simm.s32 @!p0 $0x108  }
0x21: {  	s3 =	sadd.s32 s3, s9;
	s6 =	sadd.s32 @!p0 $0x88, s6;
	s7 =	simm.s32 @p2 $0x1082  }
0x22: {  	[simem:s7], [sflag:s8] =	dma.local @!p0 [hbm:s6], $0xF7A  }
0x23: {  	s9 =	sor.u32 $0xD0000000, s2;
	s6 =	simm.s32 $0x108;
	_ =	swait.ge @!p0 [sflag:s8], $0x0  }
0x24: {  	s3 =	sadd.s32 $0x88, s3;
	s6 =	simm.s32 @!p1 $0x1082;
	[sflag:s4] =	ssyncset.s32 $0xFFFFF086  }
0x25: {  	[simem:s6], [sflag:s4] =	dma.local [hbm:s3], $0xF7A  }
0x26: {  	[smem:$0x3F9E] =	sst s1;
	(tag) =	ssettag s2;
	_ =	strace s9  }
0x27: {  	s1 =	sld [smem:$0x3FAE]  }
0x28: {  	s2 =	sld [smem:$0x3FAF]  }
0x29: {  	s4 =	sld [smem:$0x3FB1]  }
0x2a: {  	p0 =	seq.s32 s5, $0x0;
	s5 =	sld [smem:$0x3FB2]  }
0x2b: {  	s6 =	sld [smem:$0x3FB3]  }
0x2c: {  	s7 =	sld [smem:$0x3FB4]  }
0x2d: {  	s3 =	simm.s32 $0x108;
	s8 =	sld [smem:$0x3FB5]  }
0x2e: {  	s3 =	simm.s32 @!p0 $0x1082;
	s9 =	sld [smem:$0x3FB6]  }
0x2f: {  	lr =	sadd.s32 s0, s3;
	s0 =	sld [smem:$0x3FAD]  }
0x30: {  	s3 =	sld [smem:$0x3FB0]  }
0x31: {  	[smem:$0x3FB9] =	sst s10  }
0x32: {  	s10 =	sld [smem:$0x3FB7];
	_ =	sdelay $0x3  }
0x33: {  	p0 =	seq.s32 s10, $0x1;
	s10 =	sld [smem:$0x3FB9];
	_ =	sdelay $0x3  }
0x34: {  	[smem:$0x3FB9] =	sst s10  }
0x35: {  	s10 =	sld [smem:$0x3FB8];
	_ =	sdelay $0x3  }
0x36: {  	p1 =	seq.s32 s10, $0x1;
	s10 =	sld [smem:$0x3FB9];
	_ =	sdelay $0x3  }
0x37: {  	[smem:$0x3FB9] =	sst s10  }
0x38: {  	s10 =	sld [smem:$0x3FBA]  }
0x39: {  	_ = 	snop;
	(pc) =	sbr.ind lr, $3  }
0x3a: {  	_ = 	snop  }
0x3b: {  	_ = 	snop  }
0x3c: {  	p2 =	seq.s32 s10, $0x1;
	s10 =	sld [smem:$0x3FB9]  }
0x3d: {  	_ =	shalt  }
0x3e: {  	_ =	shalt  }
0x3f: {  	_ =	shalt  }
0x40: {  	_ =	shalt  }
0x41: {  	_ =	shalt  }
0x42: {  	_ =	shalt  }
0x43: {  	_ =	shalt  }
0x44: {  	_ =	shalt  }
0x45: {  	_ =	shalt  }
0x46: {  	_ =	shalt  }
0x47: {  	_ =	shalt  }
0x48: {  	_ =	shalt  }
0x49: {  	_ =	shalt  }
0x4a: {  	_ =	shalt  }
0x4b: {  	_ =	shalt  }
0x4c: {  	_ =	shalt  }
0x4d: {  	_ =	shalt  }
0x4e: {  	_ =	shalt  }
0x4f: {  	_ =	shalt  }
0x50: {  	_ =	shalt  }
0x51: {  	_ =	shalt  }
0x52: {  	_ =	shalt  }
0x53: {  	_ =	shalt  }
0x54: {  	_ =	shalt  }
0x55: {  	_ =	shalt  }
0x56: {  	_ =	shalt  }
0x57: {  	_ =	shalt  }
0x58: {  	_ =	shalt  }
0x59: {  	_ =	shalt  }
0x5a: {  	_ =	shalt  }
0x5b: {  	_ =	shalt  }
0x5c: {  	_ =	shalt  }
0x5d: {  	_ =	shalt  }
0x5e: {  	_ =	shalt  }
0x5f: {  	_ =	shalt  }
0x60: {  	_ =	shalt  }
0x61: {  	_ =	shalt  }
0x62: {  	_ =	shalt  }
0x63: {  	_ =	shalt  }
0x64: {  	_ =	shalt  }
0x65: {  	_ =	shalt  }
0x66: {  	_ =	shalt  }
0x67: {  	_ =	shalt  }
0x68: {  	_ =	shalt  }
0x69: {  	_ =	shalt  }
0x6a: {  	_ =	shalt  }
0x6b: {  	_ =	shalt  }
0x6c: {  	_ =	shalt  }
0x6d: {  	_ =	shalt  }
0x6e: {  	_ =	shalt  }
0x6f: {  	_ =	shalt  }
0x70: {  	_ =	shalt  }
0x71: {  	_ =	shalt  }
0x72: {  	_ =	shalt  }
0x73: {  	_ =	shalt  }
0x74: {  	_ =	shalt  }
0x75: {  	_ =	shalt  }
0x76: {  	_ =	shalt  }
0x77: {  	_ =	shalt  }
0x78: {  	_ =	shalt  }
0x79: {  	_ =	shalt  }
0x7a: {  	_ =	shalt  }
0x7b: {  	_ =	shalt  }
0x7c: {  	_ =	shalt  }
0x7d: {  	_ =	shalt  }
0x7e: {  	_ =	shalt  }
0x7f: {  	_ =	shalt  }
0x80: {  	_ =	shalt  }
0x81: {  	_ =	shalt  }
0x82: {  	_ =	shalt  }
0x83: {  	_ =	shalt  }
0x84: {  	_ =	shalt  }
0x85: {  	_ =	shalt  }
0x86: {  	_ =	shalt  }
0x87: {  	_ =	shalt  }
.Lfunc_end0:
.L_simem_size_0:
called_computation_lowered:
.L_overlay_start_0:
0x88: {  	s2 =	sld [smem:$0x3FD9]  }
0x89: {  	s3 =	sld [smem:$0x3FFE];
	_ =	sdelay $0x1  }
0x8a: {  	s1 =	srdreg.scid  }
0x8b: {  	s0 =	sand.u32 $0x1, s1  }
0x8c: {  	s14 =	sshll.u32 s0, $0xA;
	s2 =	sadd.s32 s3, s2  }
0x8d: {  	s2 =	sadd.s32 s2, s14  }
0x8e: {  	[smem:$0x3FC5] =	sst s2  }
0x8f: {  	_ = 	snop  }
0x90: {  	s2 =	sld [smem:$0x3FD0];
	_ =	sdelay $0x1  }
0x91: {  	s15 =	sld [smem:$0x3FC9]  }
0x92: {  	s5 =	simm.s32 $0xA;
	s6 =	simm.s32 $0x10;
	s4 =	sld [smem:$0x3FC8]  }
0x93: {  	[smem:s6], [sflag:s5] =	dma.local [hbm:s2], $0x1  }
0x94: {  	_ =	swait.eq [sflag:s5], $0x1  }
0x95: {  	s16 =	sld [smem:$0x10];
	[sflag:s5] =	ssyncset.done $0x0  }
0x96: {  	s17 =	sld [smem:$0x11];
	[sflag:s5] =	ssyncadd.s32 $0xFFFFFFFF  }
0x97: {  	s18 =	sld [smem:$0x12];
	(tm) =	ssettm $0x1  }
0x98: {  	s7 =	sld [smem:$0x3FFB];
	_ =	sdelay $0x3  }
0x99: {  	_ =	strace s7  }
0x9a: {  	s7 =	sld [smem:$0x3FFC];
	_ =	sdelay $0x3  }
0x9b: {  	_ =	strace s7  }
0x9c: {  	s7 =	sld [smem:$0x3FFD];
	_ =	sdelay $0x3  }
0x9d: {  	_ =	strace s7  }
0x9e: {  	_ =	strace $0x8FFFFFFF  }
0x9f: {  	s19 =	sld [smem:$0x3FDB];
	_ =	sdelay $0x1  }
0xa0: {  	s8 =	simm.s32 $_scs_section_size  }
0xa1: {  	s9 =	simm.s32 $_size__tile_overlayer_lowered;
	s10 =	simm.s32 $_tile_overlayer_lowered  }
0xa2: {  	s22 =	simm.s32 $0x1BFF;
	s21 =	sshll.u32 s10, $0x1;
	s7 =	sadd.s32 s8, s19  }
0xa3: {  	s11 =	simm.s32 $0x0;
	s20 =	sshll.u32 s9, $0x1;
	s9 =	sadd.s32 s21, s7  }
0xa4: {  	[timem:s11], [sflag:s22] =	dma.local [hbm:s9], s20  }
0xa5: {  	_ =	swait.ge [sflag:s22], s20  }
0xa6: {  	s8 =	ssub.s32 $0x0, s20;
	[sflag:s22] =	ssyncset.done $0x0  }
0xa7: {  	[sflag:s22] =	ssyncadd.s32 s8;
	_ =	sdelay $0x1  }
0xa8: {  	s23 =	simm.s32 $0x1B8B  }
0xa9: {  	_ =	swait.ge [sflag:s23], $0x1  }
0xaa: {  	[sflag:s23] =	ssyncset.done $0x0  }
0xab: {  	s25 =	simm.s32 $0x1B8E;
	s24 =	sld [smem:$0x3FFE];
	[sflag:s23] =	ssyncadd.s32 $0xFFFFFFFF  }
0xac: {  	s26 =	simm.s32 $execute0_lowered;
	[smem:$0x3FD2] =	sst s25  }
0xad: {  	s9 =	sshll.u32 s26, $0x1;
	_ =	strace $0x80000046;
	[dreg:$0x1] =	wrdreg $0xFFFFFFFF  }
0xae: {  	s28 =	simm.s32 $_size_execute0_lowered;
	s7 =	sadd.s32 s7, s9;
	[dreg:$0x0] =	wrdreg $0x0  }
0xaf: {  	s9 =	sshll.u32 s28, $0x1;
	[dreg:$0x2] =	wrdreg s7  }
0xb0: {  	[dreg:$0x3] =	wrdreg s9  }
0xb1: {  	[dreg:$0x4] =	wrdreg $0xC0  }
0xb2: {  	_ =	task [dreg:s11], $0x5FFFF  }
0xb3: {  	[dreg:$0x1] =	wrdreg $0xFFFFFFFF  }
0xb4: {  	[dreg:$0x0] =	wrdreg $0x60  }
0xb5: {  	[dreg:$0x2] =	wrdreg s15  }
0xb6: {  	[dreg:$0x3] =	wrdreg s4  }
0xb7: {  	[dreg:$0x4] =	wrdreg s17  }
0xb8: {  	[dreg:$0x5] =	wrdreg s16  }
0xb9: {  	[dreg:$0x6] =	wrdreg s18  }
0xba: {  	[dreg:$0x7] =	wrdreg s24  }
0xbb: {  	[dreg:$0x8] =	wrdreg $0x9  }
0xbc: {  	_ =	task.clear_ibuf [dreg:s11], $0x9FFFF;
	_ =	strace $0x90000046  }
0xbd: {  	s29 =	simm.s32 $0x9;
	_ =	strace $0x80000048  }
0xbe: {  	_ =	swait.ge [sflag:s29], $0x1  }
0xbf: {  	[sflag:s29] =	ssyncadd.s32 $0xFFFFFFFF  }
0xc0: {  	_ =	strace $0x90000048  }
0xc1: {  	_ =	sfence  }
0xc2: {  	s30 =	sld [smem:$0x0];
	_ =	sdelay $0x2  }
0xc3: {  	s31 =	sshll.u32 s1, $0xD;
	s1 =	sshrl.u32 s1, $0x2  }
0xc4: {  	s3 =	sand.u32 $0x4000, s31;
	s1 =	sadd.s32 s1, s30  }
0xc5: {  	s0 =	sor.u32 s3, s0;
	s1 =	sshll.u32 s1, $0x11  }
0xc6: {  	s0 =	sor.u32 s1, s0  }
0xc7: {  	s0 =	sadd.s32 $0x8F2B, s0  }
0xc8: {  	[sflag:s0] =	ssyncadd.remote.s32 $0x1  }
0xc9: {  	_ =	sfence.sel $0xFFFF  }
0xca: {  	[dreg:$0x0] =	wrdreg $0xFFFFFFFF;
	(pc) =	sbr.abs _section_cstart, $3  }
0xcb: {  	[dreg:$0x1] =	wrdreg $0xFFFFFFFF  }
0xcc: {  	_ =	task.clear_ibuf [dreg:s11], $0x2FFFF;
	_ =	strace $0x9FFFFFFF  }
0xcd: {  	(tm) =	ssettm $0x7FFFFFFF  }
tec
execute0_lowered:
.L_overlay_start_1:
0x0: {  	(tag) =	ssettag $0x1  }
0x1: {  	s0 =	rddreg [dreg:$0x0]  }
0x2: {  	s1 =	rddreg [dreg:$0x1]  }
0x3: {  	s5 =	rddreg [dreg:$0x2]  }
0x4: {  	s6 =	rddreg [dreg:$0x3];
	s3 =	srdreg.scid;
	v0 =	vlaneseq.u32  }
0x5: {  	s2 =	rddreg [dreg:$0x4];
	s10 =	sand.u32 $0x1, s3;
	s3 =	simm.s32 $0x0;
	v4 =	vmul.u32 $0x10, v0  }
0x6: {  	s9 =	stileid.u32;
	[smem:$0x7FF] =	sst s3  }
0x7: {  	s4 =	rddreg [dreg:$0x5];
	s28 =	simm.s32 $0x13E30;
	_ =	strace $0x80000047;
	v5 =	vor.u32 $0x1, v4;
	[tilespmem:$0x1FF40] =	vst v4  }
0x8: {  	s19 =	simm.s32 $0x1;
	s20 =	simm.s32 $0x1BB30;
	s21 =	simm.s32 $0x8;
	v6 =	vor.u32 $0x2, v4;
	[tilespmem:$0x1FF50] =	vst v5  }
0x9: {  	s22 =	simm.s32 $0x2;
	s23 =	simm.s32 $0x50;
	s31 =	simm.s32 $0x11620;
	v7 =	vor.u32 $0x3, v4;
	[tilespmem:$0x1FF60] =	vst v6  }
0xa: {  	s24 =	simm.s32 $0x0;
	s7 =	sshll.u32 s9, $0x1;
	s11 =	smul.u32 $0x2710, s9;
	v8 =	vor.u32 $0x4, v4;
	[tilespmem:$0x1FF70] =	vst v7  }
0xb: {  	s4 =	sadd.s32 $0xA00, s4;
	s12 =	sadd.s32 $0x7D0, s1;
	s30 =	smul.u32 $0x13880, s10;
	v9 =	vor.u32 $0x5, v4;
	[tilespmem:$0x1FF80] =	vst v8  }
0xc: {  	s7 =	sor.u32 s10, s7;
	s8 =	ssub.s32 $0x2, s10;
	s10 =	smul.u32 $0x9C400, s10;
	v10 =	vor.u32 $0x6, v4;
	[tilespmem:$0x1FF90] =	vst v9  }
0xd: {  	s7 =	smul.u32 $0x2710, s7;
	s25 =	sshrl.u32 s8, $0x1;
	s29 =	sadd.s32 s0, s11;
	v11 =	vor.u32 $0x7, v4;
	[tilespmem:$0x1FFA0] =	vst v10  }
0xe: {  	s11 =	sadd.s32 s1, s11;
	v12 =	vor.u32 $0x8, v4;
	s16 =	ssub.s32 s8, s25;
	[dreg:$0x8] =	wrdreg s29;
	[tilespmem:$0x1FFB0] =	vst v11  }
0xf: {  	v13 =	vor.u32 $0x9, v4;
	s13 =	sadd.s32 s2, s30;
	s14 =	sadd.s32 s4, s30;
	[tilespmem:$0x1FFC0] =	vst v12;
	s15 =	sshrl.u32 s7, $0x3  }
0x10: {  	v14 =	vor.u32 $0xA, v4;
	s8 =	simm.s32 $0x2710;
	[tilespmem:$0x1FFD0] =	vst v13;
	s7 =	smul.u32 $0x271, s9;
	s5 =	sadd.s32 s5, s15  }
0x11: {  	v15 =	vor.u32 $0xB, v4;
	v55 =	vor.u32 $0xC, v4;
	[tilespmem:$0x1FFE0] =	vst v14;
	s9 =	sadd.s32 $0x7D0, s0;
	s16 =	smax.u32 s16, $0x1;
	s26 =	sadd.s32 $0x9C40, s5  }
0x12: {  	v56 =	vor.u32 $0xD, v4;
	v57 =	vor.u32 $0xE, v4;
	v58 =	vor.u32 $0xF, v4;
	[tilespmem:$0x1FFF0] =	vst v15;
	s0 =	simm.s32 $0x9;
	s15 =	sadd.s32 s6, s15;
	[dreg:$0x7] =	wrdreg s26  }
.LBB2_1:
0x13: {  	[tilespmem:s3], [sflag:$0x1] =	stream.linear.gather [hbm4b:s5+s3], $0x2710, $0x38;
	[tilespmem:$0x1DA70] =	vst v63  }
0x14: {  	s1 =	rddreg [dreg:$0x7]  }
0x15: {  	[tilespmem:s8], [sflag:$0x2] =	stream.linear.gather [hbm4b:s1+s3], $0x2710, $0x38;
	[tilespmem:$0x1DA70] =	vst v63  }
0x16: {  	s30 =	rddreg [dreg:$0x8];
	p0 =	por $0x0, $0x0;
	s1 =	simm.s32 $0x0  }
0x17: {  	[tilespmem:s28], [sflag:$0x6] =	stream.linear.gather [hbm4b:s30+s3], $0x3E80, $0x38;
	[tilespmem:$0x1DA70] =	vst v63  }
.LBB2_2:
0x18: {  	s6 =	sand.u32 $0x1, s1;
	p1 =	seq.s32 s1, $0x4  }
0x19: {  	s17 =	smul.u32 $0x7D, s1;
	s18 =	sxor.u32 @!p1 $0x1, s6;
	s6 =	sor.u32 $0x6, s6  }
0x1a: {  	s25 =	smul.u32 @!p1 $0xFA00, s18;
	_ =	swait.ge [sflag:s6], $0x3E80  }
0x1b: {  	s26 =	simm.s32 @!p1 $0x0;
	s17 =	sadd.s32 s7, s17;
	[sflag:s6] =	ssyncset.done $0x0  }
0x1c: {  	s25 =	sshrl.u32 @!p1 s25, $0x2;
	[sflag:s6] =	ssyncadd.s32 $0xFFFFC180;
	s6 =	sshll.u32 @!p1 s17, $0x4  }
0x1d: {  	s18 =	sor.u32 @!p1 $0x6, s18;
	s25 =	sadd.s32 @!p1 $0x13E30, s25;
	s6 =	sadd.s32 @!p1 s6, s9  }
0x1e: {  	[tilespmem:s25], [sflag:s18] =	stream.linear.gather @!p1 [hbm4b:s6+s26], $0x3E80, $0x38;
	[tilespmem:$0x1DA70] =	vst v63  }
0x1f: {  	s6 =	simm.s32 $0x1  }
0x20: {  	p2 =	seq.s32 @!p1 s1, $0x0;
	s6 =	simm.s32 @!p0 $0x0  }
0x21: {  	p1 =	por p1, !p2;
	s6 =	smul.u32 $0xFA00, s6  }
0x22: {  	_ =	swait.ge @p1 [sflag:s21], $0x1F40  }
0x23: {  	[sflag:s21] =	ssyncset.done @p1 $0x0;
	s6 =	sshrl.u32 s6, $0x2  }
0x24: {  	[sflag:s21] =	ssyncadd.s32 @p1 $0xFFFFE0C0;
	s6 =	sadd.s32 $0x13F70, s6  }
0x25: {  	v30 =	vld [tilespmem:s6+$0xFFFFFEC0]  }
0x26: {  	v16 =	vld [tilespmem:s6+$0xA0]  }
0x27: {  	v17 =	vld [tilespmem:s6+$0x60]  }
0x28: {  	v18 =	vld [tilespmem:s6+$0x90]  }
0x29: {  	v19 =	vld [tilespmem:s6+$0x50]  }
0x2a: {  	v20 =	vld [tilespmem:s6+$0x80]  }
0x2b: {  	v21 =	vld [tilespmem:s6+$0x40]  }
0x2c: {  	v22 =	vld [tilespmem:s6+$0x30]  }
0x2d: {  	v23 =	vld [tilespmem:s6+$0xFFFFFFF0]  }
0x2e: {  	v24 =	vld [tilespmem:s6+$0x20]  }
0x2f: {  	v25 =	vld [tilespmem:s6+$0xFFFFFFE0]  }
0x30: {  	v26 =	vld [tilespmem:s6+$0x10]  }
0x31: {  	v27 =	vld [tilespmem:s6+$0xFFFFFFD0]  }
0x32: {  	v28 =	vld [tilespmem:s6+$0x0]  }
0x33: {  	v29 =	vld [tilespmem:s6+$0xFFFFFFC0]  }
0x34: {  	v31 =	vld [tilespmem:s6+$0xFFFFFFB0]  }
0x35: {  	v32 =	vld [tilespmem:s6+$0xFFFFFF70]  }
0x36: {  	v33 =	vld [tilespmem:s6+$0xFFFFFFA0]  }
0x37: {  	v34 =	vld [tilespmem:s6+$0xFFFFFF60]  }
0x38: {  	v35 =	vld [tilespmem:s6+$0xFFFFFF90]  }
0x39: {  	v36 =	vld [tilespmem:s6+$0xFFFFFF50]  }
0x3a: {  	v37 =	vld [tilespmem:s6+$0xFFFFFF80]  }
0x3b: {  	v38 =	vld [tilespmem:s6+$0xFFFFFF40]  }
0x3c: {  	v39 =	vld [tilespmem:s6+$0xFFFFFF30]  }
0x3d: {  	v40 =	vld [tilespmem:s6+$0xFFFFFEF0]  }
0x3e: {  	v41 =	vld [tilespmem:s6+$0xFFFFFF10]  }
0x3f: {  	v42 =	vld [tilespmem:s6+$0xFFFFFED0]  }
0x40: {  	v43 =	vld [tilespmem:s6+$0xB0]  }
0x41: {  	v44 =	vld [tilespmem:s6+$0x70]  }
0x42: {  	v45 =	vld [tilespmem:s6+$0xFFFFFEE0]  }
0x43: {  	v46 =	vld [tilespmem:s6+$0x100]  }
0x44: {  	v47 =	vld [tilespmem:s6+$0x110]  }
0x45: {  	v48 =	vld [tilespmem:s6+$0x120]  }
0x46: {  	v49 =	vld [tilespmem:s6+$0x130]  }
0x47: {  	v50 =	vld [tilespmem:s6+$0xF0]  }
0x48: {  	v51 =	vld [tilespmem:s6+$0xE0]  }
0x49: {  	v52 =	vld [tilespmem:s6+$0xD0]  }
0x4a: {  	v63 =	vld [tilespmem:s6+$0xFFFFFF00]  }
0x4b: {  	v53 =	vld [tilespmem:s6+$0xC0];
	v16 =	vpack.i.f32.bf16 v16, v17;
	v17 =	vpack.i.f32.bf16 v18, v19  }
0x4c: {  	s26 =	simm.s32 $0x0;
	v54 =	vld [tilespmem:s6+$0xFFFFFF20];
	v18 =	vpack.i.f32.bf16 v20, v21;
	v19 =	vpack.i.f32.bf16 v22, v23;
	v22 =	vpack.i.f32.bf16 v49, v50  }
0x4d: {  	v20 =	vpack.i.f32.bf16 v24, v25;
	v21 =	vpack.i.f32.bf16 v26, v27;
	v24 =	vpack.i.f32.bf16 v48, v51;
	[tilespmem:s26+$0x1BC60] =	vst v22  }
0x4e: {  	v23 =	vpack.i.f32.bf16 v31, v32;
	v26 =	vpack.i.f32.bf16 v47, v52;
	v25 =	vpack.i.f32.bf16 v35, v36;
	[tilespmem:s26+$0x1BC50] =	vst v24  }
0x4f: {  	v27 =	vpack.i.f32.bf16 v39, v40;
	v31 =	vpack.i.f32.bf16 v43, v44;
	v30 =	vpack.i.f32.bf16 v63, v30;
	[tilespmem:s26+$0x1BC40] =	vst v26  }
0x50: {  	v22 =	vpack.i.f32.bf16 v28, v29;
	v24 =	vpack.i.f32.bf16 v33, v34;
	v28 =	vpack.i.f32.bf16 v46, v53;
	[tilespmem:s26+$0x1BC20] =	vst v31  }
0x51: {  	s1 =	sadd.s32 $0x1, s1;
	s18 =	simm.s32 $0x500;
	v26 =	vpack.i.f32.bf16 v37, v38;
	v29 =	vpack.i.f32.bf16 v54, v45;
	[tilespmem:s26+$0x1BC30] =	vst v28;
	v28 =	vpack.i.f32.bf16 v41, v42  }
.LBB2_3:
0x52: {  	p1 =	sne.s32 s18, $0x7800  }
0x53: {  	[tilespmem:s26+$0x1BC10] =	vst v16;
	s6 =	sadd.s32 $0x280, s6;
	s25 =	smov.u32 s18;
	s18 =	sadd.s32 $0x500, s18  }
0x54: {  	[tilespmem:s26+$0x1BC00] =	vst v17  }
0x55: {  	[tilespmem:s26+$0x1BBF0] =	vst v18  }
0x56: {  	[tilespmem:s26+$0x1BBE0] =	vst v19  }
0x57: {  	[tilespmem:s26+$0x1BBD0] =	vst v20  }
0x58: {  	[tilespmem:s26+$0x1BBC0] =	vst v21  }
0x59: {  	[tilespmem:s26+$0x1BBB0] =	vst v22  }
0x5a: {  	[tilespmem:s26+$0x1BBA0] =	vst v23  }
0x5b: {  	[tilespmem:s26+$0x1BB90] =	vst v24  }
0x5c: {  	[tilespmem:s26+$0x1BB80] =	vst v25  }
0x5d: {  	[tilespmem:s26+$0x1BB70] =	vst v26  }
0x5e: {  	[tilespmem:s26+$0x1BB60] =	vst v27  }
0x5f: {  	[tilespmem:s26+$0x1BB40] =	vst v28  }
0x60: {  	[tilespmem:s26+$0x1BB50] =	vst v29  }
0x61: {  	[tilespmem:s26+$0x1BB30] =	vst v30  }
0x62: {  	v30 =	vld [tilespmem:s6+$0xFFFFFEC0]  }
0x63: {  	v16 =	vld [tilespmem:s6+$0xA0]  }
0x64: {  	v17 =	vld [tilespmem:s6+$0x60]  }
0x65: {  	v18 =	vld [tilespmem:s6+$0x90]  }
0x66: {  	v19 =	vld [tilespmem:s6+$0x50]  }
0x67: {  	v20 =	vld [tilespmem:s6+$0x80]  }
0x68: {  	v21 =	vld [tilespmem:s6+$0x40]  }
0x69: {  	v22 =	vld [tilespmem:s6+$0x30];
	v16 =	vpack.i.f32.bf16 v16, v17  }
0x6a: {  	v23 =	vld [tilespmem:s6+$0xFFFFFFF0]  }
0x6b: {  	v24 =	vld [tilespmem:s6+$0x20];
	v17 =	vpack.i.f32.bf16 v18, v19  }
0x6c: {  	v25 =	vld [tilespmem:s6+$0xFFFFFFE0]  }
0x6d: {  	v26 =	vld [tilespmem:s6+$0x10];
	v18 =	vpack.i.f32.bf16 v20, v21  }
0x6e: {  	v21 =	vld [tilespmem:s6+$0xFFFFFFD0]  }
0x6f: {  	v27 =	vld [tilespmem:s6+$0x0];
	v19 =	vpack.i.f32.bf16 v22, v23  }
0x70: {  	v22 =	vld [tilespmem:s6+$0xFFFFFFC0]  }
0x71: {  	v23 =	vld [tilespmem:s6+$0xFFFFFFB0];
	v20 =	vpack.i.f32.bf16 v24, v25  }
0x72: {  	v24 =	vld [tilespmem:s6+$0xFFFFFF70]  }
0x73: {  	v25 =	vld [tilespmem:s6+$0xFFFFFFA0];
	v21 =	vpack.i.f32.bf16 v26, v21  }
0x74: {  	v26 =	vld [tilespmem:s6+$0xFFFFFF60]  }
0x75: {  	v28 =	vld [tilespmem:s6+$0xFFFFFF90];
	v22 =	vpack.i.f32.bf16 v27, v22  }
0x76: {  	v27 =	vld [tilespmem:s6+$0xFFFFFF50]  }
0x77: {  	v29 =	vld [tilespmem:s6+$0xFFFFFF80];
	v23 =	vpack.i.f32.bf16 v23, v24  }
0x78: {  	v31 =	vld [tilespmem:s6+$0xFFFFFF40]  }
0x79: {  	v32 =	vld [tilespmem:s6+$0xFFFFFF30];
	v24 =	vpack.i.f32.bf16 v25, v26  }
0x7a: {  	v33 =	vld [tilespmem:s6+$0xFFFFFEF0]  }
0x7b: {  	v34 =	vld [tilespmem:s6+$0xFFFFFF10];
	v25 =	vpack.i.f32.bf16 v28, v27  }
0x7c: {  	v28 =	vld [tilespmem:s6+$0xFFFFFED0]  }
0x7d: {  	v26 =	vpack.i.f32.bf16 v29, v31;
	v29 =	vld [tilespmem:s6+$0xB0]  }
0x7e: {  	v31 =	vld [tilespmem:s6+$0x70]  }
0x7f: {  	v35 =	vld [tilespmem:s6+$0xFFFFFEE0];
	v27 =	vpack.i.f32.bf16 v32, v33  }
0x80: {  	v32 =	vld [tilespmem:s6+$0x100]  }
0x81: {  	v28 =	vpack.i.f32.bf16 v34, v28;
	v33 =	vld [tilespmem:s6+$0x110]  }
0x82: {  	v34 =	vld [tilespmem:s6+$0x120]  }
0x83: {  	v31 =	vpack.i.f32.bf16 v29, v31;
	v29 =	vld [tilespmem:s6+$0x130]  }
0x84: {  	v36 =	vld [tilespmem:s6+$0xF0]  }
0x85: {  	v37 =	vld [tilespmem:s6+$0xE0]  }
0x86: {  	v38 =	vld [tilespmem:s6+$0xD0]  }
0x87: {  	v39 =	vld [tilespmem:s6+$0xC0]  }
0x88: {  	v40 =	vld [tilespmem:s6+$0xFFFFFF20]  }
0x89: {  	s26 =	sshra.s32 s25, $0x2;
	v41 =	vld [tilespmem:s6+$0xFFFFFF00];
	v29 =	vpack.i.f32.bf16 v29, v36  }
.Ltmp0:
0x8a: {  	v34 =	vpack.i.f32.bf16 v34, v37;
	[tilespmem:s26+$0x1BC60] =	vst v29;
	(pc) =	sbr.rel @p1 .LBB2_3-.Ltmp0, $4  }
0x8b: {  	v29 =	vpack.i.f32.bf16 v33, v38;
	[tilespmem:s26+$0x1BC50] =	vst v34  }
0x8c: {  	v32 =	vpack.i.f32.bf16 v32, v39;
	[tilespmem:s26+$0x1BC40] =	vst v29  }
0x8d: {  	v29 =	vpack.i.f32.bf16 v40, v35;
	[tilespmem:s26+$0x1BC30] =	vst v32  }
0x8e: {  	v30 =	vpack.i.f32.bf16 v41, v30;
	[tilespmem:s26+$0x1BC20] =	vst v31  }
0x8f: {  	[tilespmem:s26+$0x1BC10] =	vst v16  }
0x90: {  	[tilespmem:s26+$0x1BC00] =	vst v17  }
0x91: {  	[tilespmem:s26+$0x1BBF0] =	vst v18  }
0x92: {  	[tilespmem:s26+$0x1BBE0] =	vst v19  }
0x93: {  	[tilespmem:s26+$0x1BBD0] =	vst v20  }
0x94: {  	[tilespmem:s26+$0x1BBC0] =	vst v21  }
0x95: {  	[tilespmem:s26+$0x1BBB0] =	vst v22  }
0x96: {  	[tilespmem:s26+$0x1BBA0] =	vst v23  }
0x97: {  	[tilespmem:s26+$0x1BB90] =	vst v24  }
0x98: {  	[tilespmem:s26+$0x1BB80] =	vst v25  }
0x99: {  	[tilespmem:s26+$0x1BB70] =	vst v26;
	p1 =	sne.s32 s1, $0x5  }
.Ltmp1:
0x9a: {  	[tilespmem:s26+$0x1BB60] =	vst v27;
	s6 =	sshll.u32 s17, $0x6;
	(pc) =	sbr.rel @p1 .LBB2_2-.Ltmp1, $4  }
0x9b: {  	[tilespmem:s26+$0x1BB40] =	vst v28;
	s6 =	sadd.s32 s10, s6  }
0x9c: {  	[tilespmem:s26+$0x1BB50] =	vst v29;
	s6 =	sshrl.u32 s6, $0x3  }
0x9d: {  	[tilespmem:s26+$0x1BB30] =	vst v30;
	p0 =	por !p0, !p0;
	s6 =	sadd.s32 s2, s6  }
0x9e: {  	[hbm4b:s6+s3] =	stream.linear.scatter [tilespmem:s20], [sflag:$0x8], $0x1F40, $0x38;
	[tilespmem:$0x1DA70] =	vst v63  }
0x9f: {  	_ =	swait.ge [sflag:s21], $0x1F40  }
0xa0: {  	[sflag:s21] =	ssyncset.done $0x0  }
0xa1: {  	s1 =	simm.s32 $0x0;
	p0 =	por $0x0, $0x0;
	[sflag:s21] =	ssyncadd.s32 $0xFFFFE0C0  }
0xa2: {  	[tilespmem:s28], [sflag:$0x6] =	stream.linear.gather [hbm4b:s11+s1], $0x3E80, $0x38;
	[tilespmem:$0x1DA70] =	vst v63  }
.LBB2_6:
0xa3: {  	s6 =	sand.u32 $0x1, s1;
	p1 =	seq.s32 s1, $0x4  }
0xa4: {  	s17 =	smul.u32 $0x7D, s1;
	s18 =	sxor.u32 @!p1 $0x1, s6;
	s6 =	sor.u32 $0x6, s6  }
0xa5: {  	s25 =	smul.u32 @!p1 $0xFA00, s18;
	_ =	swait.ge [sflag:s6], $0x3E80  }
0xa6: {  	s26 =	simm.s32 @!p1 $0x0;
	s17 =	sadd.s32 s7, s17;
	[sflag:s6] =	ssyncset.done $0x0  }
0xa7: {  	s25 =	sshrl.u32 @!p1 s25, $0x2;
	[sflag:s6] =	ssyncadd.s32 $0xFFFFC180;
	s6 =	sshll.u32 @!p1 s17, $0x4  }
0xa8: {  	s18 =	sor.u32 @!p1 $0x6, s18;
	s25 =	sadd.s32 @!p1 $0x13E30, s25;
	s6 =	sadd.s32 @!p1 s6, s12  }
0xa9: {  	[tilespmem:s25], [sflag:s18] =	stream.linear.gather @!p1 [hbm4b:s6+s26], $0x3E80, $0x38;
	[tilespmem:$0x1DA70] =	vst v63  }
0xaa: {  	s6 =	simm.s32 $0x1  }
0xab: {  	p2 =	seq.s32 @!p1 s1, $0x0;
	s6 =	simm.s32 @!p0 $0x0  }
0xac: {  	p1 =	por p1, !p2;
	s6 =	smul.u32 $0xFA00, s6  }
0xad: {  	_ =	swait.ge @p1 [sflag:s21], $0x1F40  }
0xae: {  	[sflag:s21] =	ssyncset.done @p1 $0x0;
	s6 =	sshrl.u32 s6, $0x2  }
0xaf: {  	[sflag:s21] =	ssyncadd.s32 @p1 $0xFFFFE0C0;
	s6 =	sadd.s32 $0x13F70, s6  }
0xb0: {  	v30 =	vld [tilespmem:s6+$0xFFFFFEC0]  }
0xb1: {  	v16 =	vld [tilespmem:s6+$0xA0]  }
0xb2: {  	v17 =	vld [tilespmem:s6+$0x60]  }
0xb3: {  	v18 =	vld [tilespmem:s6+$0x90]  }
0xb4: {  	v19 =	vld [tilespmem:s6+$0x50]  }
0xb5: {  	v20 =	vld [tilespmem:s6+$0x80]  }
0xb6: {  	v21 =	vld [tilespmem:s6+$0x40]  }
0xb7: {  	v22 =	vld [tilespmem:s6+$0x30]  }
0xb8: {  	v23 =	vld [tilespmem:s6+$0xFFFFFFF0]  }
0xb9: {  	v24 =	vld [tilespmem:s6+$0x20]  }
0xba: {  	v25 =	vld [tilespmem:s6+$0xFFFFFFE0]  }
0xbb: {  	v26 =	vld [tilespmem:s6+$0x10]  }
0xbc: {  	v27 =	vld [tilespmem:s6+$0xFFFFFFD0]  }
0xbd: {  	v28 =	vld [tilespmem:s6+$0x0]  }
0xbe: {  	v29 =	vld [tilespmem:s6+$0xFFFFFFC0]  }
0xbf: {  	v31 =	vld [tilespmem:s6+$0xFFFFFFB0]  }
0xc0: {  	v32 =	vld [tilespmem:s6+$0xFFFFFF70]  }
0xc1: {  	v33 =	vld [tilespmem:s6+$0xFFFFFFA0]  }
0xc2: {  	v34 =	vld [tilespmem:s6+$0xFFFFFF60]  }
0xc3: {  	v35 =	vld [tilespmem:s6+$0xFFFFFF90]  }
0xc4: {  	v36 =	vld [tilespmem:s6+$0xFFFFFF50]  }
0xc5: {  	v37 =	vld [tilespmem:s6+$0xFFFFFF80]  }
0xc6: {  	v38 =	vld [tilespmem:s6+$0xFFFFFF40]  }
0xc7: {  	v39 =	vld [tilespmem:s6+$0xFFFFFF30]  }
0xc8: {  	v40 =	vld [tilespmem:s6+$0xFFFFFEF0]  }
0xc9: {  	v41 =	vld [tilespmem:s6+$0xFFFFFF10]  }
0xca: {  	v42 =	vld [tilespmem:s6+$0xFFFFFED0]  }
0xcb: {  	v43 =	vld [tilespmem:s6+$0xB0]  }
0xcc: {  	v44 =	vld [tilespmem:s6+$0x70]  }
0xcd: {  	v45 =	vld [tilespmem:s6+$0xFFFFFEE0]  }
0xce: {  	v46 =	vld [tilespmem:s6+$0x100]  }
0xcf: {  	v47 =	vld [tilespmem:s6+$0x110]  }
0xd0: {  	v48 =	vld [tilespmem:s6+$0x120]  }
0xd1: {  	v49 =	vld [tilespmem:s6+$0x130]  }
0xd2: {  	v50 =	vld [tilespmem:s6+$0xF0]  }
0xd3: {  	v51 =	vld [tilespmem:s6+$0xE0]  }
0xd4: {  	v52 =	vld [tilespmem:s6+$0xD0]  }
0xd5: {  	v63 =	vld [tilespmem:s6+$0xFFFFFF00]  }
0xd6: {  	v53 =	vld [tilespmem:s6+$0xC0];
	v16 =	vpack.i.f32.bf16 v16, v17;
	v17 =	vpack.i.f32.bf16 v18, v19  }
0xd7: {  	s26 =	simm.s32 $0x0;
	v54 =	vld [tilespmem:s6+$0xFFFFFF20];
	v18 =	vpack.i.f32.bf16 v20, v21;
	v19 =	vpack.i.f32.bf16 v22, v23;
	v22 =	vpack.i.f32.bf16 v49, v50  }
0xd8: {  	v20 =	vpack.i.f32.bf16 v24, v25;
	v21 =	vpack.i.f32.bf16 v26, v27;
	v24 =	vpack.i.f32.bf16 v48, v51;
	[tilespmem:s26+$0x1BC60] =	vst v22  }
0xd9: {  	v23 =	vpack.i.f32.bf16 v31, v32;
	v26 =	vpack.i.f32.bf16 v47, v52;
	v25 =	vpack.i.f32.bf16 v35, v36;
	[tilespmem:s26+$0x1BC50] =	vst v24  }
0xda: {  	v27 =	vpack.i.f32.bf16 v39, v40;
	v31 =	vpack.i.f32.bf16 v43, v44;
	v30 =	vpack.i.f32.bf16 v63, v30;
	[tilespmem:s26+$0x1BC40] =	vst v26  }
0xdb: {  	v22 =	vpack.i.f32.bf16 v28, v29;
	v24 =	vpack.i.f32.bf16 v33, v34;
	v28 =	vpack.i.f32.bf16 v46, v53;
	[tilespmem:s26+$0x1BC20] =	vst v31  }
0xdc: {  	s1 =	sadd.s32 $0x1, s1;
	s18 =	simm.s32 $0x500;
	v26 =	vpack.i.f32.bf16 v37, v38;
	v29 =	vpack.i.f32.bf16 v54, v45;
	[tilespmem:s26+$0x1BC30] =	vst v28;
	v28 =	vpack.i.f32.bf16 v41, v42  }
.LBB2_7:
0xdd: {  	p1 =	sne.s32 s18, $0x7800  }
0xde: {  	[tilespmem:s26+$0x1BC10] =	vst v16;
	s6 =	sadd.s32 $0x280, s6;
	s25 =	smov.u32 s18;
	s18 =	sadd.s32 $0x500, s18  }
0xdf: {  	[tilespmem:s26+$0x1BC00] =	vst v17  }
0xe0: {  	[tilespmem:s26+$0x1BBF0] =	vst v18  }
0xe1: {  	[tilespmem:s26+$0x1BBE0] =	vst v19  }
0xe2: {  	[tilespmem:s26+$0x1BBD0] =	vst v20  }
0xe3: {  	[tilespmem:s26+$0x1BBC0] =	vst v21  }
0xe4: {  	[tilespmem:s26+$0x1BBB0] =	vst v22  }
0xe5: {  	[tilespmem:s26+$0x1BBA0] =	vst v23  }
0xe6: {  	[tilespmem:s26+$0x1BB90] =	vst v24  }
0xe7: {  	[tilespmem:s26+$0x1BB80] =	vst v25  }
0xe8: {  	[tilespmem:s26+$0x1BB70] =	vst v26  }
0xe9: {  	[tilespmem:s26+$0x1BB60] =	vst v27  }
0xea: {  	[tilespmem:s26+$0x1BB40] =	vst v28  }
0xeb: {  	[tilespmem:s26+$0x1BB50] =	vst v29  }
0xec: {  	[tilespmem:s26+$0x1BB30] =	vst v30  }
0xed: {  	v30 =	vld [tilespmem:s6+$0xFFFFFEC0]  }
0xee: {  	v16 =	vld [tilespmem:s6+$0xA0]  }
0xef: {  	v17 =	vld [tilespmem:s6+$0x60]  }
0xf0: {  	v18 =	vld [tilespmem:s6+$0x90]  }
0xf1: {  	v19 =	vld [tilespmem:s6+$0x50]  }
0xf2: {  	v20 =	vld [tilespmem:s6+$0x80]  }
0xf3: {  	v21 =	vld [tilespmem:s6+$0x40]  }
0xf4: {  	v22 =	vld [tilespmem:s6+$0x30];
	v16 =	vpack.i.f32.bf16 v16, v17  }
0xf5: {  	v23 =	vld [tilespmem:s6+$0xFFFFFFF0]  }
0xf6: {  	v24 =	vld [tilespmem:s6+$0x20];
	v17 =	vpack.i.f32.bf16 v18, v19  }
0xf7: {  	v25 =	vld [tilespmem:s6+$0xFFFFFFE0]  }
0xf8: {  	v26 =	vld [tilespmem:s6+$0x10];
	v18 =	vpack.i.f32.bf16 v20, v21  }
0xf9: {  	v21 =	vld [tilespmem:s6+$0xFFFFFFD0]  }
0xfa: {  	v27 =	vld [tilespmem:s6+$0x0];
	v19 =	vpack.i.f32.bf16 v22, v23  }
0xfb: {  	v22 =	vld [tilespmem:s6+$0xFFFFFFC0]  }
0xfc: {  	v23 =	vld [tilespmem:s6+$0xFFFFFFB0];
	v20 =	vpack.i.f32.bf16 v24, v25  }
0xfd: {  	v24 =	vld [tilespmem:s6+$0xFFFFFF70]  }
0xfe: {  	v25 =	vld [tilespmem:s6+$0xFFFFFFA0];
	v21 =	vpack.i.f32.bf16 v26, v21  }
0xff: {  	v26 =	vld [tilespmem:s6+$0xFFFFFF60]  }
0x100: {  	v28 =	vld [tilespmem:s6+$0xFFFFFF90];
	v22 =	vpack.i.f32.bf16 v27, v22  }
0x101: {  	v27 =	vld [tilespmem:s6+$0xFFFFFF50]  }
0x102: {  	v29 =	vld [tilespmem:s6+$0xFFFFFF80];
	v23 =	vpack.i.f32.bf16 v23, v24  }
0x103: {  	v31 =	vld [tilespmem:s6+$0xFFFFFF40]  }
0x104: {  	v32 =	vld [tilespmem:s6+$0xFFFFFF30];
	v24 =	vpack.i.f32.bf16 v25, v26  }
0x105: {  	v33 =	vld [tilespmem:s6+$0xFFFFFEF0]  }
0x106: {  	v34 =	vld [tilespmem:s6+$0xFFFFFF10];
	v25 =	vpack.i.f32.bf16 v28, v27  }
0x107: {  	v28 =	vld [tilespmem:s6+$0xFFFFFED0]  }
0x108: {  	v26 =	vpack.i.f32.bf16 v29, v31;
	v29 =	vld [tilespmem:s6+$0xB0]  }
0x109: {  	v31 =	vld [tilespmem:s6+$0x70]  }
0x10a: {  	v35 =	vld [tilespmem:s6+$0xFFFFFEE0];
	v27 =	vpack.i.f32.bf16 v32, v33  }
0x10b: {  	v32 =	vld [tilespmem:s6+$0x100]  }
0x10c: {  	v28 =	vpack.i.f32.bf16 v34, v28;
	v33 =	vld [tilespmem:s6+$0x110]  }
0x10d: {  	v34 =	vld [tilespmem:s6+$0x120]  }
0x10e: {  	v31 =	vpack.i.f32.bf16 v29, v31;
	v29 =	vld [tilespmem:s6+$0x130]  }
0x10f: {  	v36 =	vld [tilespmem:s6+$0xF0]  }
0x110: {  	v37 =	vld [tilespmem:s6+$0xE0]  }
0x111: {  	v38 =	vld [tilespmem:s6+$0xD0]  }
0x112: {  	v39 =	vld [tilespmem:s6+$0xC0]  }
0x113: {  	v40 =	vld [tilespmem:s6+$0xFFFFFF20]  }
0x114: {  	s26 =	sshra.s32 s25, $0x2;
	v41 =	vld [tilespmem:s6+$0xFFFFFF00];
	v29 =	vpack.i.f32.bf16 v29, v36  }
.Ltmp2:
0x115: {  	v34 =	vpack.i.f32.bf16 v34, v37;
	[tilespmem:s26+$0x1BC60] =	vst v29;
	(pc) =	sbr.rel @p1 .LBB2_7-.Ltmp2, $4  }
0x116: {  	v29 =	vpack.i.f32.bf16 v33, v38;
	[tilespmem:s26+$0x1BC50] =	vst v34  }
0x117: {  	v32 =	vpack.i.f32.bf16 v32, v39;
	[tilespmem:s26+$0x1BC40] =	vst v29  }
0x118: {  	v29 =	vpack.i.f32.bf16 v40, v35;
	[tilespmem:s26+$0x1BC30] =	vst v32  }
0x119: {  	v30 =	vpack.i.f32.bf16 v41, v30;
	[tilespmem:s26+$0x1BC20] =	vst v31  }
0x11a: {  	[tilespmem:s26+$0x1BC10] =	vst v16  }
0x11b: {  	[tilespmem:s26+$0x1BC00] =	vst v17  }
0x11c: {  	[tilespmem:s26+$0x1BBF0] =	vst v18  }
0x11d: {  	[tilespmem:s26+$0x1BBE0] =	vst v19  }
0x11e: {  	[tilespmem:s26+$0x1BBD0] =	vst v20  }
0x11f: {  	[tilespmem:s26+$0x1BBC0] =	vst v21  }
0x120: {  	[tilespmem:s26+$0x1BBB0] =	vst v22  }
0x121: {  	[tilespmem:s26+$0x1BBA0] =	vst v23  }
0x122: {  	[tilespmem:s26+$0x1BB90] =	vst v24  }
0x123: {  	[tilespmem:s26+$0x1BB80] =	vst v25  }
0x124: {  	[tilespmem:s26+$0x1BB70] =	vst v26;
	p1 =	sne.s32 s1, $0x5  }
.Ltmp3:
0x125: {  	[tilespmem:s26+$0x1BB60] =	vst v27;
	s6 =	sshll.u32 s17, $0x6;
	(pc) =	sbr.rel @p1 .LBB2_6-.Ltmp3, $4  }
0x126: {  	[tilespmem:s26+$0x1BB40] =	vst v28;
	s6 =	sadd.s32 s10, s6  }
0x127: {  	[tilespmem:s26+$0x1BB50] =	vst v29;
	s6 =	sshrl.u32 s6, $0x3  }
0x128: {  	[tilespmem:s26+$0x1BB30] =	vst v30;
	p0 =	por !p0, !p0;
	s6 =	sadd.s32 s4, s6  }
0x129: {  	[hbm4b:s6+s3] =	stream.linear.scatter [tilespmem:s20], [sflag:$0x8], $0x1F40, $0x38;
	[tilespmem:$0x1DA70] =	vst v63  }
0x12a: {  	_ =	swait.ge [sflag:s21], $0x1F40  }
0x12b: {  	[sflag:s21] =	ssyncset.done $0x0  }
0x12c: {  	[sflag:s21] =	ssyncadd.s32 $0xFFFFE0C0  }
0x12d: {  	[bflag:$0x0] =	sbarrier.arrive $0xFFFF  }
0x12e: {  	_ =	swait.ge [sflag:s19], $0x2710  }
0x12f: {  	[sflag:s19] =	ssyncset.done $0x0  }
0x130: {  	[sflag:s19] =	ssyncadd.s32 $0xFFFFD8F0  }
0x131: {  	_ =	swait.ge [sflag:s22], $0x2710  }
0x132: {  	[sflag:s22] =	ssyncset.done $0x0  }
0x133: {  	s25 =	simm.s32 $0x0;
	s26 =	simm.s32 $0x4E20;
	[sflag:s22] =	ssyncadd.s32 $0xFFFFD8F0  }
0x134: {  	[tilespmem:s26], [sflag:$0x1] =	stream.indirect.gather [hbm4b:s13+s23], $0x40, s25, s23, $0xb8;
	[tilespmem:$0x1DA70] =	vst v63  }
0x135: {  	s28 =	simm.s32 $0xB220  }
0x136: {  	[tilespmem:s28], [sflag:$0x1] =	stream.indirect.gather [hbm4b:s14+s23], $0x40, s8, s23, $0xb8;
	[tilespmem:$0x1DA70] =	vst v63  }
0x137: {  	s1 =	simm.s32 $0x6220  }
0x138: {  	[tilespmem:s1], [sflag:$0x2] =	stream.indirect.gather [hbm4b:s13+s23], $0x40, s23, s23, $0xb8;
	[tilespmem:$0x1DA70] =	vst v63  }
0x139: {  	s30 =	simm.s32 $0x2760;
	s6 =	simm.s32 $0xC620  }
0x13a: {  	[tilespmem:s6], [sflag:$0x2] =	stream.indirect.gather [hbm4b:s14+s23], $0x40, s30, s23, $0xb8;
	[tilespmem:$0x1DA70] =	vst v63  }
0x13b: {  	s8 =	simm.s32 $0x7620;
	s6 =	simm.s32 $0xA0  }
0x13c: {  	[tilespmem:s8], [sflag:$0x3] =	stream.indirect.gather [hbm4b:s13+s23], $0x40, s6, s23, $0xb8;
	[tilespmem:$0x1DA70] =	vst v63  }
0x13d: {  	s17 =	simm.s32 $0x27B0;
	s18 =	simm.s32 $0xDA20  }
0x13e: {  	[tilespmem:s18], [sflag:$0x3] =	stream.indirect.gather [hbm4b:s14+s23], $0x40, s17, s23, $0xb8;
	[tilespmem:$0x1DA70] =	vst v63  }
0x13f: {  	s29 =	simm.s32 $0xF0;
	s30 =	simm.s32 $0x8A20  }
0x140: {  	[tilespmem:s30], [sflag:$0x4] =	stream.indirect.gather [hbm4b:s13+s23], $0x40, s29, s23, $0xb8;
	[tilespmem:$0x1DA70] =	vst v63  }
0x141: {  	s6 =	simm.s32 $0x2800;
	s8 =	simm.s32 $0xEE20  }
0x142: {  	[tilespmem:s8], [sflag:$0x4] =	stream.indirect.gather [hbm4b:s14+s23], $0x40, s6, s23, $0xb8;
	[tilespmem:$0x1DA70] =	vst v63  }
0x143: {  	s17 =	simm.s32 $0x140;
	s18 =	simm.s32 $0x9E20  }
0x144: {  	[tilespmem:s18], [sflag:$0x5] =	stream.indirect.gather [hbm4b:s13+s23], $0x40, s17, s23, $0xb8;
	[tilespmem:$0x1DA70] =	vst v63  }
0x145: {  	s29 =	simm.s32 $0x2850;
	s30 =	simm.s32 $0x10220;
	s17 =	simm.s32 $0x11720  }
0x146: {  	[tilespmem:s30], [sflag:$0x5] =	stream.indirect.gather [hbm4b:s14+s23], $0x40, s29, s23, $0xb8;
	[tilespmem:$0x1DA70] =	vst v63  }
.LBB2_10:
0x147: {  	s1 =	smul.u32 $0xCD, s25;
	_ =	sdelay $0x1  }
0x148: {  	s1 =	sshrl.u32 s1, $0xA  }
0x149: {  	s6 =	smulhi.u32 $0xCCCCCCCD, s25;
	s1 =	sand.u32 $0x3F, s1  }
0x14a: {  	s1 =	smul.u32 $0x5, s1;
	_ =	sdelay $0x1  }
0x14b: {  	s6 =	sshrl.u32 s6, $0x2;
	s1 =	ssub.s32 s25, s1  }
0x14c: {  	s6 =	smul.u32 $0xFFFE7000, s6;
	s1 =	sand.u32 $0xFF, s1  }
0x14d: {  	s30 =	sadd.s32 $0x1, s1  }
0x14e: {  	s6 =	sshra.s32 s6, $0x2;
	_ =	swait.ge [sflag:s30], $0x1400  }
0x14f: {  	s18 =	sadd.s32 s6, s28;
	s6 =	sadd.s32 s6, s26;
	[sflag:s30] =	ssyncset.done $0x0  }
0x150: {  	v16 =	vmov s6;
	[sflag:s30] =	ssyncadd.s32 $0xFFFFEC00  }
0x151: {  	v17 =	vmov s18;
	_ =	swait.ge [sflag:s30], $0x1400  }
0x152: {  	s29 =	smov.u32 s17;
	[sflag:s30] =	ssyncset.done $0x0  }
0x153: {  	s18 =	simm.s32 $0x0;
	s1 =	smul.u32 $0x1400, s1;
	[sflag:s30] =	ssyncadd.s32 $0xFFFFEC00  }
.LBB2_11:
0x154: {  	s6 =	sshra.s32 s18, $0x2  }
0x155: {  	v18 =	vld.idx.msk [tilespmem:v16+s6+$0x0 ss:$0x1], $0xffff  }
0x156: {  	v19 =	vld.idx.msk [tilespmem:v17+s6+$0x0 ss:$0x1], $0xffff  }
0x157: {  	v20 =	vld.idx.msk [tilespmem:v16+s6+$0x10 ss:$0x1], $0xffff  }
0x158: {  	v21 =	vld.idx.msk [tilespmem:v17+s6+$0x10 ss:$0x1], $0xffff  }
0x159: {  	v22 =	vld.idx.msk [tilespmem:v16+s6+$0x20 ss:$0x1], $0xffff  }
0x15a: {  	v23 =	vld.idx.msk [tilespmem:v17+s6+$0x20 ss:$0x1], $0xffff  }
0x15b: {  	v24 =	vld.idx.msk [tilespmem:v16+s6+$0x30 ss:$0x1], $0xffff  }
0x15c: {  	v25 =	vld.idx.msk [tilespmem:v17+s6+$0x30 ss:$0x1], $0xffff  }
0x15d: {  	v26 =	vld.idx.msk [tilespmem:v16+s6+$0x40 ss:$0x1], $0xffff  }
0x15e: {  	v27 =	vld.idx.msk [tilespmem:v17+s6+$0x40 ss:$0x1], $0xffff  }
0x15f: {  	v28 =	vld.idx.msk [tilespmem:v16+s6+$0x50 ss:$0x1], $0xffff  }
0x160: {  	v29 =	vld.idx.msk [tilespmem:v17+s6+$0x50 ss:$0x1], $0xffff  }
0x161: {  	v30 =	vld.idx.msk [tilespmem:v16+s6+$0x60 ss:$0x1], $0xffff  }
0x162: {  	v31 =	vld.idx.msk [tilespmem:v17+s6+$0x60 ss:$0x1], $0xffff  }
0x163: {  	v0 =	vld.idx.msk [tilespmem:v16+s6+$0x70 ss:$0x1], $0xffff  }
0x164: {  	v8 =	vld.idx.msk [tilespmem:v17+s6+$0x70 ss:$0x1], $0xffff  }
0x165: {  	v34 =	vld.idx.msk [tilespmem:v16+s6+$0x80 ss:$0x1], $0xffff  }
0x166: {  	v35 =	vld.idx.msk [tilespmem:v17+s6+$0x80 ss:$0x1], $0xffff  }
0x167: {  	v36 =	vld.idx.msk [tilespmem:v16+s6+$0x90 ss:$0x1], $0xffff  }
0x168: {  	v37 =	vld.idx.msk [tilespmem:v17+s6+$0x90 ss:$0x1], $0xffff  }
0x169: {  	v38 =	vld.idx.msk [tilespmem:v16+s6+$0xA0 ss:$0x1], $0xffff  }
0x16a: {  	v39 =	vld.idx.msk [tilespmem:v17+s6+$0xA0 ss:$0x1], $0xffff  }
0x16b: {  	v40 =	vld.idx.msk [tilespmem:v16+s6+$0xB0 ss:$0x1], $0xffff  }
0x16c: {  	v41 =	vld.idx.msk [tilespmem:v17+s6+$0xB0 ss:$0x1], $0xffff  }
0x16d: {  	v42 =	vld.idx.msk [tilespmem:v16+s6+$0xC0 ss:$0x1], $0xffff  }
0x16e: {  	v43 =	vld.idx.msk [tilespmem:v17+s6+$0xC0 ss:$0x1], $0xffff  }
0x16f: {  	v44 =	vld.idx.msk [tilespmem:v16+s6+$0xD0 ss:$0x1], $0xffff  }
0x170: {  	v45 =	vld.idx.msk [tilespmem:v17+s6+$0xD0 ss:$0x1], $0xffff  }
0x171: {  	v46 =	vld.idx.msk [tilespmem:v16+s6+$0xE0 ss:$0x1], $0xffff  }
0x172: {  	v47 =	vld.idx.msk [tilespmem:v17+s6+$0xE0 ss:$0x1], $0xffff  }
0x173: {  	v9 =	vld.idx.msk [tilespmem:v16+s6+$0xF0 ss:$0x1], $0xffff  }
0x174: {  	v49 =	vld.idx.msk [tilespmem:v17+s6+$0xF0 ss:$0x1], $0xffff  }
0x175: {  	v50 =	vld.idx.msk [tilespmem:v16+s6+$0x100 ss:$0x1], $0xffff  }
0x176: {  	v51 =	vld.idx.msk [tilespmem:v17+s6+$0x100 ss:$0x1], $0xffff  }
0x177: {  	v52 =	vld.idx.msk [tilespmem:v16+s6+$0x110 ss:$0x1], $0xffff  }
0x178: {  	v53 =	vld.idx.msk [tilespmem:v17+s6+$0x110 ss:$0x1], $0xffff  }
0x179: {  	v54 =	vld.idx.msk [tilespmem:v16+s6+$0x120 ss:$0x1], $0xffff  }
0x17a: {  	v10 =	vld.idx.msk [tilespmem:v16+s6+$0x130 ss:$0x1], $0xffff  }
0x17b: {  	v11 =	vld.idx.msk [tilespmem:v17+s6+$0x130 ss:$0x1], $0xffff  }
0x17c: {  	v14 =	vld.idx.msk [tilespmem:v16+s6+$0x140 ss:$0x1], $0xffff  }
0x17d: {  	v59 =	vld.idx.msk [tilespmem:v17+s6+$0x140 ss:$0x1], $0xffff  }
0x17e: {  	v60 =	vld.idx.msk [tilespmem:v16+s6+$0x150 ss:$0x1], $0xffff  }
0x17f: {  	v61 =	vld.idx.msk [tilespmem:v17+s6+$0x150 ss:$0x1], $0xffff  }
0x180: {  	v12 =	vld.idx.msk [tilespmem:v16+s6+$0x160 ss:$0x1], $0xffff  }
0x181: {  	v13 =	vld.idx.msk [tilespmem:v17+s6+$0x160 ss:$0x1], $0xffff  }
0x182: {  	v32 =	vld.idx.msk [tilespmem:v16+s6+$0x170 ss:$0x1], $0xffff  }
0x183: {  	v33 =	vld.idx.msk [tilespmem:v17+s6+$0x170 ss:$0x1], $0xffff  }
0x184: {  	v2 =	vld.idx.msk [tilespmem:v16+s6+$0x180 ss:$0x1], $0xffff  }
0x185: {  	v3 =	vld.idx.msk [tilespmem:v17+s6+$0x180 ss:$0x1], $0xffff  }
0x186: {  	v4 =	vld.idx.msk [tilespmem:v16+s6+$0x190 ss:$0x1], $0xffff  }
0x187: {  	v5 =	vld.idx.msk [tilespmem:v17+s6+$0x190 ss:$0x1], $0xffff  }
0x188: {  	v15 =	vld.idx.msk [tilespmem:v16+s6+$0x1A0 ss:$0x1], $0xffff  }
0x189: {  	v7 =	vld.idx.msk [tilespmem:v17+s6+$0x1A0 ss:$0x1], $0xffff  }
0x18a: {  	v48 =	vld.idx.msk [tilespmem:v16+s6+$0x1B0 ss:$0x1], $0xffff  }
0x18b: {  	v62 =	vld.idx.msk [tilespmem:v17+s6+$0x1B0 ss:$0x1], $0xffff  }
0x18c: {  	v63 =	vld.idx.msk [tilespmem:v16+s6+$0x1E0 ss:$0x1], $0xffff  }
0x18d: {  	v6 =	vld.idx.msk [tilespmem:v17+s6+$0x1E0 ss:$0x1], $0xffff  }
0x18e: {  	v1 =	vld.idx.msk [tilespmem:v16+s6+$0x290 ss:$0x1], $0xffff  }
0x18f: {  	[tilespmem:$0x1FD20] =	vst v9;
	v9 =	vld.idx.msk [tilespmem:v17+s6+$0x120 ss:$0x1], $0xffff  }
0x190: {  	[tilespmem:$0x1FD30] =	vst v10;
	v10 =	vld.idx.msk [tilespmem:v16+s6+$0x1C0 ss:$0x1], $0xffff  }
0x191: {  	[tilespmem:$0x1FD40] =	vst v11;
	v11 =	vld.idx.msk [tilespmem:v17+s6+$0x1C0 ss:$0x1], $0xffff  }
0x192: {  	[tilespmem:$0x1FD50] =	vst v12;
	v12 =	vld.idx.msk [tilespmem:v16+s6+$0x1D0 ss:$0x1], $0xffff  }
0x193: {  	[tilespmem:$0x1FD60] =	vst v13;
	v13 =	vld.idx.msk [tilespmem:v17+s6+$0x1D0 ss:$0x1], $0xffff  }
0x194: {  	[tilespmem:$0x1FD10] =	vst v8;
	v8 =	vld.idx.msk [tilespmem:v16+s6+$0x1F0 ss:$0x1], $0xffff  }
0x195: {  	[tilespmem:$0x1FD70] =	vst v32;
	v32 =	vld.idx.msk [tilespmem:v17+s6+$0x1F0 ss:$0x1], $0xffff  }
0x196: {  	[tilespmem:$0x1FD80] =	vst v33;
	v33 =	vld.idx.msk [tilespmem:v16+s6+$0x200 ss:$0x1], $0xffff  }
0x197: {  	[tilespmem:$0x1FD90] =	vst v48;
	v48 =	vld.idx.msk [tilespmem:v17+s6+$0x200 ss:$0x1], $0xffff  }
0x198: {  	[tilespmem:$0x1FDA0] =	vst v62;
	v62 =	vld.idx.msk [tilespmem:v16+s6+$0x210 ss:$0x1], $0xffff  }
0x199: {  	[tilespmem:$0x1FDB0] =	vst v63;
	v63 =	vld.idx.msk [tilespmem:v16+s6+$0x220 ss:$0x1], $0xffff  }
0x19a: {  	[tilespmem:$0x1FDC0] =	vst v6;
	v6 =	vld.idx.msk [tilespmem:v17+s6+$0x220 ss:$0x1], $0xffff  }
0x19b: {  	[tilespmem:$0x1FD00] =	vst v0;
	v0 =	vld.idx.msk [tilespmem:v17+s6+$0x290 ss:$0x1], $0xffff  }
0x19c: {  	v18 =	vmul.bf16 v19, v18;
	v19 =	vmul.bf16 v21, v20;
	v20 =	vld.idx.msk [tilespmem:v16+s6+$0x2F0 ss:$0x1], $0xffff  }
0x19d: {  	v21 =	vld.idx.msk [tilespmem:v17+s6+$0x2F0 ss:$0x1], $0xffff;
	v47 =	vmul.bf16 v47, v46  }
0x19e: {  	v46 =	vmul.bf16 v61, v60;
	v61 =	vmul.bf16 v7, v15;
	v7 =	vld.idx.msk [tilespmem:v16+s6+$0x370 ss:$0x1], $0xffff  }
0x19f: {  	v51 =	vmul.bf16 v51, v50;
	v50 =	vld [tilespmem:$0x1FD40];
	v18 =	vadd.bf16 v19, v18;
	v19 =	vmul.bf16 v23, v22  }
0x1a0: {  	v23 =	vmul.bf16 v27, v26;
	v26 =	vmul.bf16 v29, v28;
	v29 =	vld.idx.msk [tilespmem:v16+s6+$0x320 ss:$0x1], $0xffff  }
0x1a1: {  	v18 =	vadd.bf16 v19, v18;
	v19 =	vmul.bf16 v25, v24;
	v24 =	vld.idx.msk [tilespmem:v16+s6+$0x310 ss:$0x1], $0xffff  }
0x1a2: {  	v23 =	vadd.bf16 v26, v23;
	v26 =	vld.idx.msk [tilespmem:v17+s6+$0x310 ss:$0x1], $0xffff  }
0x1a3: {  	v25 =	vmul.bf16 v31, v30;
	v31 =	vld.idx.msk [tilespmem:v17+s6+$0x320 ss:$0x1], $0xffff  }
0x1a4: {  	v30 =	vmul.bf16 v45, v44;
	v44 =	vmul.bf16 v39, v38;
	v39 =	vld.idx.msk [tilespmem:v16+s6+$0x340 ss:$0x1], $0xffff  }
0x1a5: {  	v38 =	vld.idx.msk [tilespmem:v16+s6+$0x350 ss:$0x1], $0xffff  }
0x1a6: {  	v45 =	vmul.bf16 v41, v40;
	v41 =	vld.idx.msk [tilespmem:v17+s6+$0x350 ss:$0x1], $0xffff  }
0x1a7: {  	v40 =	vld.idx.msk [tilespmem:v17+s6+$0x360 ss:$0x1], $0xffff  }
0x1a8: {  	[tilespmem:$0x1FDD0] =	vst v33;
	v33 =	vld.idx.msk [tilespmem:v17+s6+$0x210 ss:$0x1], $0xffff  }
0x1a9: {  	[tilespmem:$0x1FE00] =	vst v8;
	v8 =	vld.idx.msk [tilespmem:v16+s6+$0x230 ss:$0x1], $0xffff  }
0x1aa: {  	[tilespmem:$0x1FE10] =	vst v32;
	v32 =	vld.idx.msk [tilespmem:v17+s6+$0x230 ss:$0x1], $0xffff  }
0x1ab: {  	[tilespmem:$0x1FDE0] =	vst v48;
	v48 =	vld.idx.msk [tilespmem:v16+s6+$0x240 ss:$0x1], $0xffff  }
0x1ac: {  	[tilespmem:$0x1FDF0] =	vst v62;
	v62 =	vld.idx.msk [tilespmem:v17+s6+$0x240 ss:$0x1], $0xffff  }
0x1ad: {  	[tilespmem:$0x1FE20] =	vst v63;
	v63 =	vld.idx.msk [tilespmem:v16+s6+$0x250 ss:$0x1], $0xffff  }
0x1ae: {  	[tilespmem:$0x1FE30] =	vst v6;
	v6 =	vld.idx.msk [tilespmem:v16+s6+$0x260 ss:$0x1], $0xffff  }
0x1af: {  	v37 =	vmul.bf16 v37, v36;
	v36 =	vmul.bf16 v13, v12;
	v12 =	vld.idx.msk [tilespmem:v17+s6+$0x370 ss:$0x1], $0xffff  }
0x1b0: {  	v13 =	vld.idx.msk [tilespmem:v16+s6+$0x380 ss:$0x1], $0xffff  }
0x1b1: {  	v0 =	vmul.bf16 v0, v1;
	v1 =	vld.idx.msk [tilespmem:v17+s6+$0x3A0 ss:$0x1], $0xffff  }
0x1b2: {  	v23 =	vadd.bf16 v25, v23;
	v25 =	vmul.bf16 v43, v42;
	v42 =	vld [tilespmem:$0x1FD00]  }
0x1b3: {  	v43 =	vld [tilespmem:$0x1FD10]  }
0x1b4: {  	v10 =	vmul.bf16 v11, v10;
	v18 =	vadd.bf16 v19, v18;
	v19 =	vmul.bf16 v35, v34;
	v35 =	vld.idx.msk [tilespmem:v16+s6+$0x330 ss:$0x1], $0xffff  }
0x1b5: {  	v15 =	vld [tilespmem:$0x1FE10]  }
0x1b6: {  	v10 =	vadd.bf16 v36, v10;
	v36 =	vld.idx.msk [tilespmem:v17+s6+$0x3B0 ss:$0x1], $0xffff  }
0x1b7: {  	v19 =	vadd.bf16 v37, v19;
	v37 =	vld.idx.msk [tilespmem:v17+s6+$0x330 ss:$0x1], $0xffff  }
0x1b8: {  	v38 =	vmul.bf16 v41, v38;
	v41 =	vld.idx.msk [tilespmem:v17+s6+$0x3F0 ss:$0x1], $0xffff  }
0x1b9: {  	[tilespmem:$0x1FE40] =	vst v48;
	v48 =	vld.idx.msk [tilespmem:v17+s6+$0x250 ss:$0x1], $0xffff  }
0x1ba: {  	[tilespmem:$0x1FE70] =	vst v8;
	v8 =	vld.idx.msk [tilespmem:v17+s6+$0x260 ss:$0x1], $0xffff  }
0x1bb: {  	[tilespmem:$0x1FE80] =	vst v32;
	v32 =	vld.idx.msk [tilespmem:v16+s6+$0x270 ss:$0x1], $0xffff  }
0x1bc: {  	[tilespmem:$0x1FE50] =	vst v62;
	v62 =	vld.idx.msk [tilespmem:v17+s6+$0x270 ss:$0x1], $0xffff  }
0x1bd: {  	v25 =	vadd.bf16 v30, v25;
	[tilespmem:$0x1FE90] =	vst v6;
	v6 =	vld.idx.msk [tilespmem:v17+s6+$0x280 ss:$0x1], $0xffff  }
0x1be: {  	[tilespmem:$0x1FE60] =	vst v63;
	v63 =	vld.idx.msk [tilespmem:v17+s6+$0x2A0 ss:$0x1], $0xffff  }
0x1bf: {  	v25 =	vadd.bf16 v47, v25;
	v47 =	vmul.bf16 v5, v4;
	v4 =	vld.idx.msk [tilespmem:v16+s6+$0x360 ss:$0x1], $0xffff  }
0x1c0: {  	v19 =	vadd.bf16 v44, v19;
	v44 =	vmul.bf16 v9, v54;
	v54 =	vld [tilespmem:$0x1FD70]  }
0x1c1: {  	v34 =	vmul.bf16 v43, v42;
	v43 =	vld [tilespmem:$0x1FD20]  }
0x1c2: {  	v2 =	vmul.bf16 v3, v2;
	v42 =	vmul.bf16 v53, v52;
	v52 =	vld [tilespmem:$0x1FD60]  }
0x1c3: {  	v19 =	vadd.bf16 v45, v19;
	v45 =	vmul.bf16 v59, v14;
	v59 =	vld [tilespmem:$0x1FD80]  }
0x1c4: {  	v2 =	vadd.bf16 v47, v2;
	v47 =	vld [tilespmem:$0x1FDD0]  }
0x1c5: {  	v23 =	vadd.bf16 v34, v23;
	v34 =	vld.idx.msk [tilespmem:v17+s6+$0x340 ss:$0x1], $0xffff  }
0x1c6: {  	v28 =	vadd.bf16 v42, v51;
	v51 =	vld [tilespmem:$0x1FD50]  }
0x1c7: {  	v42 =	vld.idx.msk [tilespmem:v17+s6+$0x390 ss:$0x1], $0xffff  }
0x1c8: {  	[tilespmem:$0x1FEA0] =	vst v8;
	v8 =	vld.idx.msk [tilespmem:v16+s6+$0x280 ss:$0x1], $0xffff  }
0x1c9: {  	[tilespmem:$0x1FEF0] =	vst v32;
	v32 =	vld.idx.msk [tilespmem:v16+s6+$0x2A0 ss:$0x1], $0xffff  }
0x1ca: {  	[tilespmem:$0x1FF00] =	vst v62;
	v62 =	vld.idx.msk [tilespmem:v16+s6+$0x2B0 ss:$0x1], $0xffff  }
0x1cb: {  	[tilespmem:$0x1FEC0] =	vst v63;
	v63 =	vld.idx.msk [tilespmem:v17+s6+$0x2B0 ss:$0x1], $0xffff  }
0x1cc: {  	v28 =	vadd.bf16 v44, v28;
	v44 =	vld [tilespmem:$0x1FDA0]  }
0x1cd: {  	v30 =	vmul.bf16 v49, v43;
	v49 =	vld [tilespmem:$0x1FD30]  }
0x1ce: {  	v43 =	vld [tilespmem:$0x1FD90]  }
0x1cf: {  	v60 =	vmul.bf16 v59, v54;
	v54 =	vld [tilespmem:$0x1FE40]  }
0x1d0: {  	v59 =	vld [tilespmem:$0x1FE70]  }
0x1d1: {  	v25 =	vadd.bf16 v30, v25;
	v30 =	vadd.bf16 v46, v45;
	v45 =	vld [tilespmem:$0x1FDB0]  }
0x1d2: {  	v46 =	vld [tilespmem:$0x1FDC0]  }
0x1d3: {  	v53 =	vmul.bf16 v52, v51;
	v51 =	vld [tilespmem:$0x1FE00]  }
0x1d4: {  	v52 =	vld [tilespmem:$0x1FE30]  }
0x1d5: {  	[tilespmem:$0x1FF10] =	vst v62;
	v62 =	vld.idx.msk [tilespmem:v16+s6+$0x2C0 ss:$0x1], $0xffff  }
0x1d6: {  	[tilespmem:$0x1FF20] =	vst v63;
	v63 =	vld.idx.msk [tilespmem:v17+s6+$0x2C0 ss:$0x1], $0xffff  }
0x1d7: {  	[tilespmem:$0x1FEB0] =	vst v32;
	v32 =	vld.idx.msk [tilespmem:v17+s6+$0x2D0 ss:$0x1], $0xffff  }
0x1d8: {  	v5 =	vmul.bf16 v50, v49;
	v49 =	vld [tilespmem:$0x1FDE0]  }
0x1d9: {  	v50 =	vld [tilespmem:$0x1FDF0];
	v11 =	vmul.bf16 v46, v45  }
0x1da: {  	v30 =	vadd.bf16 v53, v30;
	v3 =	vmul.bf16 v44, v43;
	v44 =	vld [tilespmem:$0x1FEA0]  }
0x1db: {  	v10 =	vadd.bf16 v11, v10;
	v11 =	vmul.bf16 v15, v51;
	v15 =	vld [tilespmem:$0x1FE20]  }
0x1dc: {  	v9 =	vadd.bf16 v60, v30;
	v30 =	vld.idx.msk [tilespmem:v16+s6+$0x390 ss:$0x1], $0xffff  }
0x1dd: {  	v60 =	vld [tilespmem:$0x1FE80]  }
0x1de: {  	v5 =	vadd.bf16 v5, v28;
	v28 =	vld.idx.msk [tilespmem:v17+s6+$0x380 ss:$0x1], $0xffff  }
0x1df: {  	v45 =	vld [tilespmem:$0x1FEB0]  }
0x1e0: {  	v2 =	vadd.bf16 v61, v2;
	v53 =	vmul.bf16 v52, v15;
	v15 =	vld [tilespmem:$0x1FE50]  }
0x1e1: {  	v46 =	vld [tilespmem:$0x1FEC0]  }
0x1e2: {  	v2 =	vadd.bf16 v3, v2;
	[tilespmem:$0x1FEE0] =	vst v63;
	v63 =	vld.idx.msk [tilespmem:v16+s6+$0x2D0 ss:$0x1], $0xffff  }
0x1e3: {  	[tilespmem:$0x1FED0] =	vst v62;
	v62 =	vld.idx.msk [tilespmem:v16+s6+$0x2E0 ss:$0x1], $0xffff;
	v3 =	vmul.bf16 v49, v47;
	v14 =	vmul.bf16 v33, v50  }
0x1e4: {  	v51 =	vld.idx.msk [tilespmem:v17+s6+$0x3C0 ss:$0x1], $0xffff  }
0x1e5: {  	v3 =	vadd.bf16 v14, v3;
	v14 =	vmul.bf16 v15, v54;
	v15 =	vld [tilespmem:$0x1FE60]  }
0x1e6: {  	v33 =	vld.idx.msk [tilespmem:v16+s6+$0x3A0 ss:$0x1], $0xffff  }
0x1e7: {  	v47 =	vld [tilespmem:$0x1FED0]  }
0x1e8: {  	v49 =	vld.idx.msk [tilespmem:v16+s6+$0x3C0 ss:$0x1], $0xffff  }
0x1e9: {  	v20 =	vmul.bf16 v21, v20;
	v50 =	vld [tilespmem:$0x1FF00]  }
0x1ea: {  	v6 =	vmul.bf16 v6, v8;
	[tilespmem:$0x1FF30] =	vst v62;
	v62 =	vld.idx.msk [tilespmem:v17+s6+$0x2E0 ss:$0x1], $0xffff;
	v15 =	vmul.bf16 v48, v15  }
0x1eb: {  	v7 =	vmul.bf16 v12, v7;
	v4 =	vmul.bf16 v40, v4;
	v48 =	vld [tilespmem:$0x1FEE0]  }
0x1ec: {  	v0 =	vadd.bf16 v0, v6;
	v8 =	vmul.bf16 v60, v59;
	v61 =	vadd.bf16 v15, v14;
	v15 =	vld [tilespmem:$0x1FE90]  }
0x1ed: {  	v10 =	vadd.bf16 v11, v10;
	v60 =	vmul.bf16 v26, v24;
	v40 =	vmul.bf16 v42, v30;
	v54 =	vld [tilespmem:$0x1FF30]  }
0x1ee: {  	v42 =	vmul.bf16 v37, v35;
	v6 =	vmul.bf16 v46, v45;
	v52 =	vld [tilespmem:$0x1FF10];
	v3 =	vadd.bf16 v53, v3  }
0x1ef: {  	v13 =	vmul.bf16 v28, v13;
	v21 =	vunpack.i.l.bf16.f32 v10;
	v32 =	vmul.bf16 v32, v63;
	v53 =	vld [tilespmem:$0x1FF20]  }
0x1f0: {  	v59 =	vld.idx.msk [tilespmem:v16+s6+$0x3D0 ss:$0x1], $0xffff;
	v0 =	vadd.bf16 v6, v0;
	v3 =	vadd.bf16 v8, v3;
	v8 =	vmul.bf16 v48, v47  }
0x1f1: {  	v63 =	vmul.bf16 v31, v29;
	v13 =	vadd.bf16 v40, v13;
	v14 =	vld.idx.msk [tilespmem:v16+s6+$0x3B0 ss:$0x1], $0xffff;
	v15 =	vmul.bf16 v44, v15  }
0x1f2: {  	v1 =	vmul.bf16 v1, v33;
	v8 =	vadd.bf16 v32, v8;
	v32 =	vmul.bf16 v62, v54;
	v62 =	vld.idx.msk [tilespmem:v16+s6+$0x3E0 ss:$0x1], $0xffff  }
0x1f3: {  	v6 =	vmul.bf16 v51, v49;
	v49 =	vunpack.i.u.bf16.f32 v23;
	v11 =	vadd.bf16 v15, v61;
	v15 =	vld [tilespmem:$0x1FEF0]  }
0x1f4: {  	v51 =	vunpack.i.u.bf16.f32 v19;
	v1 =	vadd.bf16 v1, v13;
	v44 =	vmul.bf16 v53, v52;
	v61 =	vld.idx.msk [tilespmem:v17+s6+$0x3D0 ss:$0x1], $0xffff  }
0x1f5: {  	v47 =	vunpack.i.u.bf16.f32 v18;
	v8 =	vadd.bf16 v32, v8;
	v32 =	vmul.bf16 v34, v39;
	v34 =	vld.idx.msk [tilespmem:v17+s6+$0x3E0 ss:$0x1], $0xffff  }
0x1f6: {  	v48 =	vunpack.i.l.bf16.f32 v18;
	v0 =	vadd.bf16 v44, v0;
	v39 =	vld.idx.msk [tilespmem:v16+s6+$0x3F0 ss:$0x1], $0xffff;
	v44 =	vmul.bf16 v36, v14  }
0x1f7: {  	v22 =	vld.idx.msk [tilespmem:v16+s6+$0x300 ss:$0x1], $0xffff;
	v53 =	vunpack.i.u.bf16.f32 v25;
	v8 =	vadd.bf16 v20, v8;
	v20 =	vadd.bf16 v38, v32  }
0x1f8: {  	v27 =	vld.idx.msk [tilespmem:v17+s6+$0x300 ss:$0x1], $0xffff;
	v1 =	vadd.bf16 v44, v1;
	v30 =	vunpack.i.u.bf16.f32 v0;
	v0 =	vunpack.i.l.bf16.f32 v0  }
0x1f9: {  	v0 =	vadd.f32 v0, v30;
	v4 =	vadd.bf16 v4, v20;
	v20 =	vunpack.i.u.bf16.f32 v10  }
0x1fa: {  	v31 =	vunpack.i.u.bf16.f32 v8;
	v15 =	vmul.bf16 v50, v15;
	v24 =	vmul.bf16 v61, v59  }
0x1fb: {  	v43 =	vmul.bf16 v34, v62;
	v46 =	vmul.bf16 v41, v39;
	v50 =	vunpack.i.l.bf16.f32 v23  }
0x1fc: {  	v59 =	vunpack.i.u.bf16.f32 v5;
	v5 =	vunpack.i.l.bf16.f32 v5;
	v4 =	vadd.bf16 v7, v4  }
0x1fd: {  	v7 =	vadd.f32 v48, v47;
	v11 =	vadd.bf16 v15, v11;
	v15 =	vmul.bf16 v27, v22  }
0x1fe: {  	v61 =	vunpack.i.u.bf16.f32 v9;
	[tilespmem:$0x116C0] =	vst v0;
	v12 =	vadd.f32 v50, v49;
	v5 =	vadd.f32 v5, v59  }
0x1ff: {  	v9 =	vunpack.i.l.bf16.f32 v9;
	v6 =	vadd.bf16 v24, v6;
	[tilespmem:$0x11620] =	vst v7;
	v15 =	vadd.bf16 v60, v15  }
0x200: {  	v24 =	vunpack.i.u.bf16.f32 v3;
	v7 =	vadd.f32 v9, v61;
	[tilespmem:$0x11660] =	vst v5;
	v5 =	vadd.f32 v21, v20  }
0x201: {  	[tilespmem:$0x11630] =	vst v12;
	v39 =	vunpack.i.u.bf16.f32 v4;
	v4 =	vunpack.i.l.bf16.f32 v4;
	v15 =	vadd.bf16 v63, v15  }
0x202: {  	v40 =	vadd.f32 v4, v39;
	[tilespmem:$0x11670] =	vst v7;
	v63 =	vunpack.i.u.bf16.f32 v2;
	v2 =	vunpack.i.l.bf16.f32 v2  }
0x203: {  	[tilespmem:$0x11690] =	vst v5;
	v2 =	vadd.f32 v2, v63;
	v45 =	vadd.bf16 v42, v15;
	v15 =	vunpack.i.l.bf16.f32 v19  }
0x204: {  	v3 =	vunpack.i.l.bf16.f32 v3;
	v26 =	vunpack.i.u.bf16.f32 v11;
	[tilespmem:$0x116F0] =	vst v40;
	v52 =	vadd.f32 v15, v51  }
0x205: {  	v27 =	vunpack.i.l.bf16.f32 v11;
	v15 =	vunpack.i.l.bf16.f32 v25;
	[tilespmem:$0x11680] =	vst v2;
	v25 =	vadd.f32 v3, v24  }
0x206: {  	v32 =	vunpack.i.l.bf16.f32 v8;
	v41 =	vld [tilespmem:$0x1FF40];
	v6 =	vadd.bf16 v43, v6;
	v3 =	vadd.f32 v27, v26;
	[tilespmem:$0x11640] =	vst v52  }
0x207: {  	v38 =	vld [tilespmem:$0x1FF50];
	v42 =	vunpack.i.u.bf16.f32 v1;
	v1 =	vunpack.i.l.bf16.f32 v1;
	v2 =	vadd.f32 v32, v31;
	[tilespmem:$0x116A0] =	vst v25  }
0x208: {  	v6 =	vadd.bf16 v46, v6;
	v43 =	vadd.f32 v1, v42;
	[tilespmem:$0x116B0] =	vst v3  }
0x209: {  	v46 =	vld [tilespmem:$0x1FF60];
	v54 =	vadd.f32 v15, v53;
	v34 =	vunpack.i.u.bf16.f32 v45;
	v35 =	vunpack.i.l.bf16.f32 v45;
	[tilespmem:$0x116D0] =	vst v2  }
0x20a: {  	v44 =	vunpack.i.u.bf16.f32 v6;
	v45 =	vunpack.i.l.bf16.f32 v6;
	v37 =	vadd.f32 v35, v34;
	[tilespmem:$0x11700] =	vst v43  }
0x20b: {  	v29 =	vld [tilespmem:$0x1FF70];
	v1 =	vadd.f32 v45, v44;
	[tilespmem:$0x11650] =	vst v54  }
0x20c: {  	v33 =	vld [tilespmem:$0x1FF80];
	[tilespmem:$0x116E0] =	vst v37  }
0x20d: {  	v23 =	vld [tilespmem:$0x1FF90];
	[tilespmem:$0x11710] =	vst v1  }
0x20e: {  	v0 =	vld.idx.msk [tilespmem:v41+s31+$0x0], $0xffff  }
0x20f: {  	v1 =	vld.idx.msk [tilespmem:v38+s31+$0x0], $0xffff  }
0x210: {  	v22 =	vld [tilespmem:$0x1FFA0]  }
0x211: {  	v2 =	vld.idx.msk [tilespmem:v46+s31+$0x0], $0xffff  }
0x212: {  	v28 =	vld [tilespmem:$0x1FFB0]  }
0x213: {  	v47 =	vld.idx.msk [tilespmem:v29+s31+$0x0], $0xffff  }
0x214: {  	v62 =	vld [tilespmem:$0x1FFC0];
	v0 =	vadd.f32 v1, v0  }
0x215: {  	v48 =	vld.idx.msk [tilespmem:v33+s31+$0x0], $0xffff  }
0x216: {  	v36 =	vld [tilespmem:$0x1FFD0];
	v0 =	vadd.f32 v2, v0  }
0x217: {  	v49 =	vld.idx.msk [tilespmem:v23+s31+$0x0], $0xffff  }
0x218: {  	v60 =	vld [tilespmem:$0x1FFE0];
	v0 =	vadd.f32 v47, v0  }
0x219: {  	v50 =	vld.idx.msk [tilespmem:v22+s31+$0x0], $0xffff  }
0x21a: {  	v15 =	vld [tilespmem:$0x1FFF0];
	v0 =	vadd.f32 v48, v0  }
0x21b: {  	v51 =	vld.idx.msk [tilespmem:v28+s31+$0x0], $0xffff  }
0x21c: {  	v0 =	vadd.f32 v49, v0  }
0x21d: {  	v52 =	vld.idx.msk [tilespmem:v62+s31+$0x0], $0xffff  }
0x21e: {  	v0 =	vadd.f32 v50, v0  }
0x21f: {  	v53 =	vld.idx.msk [tilespmem:v36+s31+$0x0], $0xffff  }
0x220: {  	v0 =	vadd.f32 v51, v0  }
0x221: {  	v54 =	vld.idx.msk [tilespmem:v60+s31+$0x0], $0xffff  }
0x222: {  	v0 =	vadd.f32 v52, v0  }
0x223: {  	v59 =	vld.idx.msk [tilespmem:v15+s31+$0x0], $0xffff  }
0x224: {  	v0 =	vadd.f32 v53, v0  }
0x225: {  	v60 =	vld.idx.msk [tilespmem:v55+s31+$0x0], $0xffff  }
0x226: {  	v0 =	vadd.f32 v54, v0  }
0x227: {  	v61 =	vld.idx.msk [tilespmem:v56+s31+$0x0], $0xffff  }
0x228: {  	v0 =	vadd.f32 v59, v0  }
0x229: {  	v62 =	vld.idx.msk [tilespmem:v57+s31+$0x0], $0xffff  }
0x22a: {  	v0 =	vadd.f32 v60, v0  }
0x22b: {  	v63 =	vld.idx.msk [tilespmem:v58+s31+$0x0], $0xffff  }
0x22c: {  	v0 =	vadd.f32 v61, v0  }
0x22d: {  	p0 =	sne.s32 s18, $0x4000  }
.Ltmp4:
0x22e: {  	v0 =	vadd.f32 v62, v0;
	(pc) =	sbr.rel @p0 .LBB2_11-.Ltmp4, $3  }
0x22f: {  	_ = 	snop  }
0x230: {  	v0 =	vadd.f32 v63, v0;
	_ =	sdelay $0x1  }
0x231: {  	s18 =	sadd.s32 $0x1000, s18;
	[tilespmem:s29+$0x0] =	vst v0;
	s29 =	sadd.s32 $0x10, s29  }
0x232: {  	p0 =	sgt.u32 s25, $0x77  }
0x233: {  	s6 =	smul.u32 @!p0 $0x50, s25;
	_ =	sdelay $0x1  }
0x234: {  	s18 =	sadd.s32 @!p0 $0x4E20, s1;
	s8 =	simm.s32 @!p0 $0x50;
	s29 =	sadd.s32 @!p0 $0x190, s6  }
0x235: {  	[tilespmem:s18], [sflag:s30] =	stream.indirect.gather @!p0 [hbm4b:s13+s8], $0x40, s29, s8, $0xb8;
	[tilespmem:$0x1DA70] =	vst v63  }
0x236: {  	s1 =	sadd.s32 @!p0 $0xB220, s1;
	s25 =	sadd.s32 $0x1, s25;
	s6 =	sadd.s32 @!p0 $0x28A0, s6  }
0x237: {  	[tilespmem:s1], [sflag:s30] =	stream.indirect.gather @!p0 [hbm4b:s14+s8], $0x40, s6, s8, $0xb8;
	[tilespmem:$0x1DA70] =	vst v63  }
0x238: {  	p0 =	sne.s32 s25, $0x7D  }
.Ltmp5:
0x239: {  	_ = 	snop;
	(pc) =	sbr.rel @p0 .LBB2_10-.Ltmp5, $2  }
0x23a: {  	_ =	sdelay $0x2  }
0x23b: {  	s17 =	sadd.s32 $0x50, s17;
	s28 =	sadd.s32 $0x1400, s28;
	s26 =	sadd.s32 $0x1400, s26  }
0x23c: {  	s24 =	sadd.s32 $0x1, s24  }
0x23d: {  	p0 =	sne.s32 s24, s16  }
.Ltmp6:
0x23e: {  	s1 =	simm.s32 $0x11720;
	(pc) =	sbr.rel @p0 .LBB2_1-.Ltmp6, $4  }
0x23f: {  	[hbm4b:s15+s3] =	stream.linear.scatter [tilespmem:s1], [sflag:$0x9], $0x2710, $0x38;
	[tilespmem:$0x1DA70] =	vst v63  }
0x240: {  	_ =	swait.ge [sflag:s0], $0x2710  }
0x241: {  	[sflag:s0] =	ssyncset.done $0x0  }
0x242: {  	s8 =	simm.s32 $0x2710;
	s28 =	simm.s32 $0x13E30;
	[sflag:s0] =	ssyncadd.s32 $0xFFFFD8F0  }
0x243: {  	_ =	sfence.sel $0x180000  }
0x244: {  	[bflag:$0x0] =	sbarrier.arrive $0xFFFF  }
0x245: {  	_ =	strace $0x90000047  }
0x246: {  	s0 =	stileid.u32;
	[bflag:$0x2] =	sbarrier.arrive $0xFFFF  }
0x247: {  	p0 =	sne.s32 s0, $0x0;
	s0 =	rddreg [dreg:$0x6]  }
0x248: {  	s0 =	sadd.s32 @!p0 $0x100000, s0  }
0x249: {  	[sflag:s0] =	ssyncadd.tile.s32 @!p0 $0x1;
	_ =	shalt  }
.Lfunc_end2:
_tile_overlayer_lowered:
.L_overlay_start_2:
0x24a: {  	(tag) =	ssettag $0x2  }
0x24b: {  	s0 =	rddreg [dreg:$0x0];
	s2 =	stileid.u32  }
0x24c: {  	s1 =	rddreg [dreg:$0x1];
	p0 =	sne.s32 s2, $0x0  }
0x24d: {  	s3 =	rddreg [dreg:$0x2];
	[bflag:$0x3] =	sbarrier.arrive $0xFFFF;
	s2 =	simm.s32 @!p0 $0x1C09  }
0x24e: {  	[timem:s3], [sflag:s2] =	dma.local @!p0 [hbm:s0], s1  }
0x24f: {  	s0 =	simm.s32 @!p0 $0x9  }
0x250: {  	_ =	swait.ge @!p0 [sflag:s0], s1  }
0x251: {  	s1 =	ssub.s32 @!p0 $0x0, s1;
	[sflag:s0] =	ssyncset.done @!p0 $0x0  }
0x252: {  	[sflag:s0] =	ssyncadd.s32 @!p0 s1  }
0x253: {  	[bflag:$0x3] =	sbarrier.arrive $0xFFFF  }
0x254: {  	_ =	shalt  }

</sc_bundles>
